<compile_context>
chip_gen: v7x
topology: tpu7x:2x2x1
jax: 0.10.2.dev20260603
libtpu: 0.0.44.dev20260713+nightly
codegen_flags: <defaults>
</compile_context>

<pallas_src>
import jax
import jax.numpy as jnp
from jax import lax
from jax.experimental import pallas as pl
from jax.experimental.pallas import tpu as pltpu
from jax.experimental.pallas import tpu_sc as plsc

N = 10000
E = 320000
D_IN = 128
D_HID = 256
N_CLASSES = 41
CP = 48

NC = 2
NS = 16
NW = NC * NS

ROWS_PT = N // NS
RB = 2000

CHUNK = 128
EROWS = E // CHUNK
RPT = EROWS // NW
XTRA = EROWS - RPT * NW
NPAIR = RPT // 2


def _sc_agg(width, with_count, feat_resident=False):
  mesh = plsc.VectorSubcoreMesh(
      core_axis_name="c", subcore_axis_name="s", num_cores=NC, num_subcores=NS)

  out_type = [jax.ShapeDtypeStruct((NC, N, width), jnp.float32)]
  scratch = [
      pltpu.VMEM((4, CHUNK), jnp.int32),
      pltpu.VMEM((4, CHUNK), jnp.int32),
      pltpu.VMEM((CHUNK, width), jnp.float32),
      pltpu.VMEM((CHUNK, width), jnp.float32),
      pltpu.VMEM_SHARED((N, width), jnp.float32),
      pltpu.SemaphoreType.DMA,
      pltpu.SemaphoreType.DMA,
      pltpu.SemaphoreType.DMA,
  ]
  if with_count:
    out_type.append(jax.ShapeDtypeStruct((NC, N, 16), jnp.float32))
    scratch += [
        pltpu.VMEM((CHUNK, 16), jnp.float32),
        pltpu.VMEM((CHUNK, 16), jnp.float32),
        pltpu.VMEM_SHARED((N, 16), jnp.float32),
    ]
  if feat_resident:
    scratch.append(pltpu.VMEM_SHARED((N, width), jnp.float32))
  WL = width // 16

  def body(feat_hbm, edges_hbm, *rest):
    if with_count:
      (sum_hbm, cnt_hbm, sidx, didx, rows_a, rows_b, acc_sh, sem_a, sem_b,
       sem_i, ones_v, z16, cnt_sh) = rest
    elif feat_resident:
      (sum_hbm, sidx, didx, rows_a, rows_b, acc_sh, sem_a, sem_b,
       sem_i, feat_sh) = rest
    else:
      (sum_hbm, sidx, didx, rows_a, rows_b, acc_sh, sem_a, sem_b,
       sem_i) = rest
    feat_src = feat_sh if feat_resident else feat_hbm

    c = lax.axis_index("c")
    s = lax.axis_index("s")
    tile = c * NS + s
    base = tile * RPT
    has_extra = tile < XTRA

    def erow(j):
      return jnp.where(j == RPT, EROWS - XTRA + tile,
                       jnp.minimum(base + j, EROWS - 1))

    def idx_load(j, start):
      for ring, half in ((sidx, 0), (didx, 1)):
        cp = pltpu.make_async_copy(edges_hbm.at[half, erow(j)],
                                   ring.at[j % 4], sem_i)
        if start:
          cp.start()
        else:
          cp.wait()

    def scat(rows, slot):
      pltpu.sync_copy(rows, acc_sh.at[didx.at[slot]], add=True)
      if with_count:
        pltpu.sync_copy(ones_v, cnt_sh.at[didx.at[slot]], add=True)

    with jax.named_scope("agg_prologue"):
      def zrow(i, _):
        r = i // WL
        q = (i % WL) * 16
        rows_a[r, pl.ds(q, 16)] = jnp.zeros((16,), jnp.float32)
        return _
      lax.fori_loop(0, CHUNK * WL, zrow, None)
      if with_count:
        def f16(r, _):
          ones_v[r] = jnp.ones((16,), jnp.float32)
          z16[r] = jnp.zeros((16,), jnp.float32)
          return _
        lax.fori_loop(0, CHUNK, f16, None)

      row0 = s * ROWS_PT
      full, part = divmod(ROWS_PT, CHUNK)
      for k in range(full):
        pltpu.sync_copy(rows_a, acc_sh.at[pl.ds(row0 + k * CHUNK, CHUNK)])
        if with_count:
          pltpu.sync_copy(z16, cnt_sh.at[pl.ds(row0 + k * CHUNK, CHUNK)])
      if part:
        pltpu.sync_copy(rows_a.at[pl.ds(0, part)],
                        acc_sh.at[pl.ds(row0 + full * CHUNK, part)])
        if with_count:
          pltpu.sync_copy(z16.at[pl.ds(0, part)],
                          cnt_sh.at[pl.ds(row0 + full * CHUNK, part)])

      if feat_resident:
        pltpu.sync_copy(feat_hbm.at[pl.ds(row0, ROWS_PT)],
                        feat_sh.at[pl.ds(row0, ROWS_PT)])

      for j in range(3):
        pltpu.sync_copy(edges_hbm.at[0, erow(j)], sidx.at[j])
        pltpu.sync_copy(edges_hbm.at[1, erow(j)], didx.at[j])
      plsc.subcore_barrier()

    with jax.named_scope("agg_edges"):
      pltpu.async_copy(feat_src.at[sidx.at[0]], rows_a, sem_a)

      def pair(i, _):
        j0 = 2 * i
        s0 = j0 % 4
        s1 = (j0 + 1) % 4

        @pl.when(i > 0)
        def _():
          idx_load(j0 + 1, start=False)
          idx_load(j0 + 2, start=False)

        pltpu.async_copy(feat_src.at[sidx.at[s1]], rows_b, sem_b)
        pltpu.make_async_copy(feat_src.at[sidx.at[s0]], rows_a, sem_a).wait()
        scat(rows_a, s0)

        idx_load(j0 + 3, start=True)
        idx_load(j0 + 4, start=True)

        @pl.when((i < NPAIR - 1) | has_extra)
        def _():
          pltpu.async_copy(feat_src.at[sidx.at[(j0 + 2) % 4]], rows_a, sem_a)

        pltpu.make_async_copy(feat_src.at[sidx.at[s1]], rows_b, sem_b).wait()
        scat(rows_b, s1)
        return _
      lax.fori_loop(0, NPAIR, pair, None)

      idx_load(2 * NPAIR + 1, start=False)
      idx_load(2 * NPAIR + 2, start=False)

      @pl.when(has_extra)
      def _():
        pltpu.make_async_copy(feat_src.at[sidx.at[RPT % 4]], rows_a,
                              sem_a).wait()
        scat(rows_a, RPT % 4)
      plsc.subcore_barrier()

    with jax.named_scope("agg_writeback"):
      pltpu.sync_copy(acc_sh.at[pl.ds(row0, ROWS_PT)],
                      sum_hbm.at[c, pl.ds(row0, ROWS_PT)])
      if with_count:
        pltpu.sync_copy(cnt_sh.at[pl.ds(row0, ROWS_PT)],
                        cnt_hbm.at[c, pl.ds(row0, ROWS_PT)])

  return pl.kernel(
      body, out_type=out_type, mesh=mesh, scratch_types=scratch,
      compiler_params=pltpu.CompilerParams(use_tc_tiling_on_sc=False))


_sc_agg_feat = _sc_agg(D_IN, with_count=True)
_sc_agg_proj = _sc_agg(CP, with_count=False, feat_resident=True)


def _tc_fused(x, sums, cnts, ws1, wn1, b1, ws2, wn2, b2):
  def body(x_r, s0_r, s1_r, c0_r, c1_r, ws1_r, wn1_r, b1_r, ws2_r, wn2_r,
           b2_r, p_r, s_r):
    deg = c0_r[0][:, 0:1] + c1_r[0][:, 0:1]
    dinv = 1.0 / jnp.maximum(deg, 1.0)
    a = (s0_r[0] + s1_r[0]) * dinv
    h = (jnp.dot(x_r[...], ws1_r[...], preferred_element_type=jnp.float32)
         + jnp.dot(a, wn1_r[...], preferred_element_type=jnp.float32)
         + b1_r[...])
    h = jnp.maximum(h, 0.0)
    p_r[...] = jnp.dot(h, wn2_r[...], preferred_element_type=jnp.float32)
    s_r[...] = (jnp.dot(h, ws2_r[...], preferred_element_type=jnp.float32)
                + b2_r[...])

  row = lambda i: (i, 0)
  fix = lambda i: (0, 0)
  core0 = lambda i: (0, i, 0)
  core1 = lambda i: (1, i, 0)
  return pl.pallas_call(
      body,
      grid=(N // RB,),
      in_specs=[
          pl.BlockSpec((RB, D_IN), row),
          pl.BlockSpec((1, RB, D_IN), core0),
          pl.BlockSpec((1, RB, D_IN), core1),
          pl.BlockSpec((1, RB, 16), core0),
          pl.BlockSpec((1, RB, 16), core1),
          pl.BlockSpec((D_IN, D_HID), fix),
          pl.BlockSpec((D_IN, D_HID), fix),
          pl.BlockSpec((1, D_HID), fix),
          pl.BlockSpec((D_HID, CP), fix),
          pl.BlockSpec((D_HID, CP), fix),
          pl.BlockSpec((1, CP), fix),
      ],
      out_specs=[pl.BlockSpec((RB, CP), row), pl.BlockSpec((RB, CP), row)],
      out_shape=[jax.ShapeDtypeStruct((N, CP), jnp.float32)] * 2,
  )(x, sums, sums, cnts, cnts, ws1, wn1, b1, ws2, wn2, b2)


def _tc_final(svec, sums2, cnts):
  def body(s_r, a0_r, a1_r, c0_r, c1_r, o_r):
    deg = c0_r[0][:, 0:1] + c1_r[0][:, 0:1]
    dinv = 1.0 / jnp.maximum(deg, 1.0)
    o_r[...] = (s_r[...] + (a0_r[0] + a1_r[0]) * dinv)[:, :N_CLASSES]

  row = lambda i: (i, 0)
  core0 = lambda i: (0, i, 0)
  core1 = lambda i: (1, i, 0)
  return pl.pallas_call(
      body,
      grid=(N // RB,),
      in_specs=[
          pl.BlockSpec((RB, CP), row),
          pl.BlockSpec((1, RB, CP), core0),
          pl.BlockSpec((1, RB, CP), core1),
          pl.BlockSpec((1, RB, 16), core0),
          pl.BlockSpec((1, RB, 16), core1),
      ],
      out_specs=pl.BlockSpec((RB, N_CLASSES), row),
      out_shape=jax.ShapeDtypeStruct((N, N_CLASSES), jnp.float32),
  )(svec, sums2, sums2, cnts, cnts)


@jax.jit
def kernel(x, edge_index, W_self1, W_neigh1, b1, W_self2, W_neigh2, b2):
  edges = edge_index.reshape(2, EROWS, CHUNK)
  ws2 = jnp.pad(W_self2, ((0, 0), (0, CP - N_CLASSES)))
  wn2 = jnp.pad(W_neigh2, ((0, 0), (0, CP - N_CLASSES)))
  b2p = jnp.pad(b2, (0, CP - N_CLASSES)).reshape(1, CP)

  sums, cnts = _sc_agg_feat(x, edges)
  p, svec = _tc_fused(x, sums, cnts,
                      W_self1, W_neigh1, b1.reshape(1, D_HID), ws2, wn2, b2p)
  sums2 = _sc_agg_proj(p, edges)
  return _tc_final(svec, sums2[0], cnts)

# --- scband reference (transcript-rebuilt; emitter-appended) ---
"""Pipeline reference for scband-graph-sage-1872605741715 (READ-ONLY COPY).

The authoritative reference and input builder live on the scoring server;
editing this copy changes nothing except your own understanding.
"""

import jax, jax.numpy as jnp
import numpy as np

N = 10000
E = 320000
D_IN = 128
D_HID = 256
N_CLASSES = 41


def setup_inputs(seed: int = 0):
    key = jax.random.key(seed)
    ks = jax.random.split(key, 8)
    x = jax.random.normal(ks[0], (N, D_IN), dtype=jnp.float32)
    edge_index = jax.random.randint(ks[1], (2, E), 0, N, dtype=jnp.int32)
    W_self1 = jax.random.normal(ks[2], (D_IN, D_HID), dtype=jnp.float32) * (1.0 / np.sqrt(D_IN))
    W_neigh1 = jax.random.normal(ks[3], (D_IN, D_HID), dtype=jnp.float32) * (1.0 / np.sqrt(D_IN))
    b1 = jnp.zeros((D_HID,), dtype=jnp.float32)
    W_self2 = jax.random.normal(ks[4], (D_HID, N_CLASSES), dtype=jnp.float32) * (1.0 / np.sqrt(D_HID))
    W_neigh2 = jax.random.normal(ks[5], (D_HID, N_CLASSES), dtype=jnp.float32) * (1.0 / np.sqrt(D_HID))
    b2 = jnp.zeros((N_CLASSES,), dtype=jnp.float32)
    return {"x": x, "edge_index": edge_index, "W_self1": W_self1, "W_neigh1": W_neigh1,
            "b1": b1, "W_self2": W_self2, "W_neigh2": W_neigh2, "b2": b2}


def _sage_mean_layer(h, src, dst, W_self, W_neigh, b, act):
    # gather source-node features along edges (SparseCore gather)
    msg = jnp.take(h, src, axis=0)
    # scatter-add aggregation per destination node (SparseCore scatter-add)
    agg = jax.ops.segment_sum(msg, dst, num_segments=N)
    deg = jax.ops.segment_sum(jnp.ones((src.shape[0],), dtype=h.dtype), dst, num_segments=N)
    agg = agg / jnp.maximum(deg, 1.0)[:, None]
    out = h @ W_self + agg @ W_neigh + b
    if act:
        out = jax.nn.relu(out)
    return out


def reference(x, edge_index, W_self1, W_neigh1, b1, W_self2, W_neigh2, b2):
    src = edge_index[0]
    dst = edge_index[1]
    h = _sage_mean_layer(x, src, dst, W_self1, W_neigh1, b1, act=True)
    # dropout omitted (eval mode / deterministic reference)
    h = _sage_mean_layer(h, src, dst, W_self2, W_neigh2, b2, act=False)
    return h

if __name__ == "__main__":
    import jax
    _d = setup_inputs()
    print(jax.jit(kernel)(*tuple(_d.values())))

</pallas_src>

<mosaic_0001>
#map = affine_map<(d0, d1) -> (0, 0)>
#map1 = affine_map<(d0, d1) -> (0, 0, 0)>
module attributes {stable_mosaic.version = 14 : i64} {
  func.func @body(%arg0: i32, %arg1: i32, %arg2: memref<10000x128xf32, #tpu.memory_space<hbm>>, %arg3: memref<2x2500x128xi32, #tpu.memory_space<hbm>>, %arg4: memref<2x10000x128xf32, #tpu.memory_space<hbm>>, %arg5: memref<2x10000x16xf32, #tpu.memory_space<hbm>>, %arg6: memref<4x128xi32, #tpu.memory_space<vmem>>, %arg7: memref<4x128xi32, #tpu.memory_space<vmem>>, %arg8: memref<128x128xf32, #tpu.memory_space<vmem>>, %arg9: memref<128x128xf32, #tpu.memory_space<vmem>>, %arg10: memref<10000x128xf32, #tpu.memory_space<vmem_shared>>, %arg11: memref<!tpu.dma_semaphore, #tpu.memory_space<semaphore_mem>>, %arg12: memref<!tpu.dma_semaphore, #tpu.memory_space<semaphore_mem>>, %arg13: memref<!tpu.dma_semaphore, #tpu.memory_space<semaphore_mem>>, %arg14: memref<128x16xf32, #tpu.memory_space<vmem>>, %arg15: memref<128x16xf32, #tpu.memory_space<vmem>>, %arg16: memref<10000x16xf32, #tpu.memory_space<vmem_shared>>) attributes {dimension_semantics = [#tpu.dimension_semantics<core_parallel>, #tpu.dimension_semantics<subcore_parallel>], iteration_bounds = array<i64: 2, 16>, scalar_prefetch = 0 : i64, scratch_operands = 11 : i64, tpu.core_type = #tpu.core_type<sc_vector_subcore>, window_params = [{transform_indices = #map}, {transform_indices = #map1}, {transform_indices = #map1}, {transform_indices = #map1}]} {
    %mul3A = arith.constant 16 : i32
    %mul3A_0 = arith.muli %arg0, %mul3A : i32
    %add3A = arith.addi %mul3A_0, %arg1 : i32
    %mul3A_1 = arith.constant 78 : i32
    %mul3A_2 = arith.muli %add3A, %mul3A_1 : i32
    %lt3A = arith.constant 4 : i32
    %lt3A_3 = arith.cmpi slt, %add3A, %lt3A : i32
    "tpu.trace_start"() <{level = 10 : i32, message = "agg_prologue"}> : () -> ()
    %scan3A = arith.constant 0 : i32
    %scan3A_4 = arith.constant 1024 : i32
    %scan3A_5 = arith.addi %scan3A, %scan3A_4 : i32
    %scan3A_6 = arith.constant 1 : i32
    scf.for %scan3A_191 = %scan3A to %scan3A_5 step %scan3A_6  : i32 {
      %jit3A_192 = arith.constant 8 : i32
      %div3A = arith.divsi %scan3A_191, %jit3A_192 : i32
      %sign3A = arith.constant 0 : i32
      %sign3A_193 = arith.cmpi sgt, %scan3A_191, %sign3A : i32
      %sign3A_194 = arith.extui %sign3A_193 : i1 to i32
      %sign3A_195 = arith.constant 0 : i32
      %sign3A_196 = arith.cmpi slt, %scan3A_191, %sign3A_195 : i32
      %sign3A_197 = arith.extui %sign3A_196 : i1 to i32
      %sign3A_198 = arith.subi %sign3A_194, %sign3A_197 : i32
      %sign3A_199 = arith.constant 0 : i32
      %sign3A_200 = arith.cmpi sgt, %jit3A_192, %sign3A_199 : i32
      %sign3A_201 = arith.extui %sign3A_200 : i1 to i32
      %sign3A_202 = arith.constant 0 : i32
      %sign3A_203 = arith.cmpi slt, %jit3A_192, %sign3A_202 : i32
      %sign3A_204 = arith.extui %sign3A_203 : i1 to i32
      %sign3A_205 = arith.subi %sign3A_201, %sign3A_204 : i32
      %ne3A = arith.cmpi ne, %sign3A_198, %sign3A_205 : i32
      %rem3A = arith.remsi %scan3A_191, %jit3A_192 : i32
      %ne3A_206 = arith.constant 0 : i32
      %ne3A_207 = arith.cmpi ne, %rem3A, %ne3A_206 : i32
      %and3A = arith.andi %ne3A, %ne3A_207 : i1
      %sub3A = arith.constant 1 : i32
      %sub3A_208 = arith.subi %div3A, %sub3A : i32
      %select_n3A_209 = arith.select %and3A, %sub3A_208, %div3A : i32
      %jit3A_210 = arith.constant 8 : i32
      %eq3A = arith.constant 0 : i32
      %eq3A_211 = arith.cmpi eq, %jit3A_210, %eq3A : i32
      %jit3A_212 = arith.constant 1 : i32
      %select_n3A_213 = arith.select %eq3A_211, %jit3A_212, %jit3A_210 : i32
      %rem3A_214 = arith.remsi %scan3A_191, %select_n3A_213 : i32
      %ne3A_215 = arith.constant 0 : i32
      %ne3A_216 = arith.cmpi ne, %rem3A_214, %ne3A_215 : i32
      %lt3A_217 = arith.constant 0 : i32
      %lt3A_218 = arith.cmpi slt, %rem3A_214, %lt3A_217 : i32
      %lt3A_219 = arith.constant 0 : i32
      %lt3A_220 = arith.cmpi slt, %select_n3A_213, %lt3A_219 : i32
      %ne3A_221 = arith.xori %lt3A_218, %lt3A_220 : i1
      %and3A_222 = arith.andi %ne3A_221, %ne3A_216 : i1
      %add3A_223 = arith.addi %rem3A_214, %select_n3A_213 : i32
      %select_n3A_224 = arith.select %and3A_222, %add3A_223, %rem3A_214 : i32
      %mul3A_225 = arith.constant 16 : i32
      %mul3A_226 = arith.muli %select_n3A_224, %mul3A_225 : i32
      %broadcast_in_dim3A = arith.constant 0.000000e+00 : f32
      %broadcast_in_dim3A_227 = vector.broadcast %broadcast_in_dim3A : f32 to vector<16xf32>
      %swap3A = arith.index_cast %select_n3A_209 : i32 to index
      %swap3A_228 = arith.index_cast %mul3A_226 : i32 to index
      %swap3A_229 = tpu.vector_load %arg8[%swap3A, %swap3A_228] {strides = array<i32>} : memref<128x128xf32, #tpu.memory_space<vmem>>, vector<1x16xf32>,
      %swap3A_230 = vector.shape_cast %swap3A_229 : vector<1x16xf32> to vector<16xf32>
      %swap3A_231 = vector.shape_cast %broadcast_in_dim3A_227 : vector<16xf32> to vector<1x16xf32>
      tpu.vector_store %arg8[%swap3A, %swap3A_228], %swap3A_231 {strides = array<i32>} : memref<128x128xf32, #tpu.memory_space<vmem>>, vector<1x16xf32>,
    }
    %scan3A_7 = arith.constant 1024 : i32
    %scan3A_8 = arith.constant 0 : i32
    %scan3A_9 = arith.constant 128 : i32
    %scan3A_10 = arith.addi %scan3A_8, %scan3A_9 : i32
    %scan3A_11 = arith.constant 1 : i32
    scf.for %scan3A_191 = %scan3A_8 to %scan3A_10 step %scan3A_11  : i32 {
      %broadcast_in_dim3A = arith.constant 1.000000e+00 : f32
      %broadcast_in_dim3A_192 = vector.broadcast %broadcast_in_dim3A : f32 to vector<16xf32>
      %swap3A = arith.index_cast %scan3A_191 : i32 to index
      %swap3A_193 = arith.constant 0 : index
      %swap3A_194 = tpu.vector_load %arg14[%swap3A, %swap3A_193] {strides = array<i32>} : memref<128x16xf32, #tpu.memory_space<vmem>>, vector<1x16xf32>,
      %swap3A_195 = vector.shape_cast %swap3A_194 : vector<1x16xf32> to vector<16xf32>
      %swap3A_196 = vector.shape_cast %broadcast_in_dim3A_192 : vector<16xf32> to vector<1x16xf32>
      tpu.vector_store %arg14[%swap3A, %swap3A_193], %swap3A_196 {strides = array<i32>} : memref<128x16xf32, #tpu.memory_space<vmem>>, vector<1x16xf32>,
      %broadcast_in_dim3A_197 = arith.constant 0.000000e+00 : f32
      %broadcast_in_dim3A_198 = vector.broadcast %broadcast_in_dim3A_197 : f32 to vector<16xf32>
      %swap3A_199 = arith.index_cast %scan3A_191 : i32 to index
      %swap3A_200 = arith.constant 0 : index
      %swap3A_201 = tpu.vector_load %arg15[%swap3A_199, %swap3A_200] {strides = array<i32>} : memref<128x16xf32, #tpu.memory_space<vmem>>, vector<1x16xf32>,
      %swap3A_202 = vector.shape_cast %swap3A_201 : vector<1x16xf32> to vector<16xf32>
      %swap3A_203 = vector.shape_cast %broadcast_in_dim3A_198 : vector<16xf32> to vector<1x16xf32>
      tpu.vector_store %arg15[%swap3A_199, %swap3A_200], %swap3A_203 {strides = array<i32>} : memref<128x16xf32, #tpu.memory_space<vmem>>, vector<1x16xf32>,
    }
    %scan3A_12 = arith.constant 128 : i32
    %mul3A_13 = arith.constant 625 : i32
    %mul3A_14 = arith.muli %arg1, %mul3A_13 : i32
    %add3A_15 = arith.constant 0 : i32
    %add3A_16 = arith.addi %mul3A_14, %add3A_15 : i32
    "tpu.region"() ({
      %run_scoped3A_191 = tpu.sem_alloc : memref<!tpu.dma_semaphore, #tpu.memory_space<semaphore_mem>>
      %dma_start3A_192 = arith.constant 0 : i32
      %dma_start3A_193 = tpu.memref_slice %arg10[%add3A_16, %dma_start3A_192] : memref<10000x128xf32, #tpu.memory_space<vmem_shared>> -> memref<128x128xf32, #tpu.memory_space<vmem_shared>>
      %dma_start3A_194 = arith.constant 0 : i32
      %dma_start3A_195 = tpu.memref_slice %arg10[%add3A_16, %dma_start3A_194] : memref<10000x128xf32, #tpu.memory_space<vmem_shared>> -> memref<128x128xf32, #tpu.memory_space<vmem_shared>>
      tpu.enqueue_dma source(%arg8 : memref<128x128xf32, #tpu.memory_space<vmem>>) target(%dma_start3A_195 : memref<128x128xf32, #tpu.memory_space<vmem_shared>>) target_semaphore(%run_scoped3A_191 : memref<!tpu.dma_semaphore, #tpu.memory_space<semaphore_mem>>)
      %dma_wait3A_196 = arith.constant 0 : i32
      %dma_wait3A_197 = tpu.memref_slice %arg10[%add3A_16, %dma_wait3A_196] : memref<10000x128xf32, #tpu.memory_space<vmem_shared>> -> memref<128x128xf32, #tpu.memory_space<vmem_shared>>
      %dma_wait3A_198 = arith.constant 0 : i32
      %dma_wait3A_199 = tpu.memref_slice %arg10[%add3A_16, %dma_wait3A_198] : memref<10000x128xf32, #tpu.memory_space<vmem_shared>> -> memref<128x128xf32, #tpu.memory_space<vmem_shared>>
      tpu.wait_dma2 semaphore(%run_scoped3A_191 : memref<!tpu.dma_semaphore, #tpu.memory_space<semaphore_mem>>) src(%arg8 : memref<128x128xf32, #tpu.memory_space<vmem>>) dst(%dma_wait3A_199 : memref<128x128xf32, #tpu.memory_space<vmem_shared>>)
      tpu.yield
    }) : () -> ()
    %add3A_17 = arith.constant 0 : i32
    %add3A_18 = arith.addi %mul3A_14, %add3A_17 : i32
    "tpu.region"() ({
      %run_scoped3A_191 = tpu.sem_alloc : memref<!tpu.dma_semaphore, #tpu.memory_space<semaphore_mem>>
      %dma_start3A_192 = arith.constant 0 : i32
      %dma_start3A_193 = tpu.memref_slice %arg16[%add3A_18, %dma_start3A_192] : memref<10000x16xf32, #tpu.memory_space<vmem_shared>> -> memref<128x16xf32, #tpu.memory_space<vmem_shared>>
      %dma_start3A_194 = arith.constant 0 : i32
      %dma_start3A_195 = tpu.memref_slice %arg16[%add3A_18, %dma_start3A_194] : memref<10000x16xf32, #tpu.memory_space<vmem_shared>> -> memref<128x16xf32, #tpu.memory_space<vmem_shared>>
      tpu.enqueue_dma source(%arg15 : memref<128x16xf32, #tpu.memory_space<vmem>>) target(%dma_start3A_195 : memref<128x16xf32, #tpu.memory_space<vmem_shared>>) target_semaphore(%run_scoped3A_191 : memref<!tpu.dma_semaphore, #tpu.memory_space<semaphore_mem>>)
      %dma_wait3A_196 = arith.constant 0 : i32
      %dma_wait3A_197 = tpu.memref_slice %arg16[%add3A_18, %dma_wait3A_196] : memref<10000x16xf32, #tpu.memory_space<vmem_shared>> -> memref<128x16xf32, #tpu.memory_space<vmem_shared>>
      %dma_wait3A_198 = arith.constant 0 : i32
      %dma_wait3A_199 = tpu.memref_slice %arg16[%add3A_18, %dma_wait3A_198] : memref<10000x16xf32, #tpu.memory_space<vmem_shared>> -> memref<128x16xf32, #tpu.memory_space<vmem_shared>>
      tpu.wait_dma2 semaphore(%run_scoped3A_191 : memref<!tpu.dma_semaphore, #tpu.memory_space<semaphore_mem>>) src(%arg15 : memref<128x16xf32, #tpu.memory_space<vmem>>) dst(%dma_wait3A_199 : memref<128x16xf32, #tpu.memory_space<vmem_shared>>)
      tpu.yield
    }) : () -> ()
    %add3A_19 = arith.constant 128 : i32
    %add3A_20 = arith.addi %mul3A_14, %add3A_19 : i32
    "tpu.region"() ({
      %run_scoped3A_191 = tpu.sem_alloc : memref<!tpu.dma_semaphore, #tpu.memory_space<semaphore_mem>>
      %dma_start3A_192 = arith.constant 0 : i32
      %dma_start3A_193 = tpu.memref_slice %arg10[%add3A_20, %dma_start3A_192] : memref<10000x128xf32, #tpu.memory_space<vmem_shared>> -> memref<128x128xf32, #tpu.memory_space<vmem_shared>>
      %dma_start3A_194 = arith.constant 0 : i32
      %dma_start3A_195 = tpu.memref_slice %arg10[%add3A_20, %dma_start3A_194] : memref<10000x128xf32, #tpu.memory_space<vmem_shared>> -> memref<128x128xf32, #tpu.memory_space<vmem_shared>>
      tpu.enqueue_dma source(%arg8 : memref<128x128xf32, #tpu.memory_space<vmem>>) target(%dma_start3A_195 : memref<128x128xf32, #tpu.memory_space<vmem_shared>>) target_semaphore(%run_scoped3A_191 : memref<!tpu.dma_semaphore, #tpu.memory_space<semaphore_mem>>)
      %dma_wait3A_196 = arith.constant 0 : i32
      %dma_wait3A_197 = tpu.memref_slice %arg10[%add3A_20, %dma_wait3A_196] : memref<10000x128xf32, #tpu.memory_space<vmem_shared>> -> memref<128x128xf32, #tpu.memory_space<vmem_shared>>
      %dma_wait3A_198 = arith.constant 0 : i32
      %dma_wait3A_199 = tpu.memref_slice %arg10[%add3A_20, %dma_wait3A_198] : memref<10000x128xf32, #tpu.memory_space<vmem_shared>> -> memref<128x128xf32, #tpu.memory_space<vmem_shared>>
      tpu.wait_dma2 semaphore(%run_scoped3A_191 : memref<!tpu.dma_semaphore, #tpu.memory_space<semaphore_mem>>) src(%arg8 : memref<128x128xf32, #tpu.memory_space<vmem>>) dst(%dma_wait3A_199 : memref<128x128xf32, #tpu.memory_space<vmem_shared>>)
      tpu.yield
    }) : () -> ()
    %add3A_21 = arith.constant 128 : i32
    %add3A_22 = arith.addi %mul3A_14, %add3A_21 : i32
    "tpu.region"() ({
      %run_scoped3A_191 = tpu.sem_alloc : memref<!tpu.dma_semaphore, #tpu.memory_space<semaphore_mem>>
      %dma_start3A_192 = arith.constant 0 : i32
      %dma_start3A_193 = tpu.memref_slice %arg16[%add3A_22, %dma_start3A_192] : memref<10000x16xf32, #tpu.memory_space<vmem_shared>> -> memref<128x16xf32, #tpu.memory_space<vmem_shared>>
      %dma_start3A_194 = arith.constant 0 : i32
      %dma_start3A_195 = tpu.memref_slice %arg16[%add3A_22, %dma_start3A_194] : memref<10000x16xf32, #tpu.memory_space<vmem_shared>> -> memref<128x16xf32, #tpu.memory_space<vmem_shared>>
      tpu.enqueue_dma source(%arg15 : memref<128x16xf32, #tpu.memory_space<vmem>>) target(%dma_start3A_195 : memref<128x16xf32, #tpu.memory_space<vmem_shared>>) target_semaphore(%run_scoped3A_191 : memref<!tpu.dma_semaphore, #tpu.memory_space<semaphore_mem>>)
      %dma_wait3A_196 = arith.constant 0 : i32
      %dma_wait3A_197 = tpu.memref_slice %arg16[%add3A_22, %dma_wait3A_196] : memref<10000x16xf32, #tpu.memory_space<vmem_shared>> -> memref<128x16xf32, #tpu.memory_space<vmem_shared>>
      %dma_wait3A_198 = arith.constant 0 : i32
      %dma_wait3A_199 = tpu.memref_slice %arg16[%add3A_22, %dma_wait3A_198] : memref<10000x16xf32, #tpu.memory_space<vmem_shared>> -> memref<128x16xf32, #tpu.memory_space<vmem_shared>>
      tpu.wait_dma2 semaphore(%run_scoped3A_191 : memref<!tpu.dma_semaphore, #tpu.memory_space<semaphore_mem>>) src(%arg15 : memref<128x16xf32, #tpu.memory_space<vmem>>) dst(%dma_wait3A_199 : memref<128x16xf32, #tpu.memory_space<vmem_shared>>)
      tpu.yield
    }) : () -> ()
    %add3A_23 = arith.constant 256 : i32
    %add3A_24 = arith.addi %mul3A_14, %add3A_23 : i32
    "tpu.region"() ({
      %run_scoped3A_191 = tpu.sem_alloc : memref<!tpu.dma_semaphore, #tpu.memory_space<semaphore_mem>>
      %dma_start3A_192 = arith.constant 0 : i32
      %dma_start3A_193 = tpu.memref_slice %arg10[%add3A_24, %dma_start3A_192] : memref<10000x128xf32, #tpu.memory_space<vmem_shared>> -> memref<128x128xf32, #tpu.memory_space<vmem_shared>>
      %dma_start3A_194 = arith.constant 0 : i32
      %dma_start3A_195 = tpu.memref_slice %arg10[%add3A_24, %dma_start3A_194] : memref<10000x128xf32, #tpu.memory_space<vmem_shared>> -> memref<128x128xf32, #tpu.memory_space<vmem_shared>>
      tpu.enqueue_dma source(%arg8 : memref<128x128xf32, #tpu.memory_space<vmem>>) target(%dma_start3A_195 : memref<128x128xf32, #tpu.memory_space<vmem_shared>>) target_semaphore(%run_scoped3A_191 : memref<!tpu.dma_semaphore, #tpu.memory_space<semaphore_mem>>)
      %dma_wait3A_196 = arith.constant 0 : i32
      %dma_wait3A_197 = tpu.memref_slice %arg10[%add3A_24, %dma_wait3A_196] : memref<10000x128xf32, #tpu.memory_space<vmem_shared>> -> memref<128x128xf32, #tpu.memory_space<vmem_shared>>
      %dma_wait3A_198 = arith.constant 0 : i32
      %dma_wait3A_199 = tpu.memref_slice %arg10[%add3A_24, %dma_wait3A_198] : memref<10000x128xf32, #tpu.memory_space<vmem_shared>> -> memref<128x128xf32, #tpu.memory_space<vmem_shared>>
      tpu.wait_dma2 semaphore(%run_scoped3A_191 : memref<!tpu.dma_semaphore, #tpu.memory_space<semaphore_mem>>) src(%arg8 : memref<128x128xf32, #tpu.memory_space<vmem>>) dst(%dma_wait3A_199 : memref<128x128xf32, #tpu.memory_space<vmem_shared>>)
      tpu.yield
    }) : () -> ()
    %add3A_25 = arith.constant 256 : i32
    %add3A_26 = arith.addi %mul3A_14, %add3A_25 : i32
    "tpu.region"() ({
      %run_scoped3A_191 = tpu.sem_alloc : memref<!tpu.dma_semaphore, #tpu.memory_space<semaphore_mem>>
      %dma_start3A_192 = arith.constant 0 : i32
      %dma_start3A_193 = tpu.memref_slice %arg16[%add3A_26, %dma_start3A_192] : memref<10000x16xf32, #tpu.memory_space<vmem_shared>> -> memref<128x16xf32, #tpu.memory_space<vmem_shared>>
      %dma_start3A_194 = arith.constant 0 : i32
      %dma_start3A_195 = tpu.memref_slice %arg16[%add3A_26, %dma_start3A_194] : memref<10000x16xf32, #tpu.memory_space<vmem_shared>> -> memref<128x16xf32, #tpu.memory_space<vmem_shared>>
      tpu.enqueue_dma source(%arg15 : memref<128x16xf32, #tpu.memory_space<vmem>>) target(%dma_start3A_195 : memref<128x16xf32, #tpu.memory_space<vmem_shared>>) target_semaphore(%run_scoped3A_191 : memref<!tpu.dma_semaphore, #tpu.memory_space<semaphore_mem>>)
      %dma_wait3A_196 = arith.constant 0 : i32
      %dma_wait3A_197 = tpu.memref_slice %arg16[%add3A_26, %dma_wait3A_196] : memref<10000x16xf32, #tpu.memory_space<vmem_shared>> -> memref<128x16xf32, #tpu.memory_space<vmem_shared>>
      %dma_wait3A_198 = arith.constant 0 : i32
      %dma_wait3A_199 = tpu.memref_slice %arg16[%add3A_26, %dma_wait3A_198] : memref<10000x16xf32, #tpu.memory_space<vmem_shared>> -> memref<128x16xf32, #tpu.memory_space<vmem_shared>>
      tpu.wait_dma2 semaphore(%run_scoped3A_191 : memref<!tpu.dma_semaphore, #tpu.memory_space<semaphore_mem>>) src(%arg15 : memref<128x16xf32, #tpu.memory_space<vmem>>) dst(%dma_wait3A_199 : memref<128x16xf32, #tpu.memory_space<vmem_shared>>)
      tpu.yield
    }) : () -> ()
    %add3A_27 = arith.constant 384 : i32
    %add3A_28 = arith.addi %mul3A_14, %add3A_27 : i32
    "tpu.region"() ({
      %run_scoped3A_191 = tpu.sem_alloc : memref<!tpu.dma_semaphore, #tpu.memory_space<semaphore_mem>>
      %dma_start3A_192 = arith.constant 0 : i32
      %dma_start3A_193 = tpu.memref_slice %arg10[%add3A_28, %dma_start3A_192] : memref<10000x128xf32, #tpu.memory_space<vmem_shared>> -> memref<128x128xf32, #tpu.memory_space<vmem_shared>>
      %dma_start3A_194 = arith.constant 0 : i32
      %dma_start3A_195 = tpu.memref_slice %arg10[%add3A_28, %dma_start3A_194] : memref<10000x128xf32, #tpu.memory_space<vmem_shared>> -> memref<128x128xf32, #tpu.memory_space<vmem_shared>>
      tpu.enqueue_dma source(%arg8 : memref<128x128xf32, #tpu.memory_space<vmem>>) target(%dma_start3A_195 : memref<128x128xf32, #tpu.memory_space<vmem_shared>>) target_semaphore(%run_scoped3A_191 : memref<!tpu.dma_semaphore, #tpu.memory_space<semaphore_mem>>)
      %dma_wait3A_196 = arith.constant 0 : i32
      %dma_wait3A_197 = tpu.memref_slice %arg10[%add3A_28, %dma_wait3A_196] : memref<10000x128xf32, #tpu.memory_space<vmem_shared>> -> memref<128x128xf32, #tpu.memory_space<vmem_shared>>
      %dma_wait3A_198 = arith.constant 0 : i32
      %dma_wait3A_199 = tpu.memref_slice %arg10[%add3A_28, %dma_wait3A_198] : memref<10000x128xf32, #tpu.memory_space<vmem_shared>> -> memref<128x128xf32, #tpu.memory_space<vmem_shared>>
      tpu.wait_dma2 semaphore(%run_scoped3A_191 : memref<!tpu.dma_semaphore, #tpu.memory_space<semaphore_mem>>) src(%arg8 : memref<128x128xf32, #tpu.memory_space<vmem>>) dst(%dma_wait3A_199 : memref<128x128xf32, #tpu.memory_space<vmem_shared>>)
      tpu.yield
    }) : () -> ()
    %add3A_29 = arith.constant 384 : i32
    %add3A_30 = arith.addi %mul3A_14, %add3A_29 : i32
    "tpu.region"() ({
      %run_scoped3A_191 = tpu.sem_alloc : memref<!tpu.dma_semaphore, #tpu.memory_space<semaphore_mem>>
      %dma_start3A_192 = arith.constant 0 : i32
      %dma_start3A_193 = tpu.memref_slice %arg16[%add3A_30, %dma_start3A_192] : memref<10000x16xf32, #tpu.memory_space<vmem_shared>> -> memref<128x16xf32, #tpu.memory_space<vmem_shared>>
      %dma_start3A_194 = arith.constant 0 : i32
      %dma_start3A_195 = tpu.memref_slice %arg16[%add3A_30, %dma_start3A_194] : memref<10000x16xf32, #tpu.memory_space<vmem_shared>> -> memref<128x16xf32, #tpu.memory_space<vmem_shared>>
      tpu.enqueue_dma source(%arg15 : memref<128x16xf32, #tpu.memory_space<vmem>>) target(%dma_start3A_195 : memref<128x16xf32, #tpu.memory_space<vmem_shared>>) target_semaphore(%run_scoped3A_191 : memref<!tpu.dma_semaphore, #tpu.memory_space<semaphore_mem>>)
      %dma_wait3A_196 = arith.constant 0 : i32
      %dma_wait3A_197 = tpu.memref_slice %arg16[%add3A_30, %dma_wait3A_196] : memref<10000x16xf32, #tpu.memory_space<vmem_shared>> -> memref<128x16xf32, #tpu.memory_space<vmem_shared>>
      %dma_wait3A_198 = arith.constant 0 : i32
      %dma_wait3A_199 = tpu.memref_slice %arg16[%add3A_30, %dma_wait3A_198] : memref<10000x16xf32, #tpu.memory_space<vmem_shared>> -> memref<128x16xf32, #tpu.memory_space<vmem_shared>>
      tpu.wait_dma2 semaphore(%run_scoped3A_191 : memref<!tpu.dma_semaphore, #tpu.memory_space<semaphore_mem>>) src(%arg15 : memref<128x16xf32, #tpu.memory_space<vmem>>) dst(%dma_wait3A_199 : memref<128x16xf32, #tpu.memory_space<vmem_shared>>)
      tpu.yield
    }) : () -> ()
    %add3A_31 = arith.constant 512 : i32
    %add3A_32 = arith.addi %mul3A_14, %add3A_31 : i32
    "tpu.region"() ({
      %run_scoped3A_191 = tpu.sem_alloc : memref<!tpu.dma_semaphore, #tpu.memory_space<semaphore_mem>>
      %dma_start3A_192 = arith.constant 0 : i32
      %dma_start3A_193 = arith.constant 0 : i32
      %dma_start3A_194 = tpu.memref_slice %arg8[%dma_start3A_192, %dma_start3A_193] : memref<128x128xf32, #tpu.memory_space<vmem>> -> memref<113x128xf32, #tpu.memory_space<vmem>>
      %dma_start3A_195 = arith.constant 0 : i32
      %dma_start3A_196 = tpu.memref_slice %arg10[%add3A_32, %dma_start3A_195] : memref<10000x128xf32, #tpu.memory_space<vmem_shared>> -> memref<113x128xf32, #tpu.memory_space<vmem_shared>>
      %dma_start3A_197 = arith.constant 0 : i32
      %dma_start3A_198 = tpu.memref_slice %arg10[%add3A_32, %dma_start3A_197] : memref<10000x128xf32, #tpu.memory_space<vmem_shared>> -> memref<113x128xf32, #tpu.memory_space<vmem_shared>>
      %dma_start3A_199 = arith.constant 0 : i32
      %dma_start3A_200 = arith.constant 0 : i32
      %dma_start3A_201 = tpu.memref_slice %arg8[%dma_start3A_199, %dma_start3A_200] : memref<128x128xf32, #tpu.memory_space<vmem>> -> memref<113x128xf32, #tpu.memory_space<vmem>>
      tpu.enqueue_dma source(%dma_start3A_201 : memref<113x128xf32, #tpu.memory_space<vmem>>) target(%dma_start3A_198 : memref<113x128xf32, #tpu.memory_space<vmem_shared>>) target_semaphore(%run_scoped3A_191 : memref<!tpu.dma_semaphore, #tpu.memory_space<semaphore_mem>>)
      %dma_wait3A_202 = arith.constant 0 : i32
      %dma_wait3A_203 = arith.constant 0 : i32
      %dma_wait3A_204 = tpu.memref_slice %arg8[%dma_wait3A_202, %dma_wait3A_203] : memref<128x128xf32, #tpu.memory_space<vmem>> -> memref<113x128xf32, #tpu.memory_space<vmem>>
      %dma_wait3A_205 = arith.constant 0 : i32
      %dma_wait3A_206 = tpu.memref_slice %arg10[%add3A_32, %dma_wait3A_205] : memref<10000x128xf32, #tpu.memory_space<vmem_shared>> -> memref<113x128xf32, #tpu.memory_space<vmem_shared>>
      %dma_wait3A_207 = arith.constant 0 : i32
      %dma_wait3A_208 = tpu.memref_slice %arg10[%add3A_32, %dma_wait3A_207] : memref<10000x128xf32, #tpu.memory_space<vmem_shared>> -> memref<113x128xf32, #tpu.memory_space<vmem_shared>>
      %dma_wait3A_209 = arith.constant 0 : i32
      %dma_wait3A_210 = arith.constant 0 : i32
      %dma_wait3A_211 = tpu.memref_slice %arg8[%dma_wait3A_209, %dma_wait3A_210] : memref<128x128xf32, #tpu.memory_space<vmem>> -> memref<113x128xf32, #tpu.memory_space<vmem>>
      tpu.wait_dma2 semaphore(%run_scoped3A_191 : memref<!tpu.dma_semaphore, #tpu.memory_space<semaphore_mem>>) src(%dma_wait3A_211 : memref<113x128xf32, #tpu.memory_space<vmem>>) dst(%dma_wait3A_208 : memref<113x128xf32, #tpu.memory_space<vmem_shared>>)
      tpu.yield
    }) : () -> ()
    %add3A_33 = arith.constant 512 : i32
    %add3A_34 = arith.addi %mul3A_14, %add3A_33 : i32
    "tpu.region"() ({
      %run_scoped3A_191 = tpu.sem_alloc : memref<!tpu.dma_semaphore, #tpu.memory_space<semaphore_mem>>
      %dma_start3A_192 = arith.constant 0 : i32
      %dma_start3A_193 = arith.constant 0 : i32
      %dma_start3A_194 = tpu.memref_slice %arg15[%dma_start3A_192, %dma_start3A_193] : memref<128x16xf32, #tpu.memory_space<vmem>> -> memref<113x16xf32, #tpu.memory_space<vmem>>
      %dma_start3A_195 = arith.constant 0 : i32
      %dma_start3A_196 = tpu.memref_slice %arg16[%add3A_34, %dma_start3A_195] : memref<10000x16xf32, #tpu.memory_space<vmem_shared>> -> memref<113x16xf32, #tpu.memory_space<vmem_shared>>
      %dma_start3A_197 = arith.constant 0 : i32
      %dma_start3A_198 = tpu.memref_slice %arg16[%add3A_34, %dma_start3A_197] : memref<10000x16xf32, #tpu.memory_space<vmem_shared>> -> memref<113x16xf32, #tpu.memory_space<vmem_shared>>
      %dma_start3A_199 = arith.constant 0 : i32
      %dma_start3A_200 = arith.constant 0 : i32
      %dma_start3A_201 = tpu.memref_slice %arg15[%dma_start3A_199, %dma_start3A_200] : memref<128x16xf32, #tpu.memory_space<vmem>> -> memref<113x16xf32, #tpu.memory_space<vmem>>
      tpu.enqueue_dma source(%dma_start3A_201 : memref<113x16xf32, #tpu.memory_space<vmem>>) target(%dma_start3A_198 : memref<113x16xf32, #tpu.memory_space<vmem_shared>>) target_semaphore(%run_scoped3A_191 : memref<!tpu.dma_semaphore, #tpu.memory_space<semaphore_mem>>)
      %dma_wait3A_202 = arith.constant 0 : i32
      %dma_wait3A_203 = arith.constant 0 : i32
      %dma_wait3A_204 = tpu.memref_slice %arg15[%dma_wait3A_202, %dma_wait3A_203] : memref<128x16xf32, #tpu.memory_space<vmem>> -> memref<113x16xf32, #tpu.memory_space<vmem>>
      %dma_wait3A_205 = arith.constant 0 : i32
      %dma_wait3A_206 = tpu.memref_slice %arg16[%add3A_34, %dma_wait3A_205] : memref<10000x16xf32, #tpu.memory_space<vmem_shared>> -> memref<113x16xf32, #tpu.memory_space<vmem_shared>>
      %dma_wait3A_207 = arith.constant 0 : i32
      %dma_wait3A_208 = tpu.memref_slice %arg16[%add3A_34, %dma_wait3A_207] : memref<10000x16xf32, #tpu.memory_space<vmem_shared>> -> memref<113x16xf32, #tpu.memory_space<vmem_shared>>
      %dma_wait3A_209 = arith.constant 0 : i32
      %dma_wait3A_210 = arith.constant 0 : i32
      %dma_wait3A_211 = tpu.memref_slice %arg15[%dma_wait3A_209, %dma_wait3A_210] : memref<128x16xf32, #tpu.memory_space<vmem>> -> memref<113x16xf32, #tpu.memory_space<vmem>>
      tpu.wait_dma2 semaphore(%run_scoped3A_191 : memref<!tpu.dma_semaphore, #tpu.memory_space<semaphore_mem>>) src(%dma_wait3A_211 : memref<113x16xf32, #tpu.memory_space<vmem>>) dst(%dma_wait3A_208 : memref<113x16xf32, #tpu.memory_space<vmem_shared>>)
      tpu.yield
    }) : () -> ()
    %add3A_35 = arith.constant 2496 : i32
    %add3A_36 = arith.addi %add3A_35, %add3A : i32
    %add3A_37 = arith.constant 0 : i32
    %add3A_38 = arith.addi %mul3A_2, %add3A_37 : i32
    %min3A = arith.constant 2499 : i32
    %min3A_39 = arith.minsi %add3A_38, %min3A : i32
    %jit3A = arith.constant false
    %select_n3A = arith.select %jit3A, %add3A_36, %min3A_39 : i32
    %run_scoped3A = arith.constant 0 : i32
    %run_scoped3A_40 = arith.constant 0 : i32
    "tpu.region"() ({
      %run_scoped3A_191 = tpu.sem_alloc : memref<!tpu.dma_semaphore, #tpu.memory_space<semaphore_mem>>
      %dma_start3A_192 = arith.constant 0 : i32
      %dma_start3A_193 = tpu.memref_slice %arg6[%run_scoped3A_40, %dma_start3A_192] : memref<4x128xi32, #tpu.memory_space<vmem>> -> memref<1x128xi32, #tpu.memory_space<vmem>>
      %dma_start3A_194 = tpu.memref_squeeze %dma_start3A_193 : memref<1x128xi32, #tpu.memory_space<vmem>> -> memref<128xi32, #tpu.memory_space<vmem>>
      %dma_start3A_195 = arith.constant 0 : i32
      %dma_start3A_196 = tpu.memref_slice %arg3[%run_scoped3A, %select_n3A, %dma_start3A_195] : memref<2x2500x128xi32, #tpu.memory_space<hbm>> -> memref<1x1x128xi32, #tpu.memory_space<hbm>>
      %dma_start3A_197 = tpu.memref_squeeze %dma_start3A_196 : memref<1x1x128xi32, #tpu.memory_space<hbm>> -> memref<128xi32, #tpu.memory_space<hbm>>
      %dma_start3A_198 = arith.constant 0 : i32
      %dma_start3A_199 = tpu.memref_slice %arg6[%run_scoped3A_40, %dma_start3A_198] : memref<4x128xi32, #tpu.memory_space<vmem>> -> memref<1x128xi32, #tpu.memory_space<vmem>>
      %dma_start3A_200 = tpu.memref_squeeze %dma_start3A_199 : memref<1x128xi32, #tpu.memory_space<vmem>> -> memref<128xi32, #tpu.memory_space<vmem>>
      %dma_start3A_201 = arith.constant 0 : i32
      %dma_start3A_202 = tpu.memref_slice %arg3[%run_scoped3A, %select_n3A, %dma_start3A_201] : memref<2x2500x128xi32, #tpu.memory_space<hbm>> -> memref<1x1x128xi32, #tpu.memory_space<hbm>>
      %dma_start3A_203 = tpu.memref_squeeze %dma_start3A_202 : memref<1x1x128xi32, #tpu.memory_space<hbm>> -> memref<128xi32, #tpu.memory_space<hbm>>
      tpu.enqueue_dma source(%dma_start3A_203 : memref<128xi32, #tpu.memory_space<hbm>>) target(%dma_start3A_200 : memref<128xi32, #tpu.memory_space<vmem>>) target_semaphore(%run_scoped3A_191 : memref<!tpu.dma_semaphore, #tpu.memory_space<semaphore_mem>>)
      %dma_wait3A_204 = arith.constant 0 : i32
      %dma_wait3A_205 = tpu.memref_slice %arg6[%run_scoped3A_40, %dma_wait3A_204] : memref<4x128xi32, #tpu.memory_space<vmem>> -> memref<1x128xi32, #tpu.memory_space<vmem>>
      %dma_wait3A_206 = tpu.memref_squeeze %dma_wait3A_205 : memref<1x128xi32, #tpu.memory_space<vmem>> -> memref<128xi32, #tpu.memory_space<vmem>>
      %dma_wait3A_207 = arith.constant 0 : i32
      %dma_wait3A_208 = tpu.memref_slice %arg3[%run_scoped3A, %select_n3A, %dma_wait3A_207] : memref<2x2500x128xi32, #tpu.memory_space<hbm>> -> memref<1x1x128xi32, #tpu.memory_space<hbm>>
      %dma_wait3A_209 = tpu.memref_squeeze %dma_wait3A_208 : memref<1x1x128xi32, #tpu.memory_space<hbm>> -> memref<128xi32, #tpu.memory_space<hbm>>
      %dma_wait3A_210 = arith.constant 0 : i32
      %dma_wait3A_211 = tpu.memref_slice %arg6[%run_scoped3A_40, %dma_wait3A_210] : memref<4x128xi32, #tpu.memory_space<vmem>> -> memref<1x128xi32, #tpu.memory_space<vmem>>
      %dma_wait3A_212 = tpu.memref_squeeze %dma_wait3A_211 : memref<1x128xi32, #tpu.memory_space<vmem>> -> memref<128xi32, #tpu.memory_space<vmem>>
      %dma_wait3A_213 = arith.constant 0 : i32
      %dma_wait3A_214 = tpu.memref_slice %arg3[%run_scoped3A, %select_n3A, %dma_wait3A_213] : memref<2x2500x128xi32, #tpu.memory_space<hbm>> -> memref<1x1x128xi32, #tpu.memory_space<hbm>>
      %dma_wait3A_215 = tpu.memref_squeeze %dma_wait3A_214 : memref<1x1x128xi32, #tpu.memory_space<hbm>> -> memref<128xi32, #tpu.memory_space<hbm>>
      tpu.wait_dma2 semaphore(%run_scoped3A_191 : memref<!tpu.dma_semaphore, #tpu.memory_space<semaphore_mem>>) src(%dma_wait3A_215 : memref<128xi32, #tpu.memory_space<hbm>>) dst(%dma_wait3A_212 : memref<128xi32, #tpu.memory_space<vmem>>)
      tpu.yield
    }) : () -> ()
    %add3A_41 = arith.constant 2496 : i32
    %add3A_42 = arith.addi %add3A_41, %add3A : i32
    %add3A_43 = arith.constant 0 : i32
    %add3A_44 = arith.addi %mul3A_2, %add3A_43 : i32
    %min3A_45 = arith.constant 2499 : i32
    %min3A_46 = arith.minsi %add3A_44, %min3A_45 : i32
    %jit3A_47 = arith.constant false
    %select_n3A_48 = arith.select %jit3A_47, %add3A_42, %min3A_46 : i32
    %run_scoped3A_49 = arith.constant 1 : i32
    %run_scoped3A_50 = arith.constant 0 : i32
    "tpu.region"() ({
      %run_scoped3A_191 = tpu.sem_alloc : memref<!tpu.dma_semaphore, #tpu.memory_space<semaphore_mem>>
      %dma_start3A_192 = arith.constant 0 : i32
      %dma_start3A_193 = tpu.memref_slice %arg7[%run_scoped3A_50, %dma_start3A_192] : memref<4x128xi32, #tpu.memory_space<vmem>> -> memref<1x128xi32, #tpu.memory_space<vmem>>
      %dma_start3A_194 = tpu.memref_squeeze %dma_start3A_193 : memref<1x128xi32, #tpu.memory_space<vmem>> -> memref<128xi32, #tpu.memory_space<vmem>>
      %dma_start3A_195 = arith.constant 0 : i32
      %dma_start3A_196 = tpu.memref_slice %arg3[%run_scoped3A_49, %select_n3A_48, %dma_start3A_195] : memref<2x2500x128xi32, #tpu.memory_space<hbm>> -> memref<1x1x128xi32, #tpu.memory_space<hbm>>
      %dma_start3A_197 = tpu.memref_squeeze %dma_start3A_196 : memref<1x1x128xi32, #tpu.memory_space<hbm>> -> memref<128xi32, #tpu.memory_space<hbm>>
      %dma_start3A_198 = arith.constant 0 : i32
      %dma_start3A_199 = tpu.memref_slice %arg7[%run_scoped3A_50, %dma_start3A_198] : memref<4x128xi32, #tpu.memory_space<vmem>> -> memref<1x128xi32, #tpu.memory_space<vmem>>
      %dma_start3A_200 = tpu.memref_squeeze %dma_start3A_199 : memref<1x128xi32, #tpu.memory_space<vmem>> -> memref<128xi32, #tpu.memory_space<vmem>>
      %dma_start3A_201 = arith.constant 0 : i32
      %dma_start3A_202 = tpu.memref_slice %arg3[%run_scoped3A_49, %select_n3A_48, %dma_start3A_201] : memref<2x2500x128xi32, #tpu.memory_space<hbm>> -> memref<1x1x128xi32, #tpu.memory_space<hbm>>
      %dma_start3A_203 = tpu.memref_squeeze %dma_start3A_202 : memref<1x1x128xi32, #tpu.memory_space<hbm>> -> memref<128xi32, #tpu.memory_space<hbm>>
      tpu.enqueue_dma source(%dma_start3A_203 : memref<128xi32, #tpu.memory_space<hbm>>) target(%dma_start3A_200 : memref<128xi32, #tpu.memory_space<vmem>>) target_semaphore(%run_scoped3A_191 : memref<!tpu.dma_semaphore, #tpu.memory_space<semaphore_mem>>)
      %dma_wait3A_204 = arith.constant 0 : i32
      %dma_wait3A_205 = tpu.memref_slice %arg7[%run_scoped3A_50, %dma_wait3A_204] : memref<4x128xi32, #tpu.memory_space<vmem>> -> memref<1x128xi32, #tpu.memory_space<vmem>>
      %dma_wait3A_206 = tpu.memref_squeeze %dma_wait3A_205 : memref<1x128xi32, #tpu.memory_space<vmem>> -> memref<128xi32, #tpu.memory_space<vmem>>
      %dma_wait3A_207 = arith.constant 0 : i32
      %dma_wait3A_208 = tpu.memref_slice %arg3[%run_scoped3A_49, %select_n3A_48, %dma_wait3A_207] : memref<2x2500x128xi32, #tpu.memory_space<hbm>> -> memref<1x1x128xi32, #tpu.memory_space<hbm>>
      %dma_wait3A_209 = tpu.memref_squeeze %dma_wait3A_208 : memref<1x1x128xi32, #tpu.memory_space<hbm>> -> memref<128xi32, #tpu.memory_space<hbm>>
      %dma_wait3A_210 = arith.constant 0 : i32
      %dma_wait3A_211 = tpu.memref_slice %arg7[%run_scoped3A_50, %dma_wait3A_210] : memref<4x128xi32, #tpu.memory_space<vmem>> -> memref<1x128xi32, #tpu.memory_space<vmem>>
      %dma_wait3A_212 = tpu.memref_squeeze %dma_wait3A_211 : memref<1x128xi32, #tpu.memory_space<vmem>> -> memref<128xi32, #tpu.memory_space<vmem>>
      %dma_wait3A_213 = arith.constant 0 : i32
      %dma_wait3A_214 = tpu.memref_slice %arg3[%run_scoped3A_49, %select_n3A_48, %dma_wait3A_213] : memref<2x2500x128xi32, #tpu.memory_space<hbm>> -> memref<1x1x128xi32, #tpu.memory_space<hbm>>
      %dma_wait3A_215 = tpu.memref_squeeze %dma_wait3A_214 : memref<1x1x128xi32, #tpu.memory_space<hbm>> -> memref<128xi32, #tpu.memory_space<hbm>>
      tpu.wait_dma2 semaphore(%run_scoped3A_191 : memref<!tpu.dma_semaphore, #tpu.memory_space<semaphore_mem>>) src(%dma_wait3A_215 : memref<128xi32, #tpu.memory_space<hbm>>) dst(%dma_wait3A_212 : memref<128xi32, #tpu.memory_space<vmem>>)
      tpu.yield
    }) : () -> ()
    %add3A_51 = arith.constant 2496 : i32
    %add3A_52 = arith.addi %add3A_51, %add3A : i32
    %add3A_53 = arith.constant 1 : i32
    %add3A_54 = arith.addi %mul3A_2, %add3A_53 : i32
    %min3A_55 = arith.constant 2499 : i32
    %min3A_56 = arith.minsi %add3A_54, %min3A_55 : i32
    %jit3A_57 = arith.constant false
    %select_n3A_58 = arith.select %jit3A_57, %add3A_52, %min3A_56 : i32
    %run_scoped3A_59 = arith.constant 0 : i32
    %run_scoped3A_60 = arith.constant 1 : i32
    "tpu.region"() ({
      %run_scoped3A_191 = tpu.sem_alloc : memref<!tpu.dma_semaphore, #tpu.memory_space<semaphore_mem>>
      %dma_start3A_192 = arith.constant 0 : i32
      %dma_start3A_193 = tpu.memref_slice %arg6[%run_scoped3A_60, %dma_start3A_192] : memref<4x128xi32, #tpu.memory_space<vmem>> -> memref<1x128xi32, #tpu.memory_space<vmem>>
      %dma_start3A_194 = tpu.memref_squeeze %dma_start3A_193 : memref<1x128xi32, #tpu.memory_space<vmem>> -> memref<128xi32, #tpu.memory_space<vmem>>
      %dma_start3A_195 = arith.constant 0 : i32
      %dma_start3A_196 = tpu.memref_slice %arg3[%run_scoped3A_59, %select_n3A_58, %dma_start3A_195] : memref<2x2500x128xi32, #tpu.memory_space<hbm>> -> memref<1x1x128xi32, #tpu.memory_space<hbm>>
      %dma_start3A_197 = tpu.memref_squeeze %dma_start3A_196 : memref<1x1x128xi32, #tpu.memory_space<hbm>> -> memref<128xi32, #tpu.memory_space<hbm>>
      %dma_start3A_198 = arith.constant 0 : i32
      %dma_start3A_199 = tpu.memref_slice %arg6[%run_scoped3A_60, %dma_start3A_198] : memref<4x128xi32, #tpu.memory_space<vmem>> -> memref<1x128xi32, #tpu.memory_space<vmem>>
      %dma_start3A_200 = tpu.memref_squeeze %dma_start3A_199 : memref<1x128xi32, #tpu.memory_space<vmem>> -> memref<128xi32, #tpu.memory_space<vmem>>
      %dma_start3A_201 = arith.constant 0 : i32
      %dma_start3A_202 = tpu.memref_slice %arg3[%run_scoped3A_59, %select_n3A_58, %dma_start3A_201] : memref<2x2500x128xi32, #tpu.memory_space<hbm>> -> memref<1x1x128xi32, #tpu.memory_space<hbm>>
      %dma_start3A_203 = tpu.memref_squeeze %dma_start3A_202 : memref<1x1x128xi32, #tpu.memory_space<hbm>> -> memref<128xi32, #tpu.memory_space<hbm>>
      tpu.enqueue_dma source(%dma_start3A_203 : memref<128xi32, #tpu.memory_space<hbm>>) target(%dma_start3A_200 : memref<128xi32, #tpu.memory_space<vmem>>) target_semaphore(%run_scoped3A_191 : memref<!tpu.dma_semaphore, #tpu.memory_space<semaphore_mem>>)
      %dma_wait3A_204 = arith.constant 0 : i32
      %dma_wait3A_205 = tpu.memref_slice %arg6[%run_scoped3A_60, %dma_wait3A_204] : memref<4x128xi32, #tpu.memory_space<vmem>> -> memref<1x128xi32, #tpu.memory_space<vmem>>
      %dma_wait3A_206 = tpu.memref_squeeze %dma_wait3A_205 : memref<1x128xi32, #tpu.memory_space<vmem>> -> memref<128xi32, #tpu.memory_space<vmem>>
      %dma_wait3A_207 = arith.constant 0 : i32
      %dma_wait3A_208 = tpu.memref_slice %arg3[%run_scoped3A_59, %select_n3A_58, %dma_wait3A_207] : memref<2x2500x128xi32, #tpu.memory_space<hbm>> -> memref<1x1x128xi32, #tpu.memory_space<hbm>>
      %dma_wait3A_209 = tpu.memref_squeeze %dma_wait3A_208 : memref<1x1x128xi32, #tpu.memory_space<hbm>> -> memref<128xi32, #tpu.memory_space<hbm>>
      %dma_wait3A_210 = arith.constant 0 : i32
      %dma_wait3A_211 = tpu.memref_slice %arg6[%run_scoped3A_60, %dma_wait3A_210] : memref<4x128xi32, #tpu.memory_space<vmem>> -> memref<1x128xi32, #tpu.memory_space<vmem>>
      %dma_wait3A_212 = tpu.memref_squeeze %dma_wait3A_211 : memref<1x128xi32, #tpu.memory_space<vmem>> -> memref<128xi32, #tpu.memory_space<vmem>>
      %dma_wait3A_213 = arith.constant 0 : i32
      %dma_wait3A_214 = tpu.memref_slice %arg3[%run_scoped3A_59, %select_n3A_58, %dma_wait3A_213] : memref<2x2500x128xi32, #tpu.memory_space<hbm>> -> memref<1x1x128xi32, #tpu.memory_space<hbm>>
      %dma_wait3A_215 = tpu.memref_squeeze %dma_wait3A_214 : memref<1x1x128xi32, #tpu.memory_space<hbm>> -> memref<128xi32, #tpu.memory_space<hbm>>
      tpu.wait_dma2 semaphore(%run_scoped3A_191 : memref<!tpu.dma_semaphore, #tpu.memory_space<semaphore_mem>>) src(%dma_wait3A_215 : memref<128xi32, #tpu.memory_space<hbm>>) dst(%dma_wait3A_212 : memref<128xi32, #tpu.memory_space<vmem>>)
      tpu.yield
    }) : () -> ()
    %add3A_61 = arith.constant 2496 : i32
    %add3A_62 = arith.addi %add3A_61, %add3A : i32
    %add3A_63 = arith.constant 1 : i32
    %add3A_64 = arith.addi %mul3A_2, %add3A_63 : i32
    %min3A_65 = arith.constant 2499 : i32
    %min3A_66 = arith.minsi %add3A_64, %min3A_65 : i32
    %jit3A_67 = arith.constant false
    %select_n3A_68 = arith.select %jit3A_67, %add3A_62, %min3A_66 : i32
    %run_scoped3A_69 = arith.constant 1 : i32
    %run_scoped3A_70 = arith.constant 1 : i32
    "tpu.region"() ({
      %run_scoped3A_191 = tpu.sem_alloc : memref<!tpu.dma_semaphore, #tpu.memory_space<semaphore_mem>>
      %dma_start3A_192 = arith.constant 0 : i32
      %dma_start3A_193 = tpu.memref_slice %arg7[%run_scoped3A_70, %dma_start3A_192] : memref<4x128xi32, #tpu.memory_space<vmem>> -> memref<1x128xi32, #tpu.memory_space<vmem>>
      %dma_start3A_194 = tpu.memref_squeeze %dma_start3A_193 : memref<1x128xi32, #tpu.memory_space<vmem>> -> memref<128xi32, #tpu.memory_space<vmem>>
      %dma_start3A_195 = arith.constant 0 : i32
      %dma_start3A_196 = tpu.memref_slice %arg3[%run_scoped3A_69, %select_n3A_68, %dma_start3A_195] : memref<2x2500x128xi32, #tpu.memory_space<hbm>> -> memref<1x1x128xi32, #tpu.memory_space<hbm>>
      %dma_start3A_197 = tpu.memref_squeeze %dma_start3A_196 : memref<1x1x128xi32, #tpu.memory_space<hbm>> -> memref<128xi32, #tpu.memory_space<hbm>>
      %dma_start3A_198 = arith.constant 0 : i32
      %dma_start3A_199 = tpu.memref_slice %arg7[%run_scoped3A_70, %dma_start3A_198] : memref<4x128xi32, #tpu.memory_space<vmem>> -> memref<1x128xi32, #tpu.memory_space<vmem>>
      %dma_start3A_200 = tpu.memref_squeeze %dma_start3A_199 : memref<1x128xi32, #tpu.memory_space<vmem>> -> memref<128xi32, #tpu.memory_space<vmem>>
      %dma_start3A_201 = arith.constant 0 : i32
      %dma_start3A_202 = tpu.memref_slice %arg3[%run_scoped3A_69, %select_n3A_68, %dma_start3A_201] : memref<2x2500x128xi32, #tpu.memory_space<hbm>> -> memref<1x1x128xi32, #tpu.memory_space<hbm>>
      %dma_start3A_203 = tpu.memref_squeeze %dma_start3A_202 : memref<1x1x128xi32, #tpu.memory_space<hbm>> -> memref<128xi32, #tpu.memory_space<hbm>>
      tpu.enqueue_dma source(%dma_start3A_203 : memref<128xi32, #tpu.memory_space<hbm>>) target(%dma_start3A_200 : memref<128xi32, #tpu.memory_space<vmem>>) target_semaphore(%run_scoped3A_191 : memref<!tpu.dma_semaphore, #tpu.memory_space<semaphore_mem>>)
      %dma_wait3A_204 = arith.constant 0 : i32
      %dma_wait3A_205 = tpu.memref_slice %arg7[%run_scoped3A_70, %dma_wait3A_204] : memref<4x128xi32, #tpu.memory_space<vmem>> -> memref<1x128xi32, #tpu.memory_space<vmem>>
      %dma_wait3A_206 = tpu.memref_squeeze %dma_wait3A_205 : memref<1x128xi32, #tpu.memory_space<vmem>> -> memref<128xi32, #tpu.memory_space<vmem>>
      %dma_wait3A_207 = arith.constant 0 : i32
      %dma_wait3A_208 = tpu.memref_slice %arg3[%run_scoped3A_69, %select_n3A_68, %dma_wait3A_207] : memref<2x2500x128xi32, #tpu.memory_space<hbm>> -> memref<1x1x128xi32, #tpu.memory_space<hbm>>
      %dma_wait3A_209 = tpu.memref_squeeze %dma_wait3A_208 : memref<1x1x128xi32, #tpu.memory_space<hbm>> -> memref<128xi32, #tpu.memory_space<hbm>>
      %dma_wait3A_210 = arith.constant 0 : i32
      %dma_wait3A_211 = tpu.memref_slice %arg7[%run_scoped3A_70, %dma_wait3A_210] : memref<4x128xi32, #tpu.memory_space<vmem>> -> memref<1x128xi32, #tpu.memory_space<vmem>>
      %dma_wait3A_212 = tpu.memref_squeeze %dma_wait3A_211 : memref<1x128xi32, #tpu.memory_space<vmem>> -> memref<128xi32, #tpu.memory_space<vmem>>
      %dma_wait3A_213 = arith.constant 0 : i32
      %dma_wait3A_214 = tpu.memref_slice %arg3[%run_scoped3A_69, %select_n3A_68, %dma_wait3A_213] : memref<2x2500x128xi32, #tpu.memory_space<hbm>> -> memref<1x1x128xi32, #tpu.memory_space<hbm>>
      %dma_wait3A_215 = tpu.memref_squeeze %dma_wait3A_214 : memref<1x1x128xi32, #tpu.memory_space<hbm>> -> memref<128xi32, #tpu.memory_space<hbm>>
      tpu.wait_dma2 semaphore(%run_scoped3A_191 : memref<!tpu.dma_semaphore, #tpu.memory_space<semaphore_mem>>) src(%dma_wait3A_215 : memref<128xi32, #tpu.memory_space<hbm>>) dst(%dma_wait3A_212 : memref<128xi32, #tpu.memory_space<vmem>>)
      tpu.yield
    }) : () -> ()
    %add3A_71 = arith.constant 2496 : i32
    %add3A_72 = arith.addi %add3A_71, %add3A : i32
    %add3A_73 = arith.constant 2 : i32
    %add3A_74 = arith.addi %mul3A_2, %add3A_73 : i32
    %min3A_75 = arith.constant 2499 : i32
    %min3A_76 = arith.minsi %add3A_74, %min3A_75 : i32
    %jit3A_77 = arith.constant false
    %select_n3A_78 = arith.select %jit3A_77, %add3A_72, %min3A_76 : i32
    %run_scoped3A_79 = arith.constant 0 : i32
    %run_scoped3A_80 = arith.constant 2 : i32
    "tpu.region"() ({
      %run_scoped3A_191 = tpu.sem_alloc : memref<!tpu.dma_semaphore, #tpu.memory_space<semaphore_mem>>
      %dma_start3A_192 = arith.constant 0 : i32
      %dma_start3A_193 = tpu.memref_slice %arg6[%run_scoped3A_80, %dma_start3A_192] : memref<4x128xi32, #tpu.memory_space<vmem>> -> memref<1x128xi32, #tpu.memory_space<vmem>>
      %dma_start3A_194 = tpu.memref_squeeze %dma_start3A_193 : memref<1x128xi32, #tpu.memory_space<vmem>> -> memref<128xi32, #tpu.memory_space<vmem>>
      %dma_start3A_195 = arith.constant 0 : i32
      %dma_start3A_196 = tpu.memref_slice %arg3[%run_scoped3A_79, %select_n3A_78, %dma_start3A_195] : memref<2x2500x128xi32, #tpu.memory_space<hbm>> -> memref<1x1x128xi32, #tpu.memory_space<hbm>>
      %dma_start3A_197 = tpu.memref_squeeze %dma_start3A_196 : memref<1x1x128xi32, #tpu.memory_space<hbm>> -> memref<128xi32, #tpu.memory_space<hbm>>
      %dma_start3A_198 = arith.constant 0 : i32
      %dma_start3A_199 = tpu.memref_slice %arg6[%run_scoped3A_80, %dma_start3A_198] : memref<4x128xi32, #tpu.memory_space<vmem>> -> memref<1x128xi32, #tpu.memory_space<vmem>>
      %dma_start3A_200 = tpu.memref_squeeze %dma_start3A_199 : memref<1x128xi32, #tpu.memory_space<vmem>> -> memref<128xi32, #tpu.memory_space<vmem>>
      %dma_start3A_201 = arith.constant 0 : i32
      %dma_start3A_202 = tpu.memref_slice %arg3[%run_scoped3A_79, %select_n3A_78, %dma_start3A_201] : memref<2x2500x128xi32, #tpu.memory_space<hbm>> -> memref<1x1x128xi32, #tpu.memory_space<hbm>>
      %dma_start3A_203 = tpu.memref_squeeze %dma_start3A_202 : memref<1x1x128xi32, #tpu.memory_space<hbm>> -> memref<128xi32, #tpu.memory_space<hbm>>
      tpu.enqueue_dma source(%dma_start3A_203 : memref<128xi32, #tpu.memory_space<hbm>>) target(%dma_start3A_200 : memref<128xi32, #tpu.memory_space<vmem>>) target_semaphore(%run_scoped3A_191 : memref<!tpu.dma_semaphore, #tpu.memory_space<semaphore_mem>>)
      %dma_wait3A_204 = arith.constant 0 : i32
      %dma_wait3A_205 = tpu.memref_slice %arg6[%run_scoped3A_80, %dma_wait3A_204] : memref<4x128xi32, #tpu.memory_space<vmem>> -> memref<1x128xi32, #tpu.memory_space<vmem>>
      %dma_wait3A_206 = tpu.memref_squeeze %dma_wait3A_205 : memref<1x128xi32, #tpu.memory_space<vmem>> -> memref<128xi32, #tpu.memory_space<vmem>>
      %dma_wait3A_207 = arith.constant 0 : i32
      %dma_wait3A_208 = tpu.memref_slice %arg3[%run_scoped3A_79, %select_n3A_78, %dma_wait3A_207] : memref<2x2500x128xi32, #tpu.memory_space<hbm>> -> memref<1x1x128xi32, #tpu.memory_space<hbm>>
      %dma_wait3A_209 = tpu.memref_squeeze %dma_wait3A_208 : memref<1x1x128xi32, #tpu.memory_space<hbm>> -> memref<128xi32, #tpu.memory_space<hbm>>
      %dma_wait3A_210 = arith.constant 0 : i32
      %dma_wait3A_211 = tpu.memref_slice %arg6[%run_scoped3A_80, %dma_wait3A_210] : memref<4x128xi32, #tpu.memory_space<vmem>> -> memref<1x128xi32, #tpu.memory_space<vmem>>
      %dma_wait3A_212 = tpu.memref_squeeze %dma_wait3A_211 : memref<1x128xi32, #tpu.memory_space<vmem>> -> memref<128xi32, #tpu.memory_space<vmem>>
      %dma_wait3A_213 = arith.constant 0 : i32
      %dma_wait3A_214 = tpu.memref_slice %arg3[%run_scoped3A_79, %select_n3A_78, %dma_wait3A_213] : memref<2x2500x128xi32, #tpu.memory_space<hbm>> -> memref<1x1x128xi32, #tpu.memory_space<hbm>>
      %dma_wait3A_215 = tpu.memref_squeeze %dma_wait3A_214 : memref<1x1x128xi32, #tpu.memory_space<hbm>> -> memref<128xi32, #tpu.memory_space<hbm>>
      tpu.wait_dma2 semaphore(%run_scoped3A_191 : memref<!tpu.dma_semaphore, #tpu.memory_space<semaphore_mem>>) src(%dma_wait3A_215 : memref<128xi32, #tpu.memory_space<hbm>>) dst(%dma_wait3A_212 : memref<128xi32, #tpu.memory_space<vmem>>)
      tpu.yield
    }) : () -> ()
    %add3A_81 = arith.constant 2496 : i32
    %add3A_82 = arith.addi %add3A_81, %add3A : i32
    %add3A_83 = arith.constant 2 : i32
    %add3A_84 = arith.addi %mul3A_2, %add3A_83 : i32
    %min3A_85 = arith.constant 2499 : i32
    %min3A_86 = arith.minsi %add3A_84, %min3A_85 : i32
    %jit3A_87 = arith.constant false
    %select_n3A_88 = arith.select %jit3A_87, %add3A_82, %min3A_86 : i32
    %run_scoped3A_89 = arith.constant 1 : i32
    %run_scoped3A_90 = arith.constant 2 : i32
    "tpu.region"() ({
      %run_scoped3A_191 = tpu.sem_alloc : memref<!tpu.dma_semaphore, #tpu.memory_space<semaphore_mem>>
      %dma_start3A_192 = arith.constant 0 : i32
      %dma_start3A_193 = tpu.memref_slice %arg7[%run_scoped3A_90, %dma_start3A_192] : memref<4x128xi32, #tpu.memory_space<vmem>> -> memref<1x128xi32, #tpu.memory_space<vmem>>
      %dma_start3A_194 = tpu.memref_squeeze %dma_start3A_193 : memref<1x128xi32, #tpu.memory_space<vmem>> -> memref<128xi32, #tpu.memory_space<vmem>>
      %dma_start3A_195 = arith.constant 0 : i32
      %dma_start3A_196 = tpu.memref_slice %arg3[%run_scoped3A_89, %select_n3A_88, %dma_start3A_195] : memref<2x2500x128xi32, #tpu.memory_space<hbm>> -> memref<1x1x128xi32, #tpu.memory_space<hbm>>
      %dma_start3A_197 = tpu.memref_squeeze %dma_start3A_196 : memref<1x1x128xi32, #tpu.memory_space<hbm>> -> memref<128xi32, #tpu.memory_space<hbm>>
      %dma_start3A_198 = arith.constant 0 : i32
      %dma_start3A_199 = tpu.memref_slice %arg7[%run_scoped3A_90, %dma_start3A_198] : memref<4x128xi32, #tpu.memory_space<vmem>> -> memref<1x128xi32, #tpu.memory_space<vmem>>
      %dma_start3A_200 = tpu.memref_squeeze %dma_start3A_199 : memref<1x128xi32, #tpu.memory_space<vmem>> -> memref<128xi32, #tpu.memory_space<vmem>>
      %dma_start3A_201 = arith.constant 0 : i32
      %dma_start3A_202 = tpu.memref_slice %arg3[%run_scoped3A_89, %select_n3A_88, %dma_start3A_201] : memref<2x2500x128xi32, #tpu.memory_space<hbm>> -> memref<1x1x128xi32, #tpu.memory_space<hbm>>
      %dma_start3A_203 = tpu.memref_squeeze %dma_start3A_202 : memref<1x1x128xi32, #tpu.memory_space<hbm>> -> memref<128xi32, #tpu.memory_space<hbm>>
      tpu.enqueue_dma source(%dma_start3A_203 : memref<128xi32, #tpu.memory_space<hbm>>) target(%dma_start3A_200 : memref<128xi32, #tpu.memory_space<vmem>>) target_semaphore(%run_scoped3A_191 : memref<!tpu.dma_semaphore, #tpu.memory_space<semaphore_mem>>)
      %dma_wait3A_204 = arith.constant 0 : i32
      %dma_wait3A_205 = tpu.memref_slice %arg7[%run_scoped3A_90, %dma_wait3A_204] : memref<4x128xi32, #tpu.memory_space<vmem>> -> memref<1x128xi32, #tpu.memory_space<vmem>>
      %dma_wait3A_206 = tpu.memref_squeeze %dma_wait3A_205 : memref<1x128xi32, #tpu.memory_space<vmem>> -> memref<128xi32, #tpu.memory_space<vmem>>
      %dma_wait3A_207 = arith.constant 0 : i32
      %dma_wait3A_208 = tpu.memref_slice %arg3[%run_scoped3A_89, %select_n3A_88, %dma_wait3A_207] : memref<2x2500x128xi32, #tpu.memory_space<hbm>> -> memref<1x1x128xi32, #tpu.memory_space<hbm>>
      %dma_wait3A_209 = tpu.memref_squeeze %dma_wait3A_208 : memref<1x1x128xi32, #tpu.memory_space<hbm>> -> memref<128xi32, #tpu.memory_space<hbm>>
      %dma_wait3A_210 = arith.constant 0 : i32
      %dma_wait3A_211 = tpu.memref_slice %arg7[%run_scoped3A_90, %dma_wait3A_210] : memref<4x128xi32, #tpu.memory_space<vmem>> -> memref<1x128xi32, #tpu.memory_space<vmem>>
      %dma_wait3A_212 = tpu.memref_squeeze %dma_wait3A_211 : memref<1x128xi32, #tpu.memory_space<vmem>> -> memref<128xi32, #tpu.memory_space<vmem>>
      %dma_wait3A_213 = arith.constant 0 : i32
      %dma_wait3A_214 = tpu.memref_slice %arg3[%run_scoped3A_89, %select_n3A_88, %dma_wait3A_213] : memref<2x2500x128xi32, #tpu.memory_space<hbm>> -> memref<1x1x128xi32, #tpu.memory_space<hbm>>
      %dma_wait3A_215 = tpu.memref_squeeze %dma_wait3A_214 : memref<1x1x128xi32, #tpu.memory_space<hbm>> -> memref<128xi32, #tpu.memory_space<hbm>>
      tpu.wait_dma2 semaphore(%run_scoped3A_191 : memref<!tpu.dma_semaphore, #tpu.memory_space<semaphore_mem>>) src(%dma_wait3A_215 : memref<128xi32, #tpu.memory_space<hbm>>) dst(%dma_wait3A_212 : memref<128xi32, #tpu.memory_space<vmem>>)
      tpu.yield
    }) : () -> ()
    %barrier3A = arith.constant 0 : index
    tpu.barrier barrier_id(%barrier3A)
    %dma_start3A = arith.constant 0 : i32
    "tpu.trace_stop"() : () -> ()
    "tpu.trace_start"() <{level = 10 : i32, message = "agg_edges"}> : () -> ()
    %dma_start3A_91 = arith.constant 0 : i32
    %dma_start3A_92 = tpu.memref_slice %arg6[%dma_start3A, %dma_start3A_91] : memref<4x128xi32, #tpu.memory_space<vmem>> -> memref<1x128xi32, #tpu.memory_space<vmem>>
    %dma_start3A_93 = tpu.memref_squeeze %dma_start3A_92 : memref<1x128xi32, #tpu.memory_space<vmem>> -> memref<128xi32, #tpu.memory_space<vmem>>
    %dma_start3A_94 = arith.constant 0 : i32
    %dma_start3A_95 = arith.constant 0 : i32
    %dma_start3A_96 = tpu.memref_slice %arg2[%dma_start3A_94, %dma_start3A_95] : memref<10000x128xf32, #tpu.memory_space<hbm>> -> memref<10000x128xf32, #tpu.memory_space<hbm>>
    tpu.enqueue_indirect_dma source(%dma_start3A_96 : memref<10000x128xf32, #tpu.memory_space<hbm>>) target(%arg8 : memref<128x128xf32, #tpu.memory_space<vmem>>) offsets(%dma_start3A_93 : memref<128xi32, #tpu.memory_space<vmem>>) semaphore(%arg11 : memref<!tpu.dma_semaphore, #tpu.memory_space<semaphore_mem>>)
    %scan3A_97 = arith.constant 0 : i32
    %scan3A_98 = arith.constant 39 : i32
    %scan3A_99 = arith.addi %scan3A_97, %scan3A_98 : i32
    %scan3A_100 = arith.constant 1 : i32
    scf.for %scan3A_191 = %scan3A_97 to %scan3A_99 step %scan3A_100  : i32 {
      %mul3A_192 = arith.constant 2 : i32
      %mul3A_193 = arith.muli %mul3A_192, %scan3A_191 : i32
      %jit3A_194 = arith.constant 4 : i32
      %eq3A = arith.constant 0 : i32
      %eq3A_195 = arith.cmpi eq, %jit3A_194, %eq3A : i32
      %jit3A_196 = arith.constant 1 : i32
      %select_n3A_197 = arith.select %eq3A_195, %jit3A_196, %jit3A_194 : i32
      %rem3A = arith.remsi %mul3A_193, %select_n3A_197 : i32
      %ne3A = arith.constant 0 : i32
      %ne3A_198 = arith.cmpi ne, %rem3A, %ne3A : i32
      %lt3A_199 = arith.constant 0 : i32
      %lt3A_200 = arith.cmpi slt, %rem3A, %lt3A_199 : i32
      %lt3A_201 = arith.constant 0 : i32
      %lt3A_202 = arith.cmpi slt, %select_n3A_197, %lt3A_201 : i32
      %ne3A_203 = arith.xori %lt3A_200, %lt3A_202 : i1
      %and3A = arith.andi %ne3A_203, %ne3A_198 : i1
      %add3A_204 = arith.addi %rem3A, %select_n3A_197 : i32
      %select_n3A_205 = arith.select %and3A, %add3A_204, %rem3A : i32
      %add3A_206 = arith.constant 1 : i32
      %add3A_207 = arith.addi %mul3A_193, %add3A_206 : i32
      %jit3A_208 = arith.constant 4 : i32
      %eq3A_209 = arith.constant 0 : i32
      %eq3A_210 = arith.cmpi eq, %jit3A_208, %eq3A_209 : i32
      %jit3A_211 = arith.constant 1 : i32
      %select_n3A_212 = arith.select %eq3A_210, %jit3A_211, %jit3A_208 : i32
      %rem3A_213 = arith.remsi %add3A_207, %select_n3A_212 : i32
      %ne3A_214 = arith.constant 0 : i32
      %ne3A_215 = arith.cmpi ne, %rem3A_213, %ne3A_214 : i32
      %lt3A_216 = arith.constant 0 : i32
      %lt3A_217 = arith.cmpi slt, %rem3A_213, %lt3A_216 : i32
      %lt3A_218 = arith.constant 0 : i32
      %lt3A_219 = arith.cmpi slt, %select_n3A_212, %lt3A_218 : i32
      %ne3A_220 = arith.xori %lt3A_217, %lt3A_219 : i1
      %and3A_221 = arith.andi %ne3A_220, %ne3A_215 : i1
      %add3A_222 = arith.addi %rem3A_213, %select_n3A_212 : i32
      %select_n3A_223 = arith.select %and3A_221, %add3A_222, %rem3A_213 : i32
      %gt3A = arith.constant 0 : i32
      %gt3A_224 = arith.cmpi sgt, %scan3A_191, %gt3A : i32
      %convert_element_type3A_225 = arith.extui %gt3A_224 : i1 to i32
      %cond3A_226 = arith.constant 0 : i32
      %cond3A_227 = arith.cmpi ne, %convert_element_type3A_225, %cond3A_226 : i32
      scf.if %cond3A_227 {
        %add3A_403 = arith.constant 1 : i32
        %add3A_404 = arith.addi %mul3A_193, %add3A_403 : i32
        %eq3A_405 = arith.constant 78 : i32
        %eq3A_406 = arith.cmpi eq, %add3A_404, %eq3A_405 : i32
        %add3A_407 = arith.constant 2496 : i32
        %add3A_408 = arith.addi %add3A_407, %add3A : i32
        %add3A_409 = arith.addi %mul3A_2, %add3A_404 : i32
        %min3A_410 = arith.constant 2499 : i32
        %min3A_411 = arith.minsi %add3A_409, %min3A_410 : i32
        %select_n3A_412 = arith.select %eq3A_406, %add3A_408, %min3A_411 : i32
        %jit3A_413 = arith.constant 4 : i32
        %eq3A_414 = arith.constant 0 : i32
        %eq3A_415 = arith.cmpi eq, %jit3A_413, %eq3A_414 : i32
        %jit3A_416 = arith.constant 1 : i32
        %select_n3A_417 = arith.select %eq3A_415, %jit3A_416, %jit3A_413 : i32
        %rem3A_418 = arith.remsi %add3A_404, %select_n3A_417 : i32
        %ne3A_419 = arith.constant 0 : i32
        %ne3A_420 = arith.cmpi ne, %rem3A_418, %ne3A_419 : i32
        %lt3A_421 = arith.constant 0 : i32
        %lt3A_422 = arith.cmpi slt, %rem3A_418, %lt3A_421 : i32
        %lt3A_423 = arith.constant 0 : i32
        %lt3A_424 = arith.cmpi slt, %select_n3A_417, %lt3A_423 : i32
        %ne3A_425 = arith.xori %lt3A_422, %lt3A_424 : i1
        %and3A_426 = arith.andi %ne3A_425, %ne3A_420 : i1
        %add3A_427 = arith.addi %rem3A_418, %select_n3A_417 : i32
        %select_n3A_428 = arith.select %and3A_426, %add3A_427, %rem3A_418 : i32
        %dma_wait3A_429 = arith.constant 0 : i32
        %dma_wait3A_430 = arith.constant 0 : i32
        %dma_wait3A_431 = tpu.memref_slice %arg6[%select_n3A_428, %dma_wait3A_430] : memref<4x128xi32, #tpu.memory_space<vmem>> -> memref<1x128xi32, #tpu.memory_space<vmem>>
        %dma_wait3A_432 = tpu.memref_squeeze %dma_wait3A_431 : memref<1x128xi32, #tpu.memory_space<vmem>> -> memref<128xi32, #tpu.memory_space<vmem>>
        %dma_wait3A_433 = arith.constant 0 : i32
        %dma_wait3A_434 = tpu.memref_slice %arg3[%dma_wait3A_429, %select_n3A_412, %dma_wait3A_433] : memref<2x2500x128xi32, #tpu.memory_space<hbm>> -> memref<1x1x128xi32, #tpu.memory_space<hbm>>
        %dma_wait3A_435 = tpu.memref_squeeze %dma_wait3A_434 : memref<1x1x128xi32, #tpu.memory_space<hbm>> -> memref<128xi32, #tpu.memory_space<hbm>>
        %dma_wait3A_436 = arith.constant 0 : i32
        %dma_wait3A_437 = tpu.memref_slice %arg6[%select_n3A_428, %dma_wait3A_436] : memref<4x128xi32, #tpu.memory_space<vmem>> -> memref<1x128xi32, #tpu.memory_space<vmem>>
        %dma_wait3A_438 = tpu.memref_squeeze %dma_wait3A_437 : memref<1x128xi32, #tpu.memory_space<vmem>> -> memref<128xi32, #tpu.memory_space<vmem>>
        %dma_wait3A_439 = arith.constant 0 : i32
        %dma_wait3A_440 = tpu.memref_slice %arg3[%dma_wait3A_429, %select_n3A_412, %dma_wait3A_439] : memref<2x2500x128xi32, #tpu.memory_space<hbm>> -> memref<1x1x128xi32, #tpu.memory_space<hbm>>
        %dma_wait3A_441 = tpu.memref_squeeze %dma_wait3A_440 : memref<1x1x128xi32, #tpu.memory_space<hbm>> -> memref<128xi32, #tpu.memory_space<hbm>>
        tpu.wait_dma2 semaphore(%arg13 : memref<!tpu.dma_semaphore, #tpu.memory_space<semaphore_mem>>) src(%dma_wait3A_441 : memref<128xi32, #tpu.memory_space<hbm>>) dst(%dma_wait3A_438 : memref<128xi32, #tpu.memory_space<vmem>>)
        %eq3A_442 = arith.constant 78 : i32
        %eq3A_443 = arith.cmpi eq, %add3A_404, %eq3A_442 : i32
        %add3A_444 = arith.constant 2496 : i32
        %add3A_445 = arith.addi %add3A_444, %add3A : i32
        %add3A_446 = arith.addi %mul3A_2, %add3A_404 : i32
        %min3A_447 = arith.constant 2499 : i32
        %min3A_448 = arith.minsi %add3A_446, %min3A_447 : i32
        %select_n3A_449 = arith.select %eq3A_443, %add3A_445, %min3A_448 : i32
        %jit3A_450 = arith.constant 4 : i32
        %eq3A_451 = arith.constant 0 : i32
        %eq3A_452 = arith.cmpi eq, %jit3A_450, %eq3A_451 : i32
        %jit3A_453 = arith.constant 1 : i32
        %select_n3A_454 = arith.select %eq3A_452, %jit3A_453, %jit3A_450 : i32
        %rem3A_455 = arith.remsi %add3A_404, %select_n3A_454 : i32
        %ne3A_456 = arith.constant 0 : i32
        %ne3A_457 = arith.cmpi ne, %rem3A_455, %ne3A_456 : i32
        %lt3A_458 = arith.constant 0 : i32
        %lt3A_459 = arith.cmpi slt, %rem3A_455, %lt3A_458 : i32
        %lt3A_460 = arith.constant 0 : i32
        %lt3A_461 = arith.cmpi slt, %select_n3A_454, %lt3A_460 : i32
        %ne3A_462 = arith.xori %lt3A_459, %lt3A_461 : i1
        %and3A_463 = arith.andi %ne3A_462, %ne3A_457 : i1
        %add3A_464 = arith.addi %rem3A_455, %select_n3A_454 : i32
        %select_n3A_465 = arith.select %and3A_463, %add3A_464, %rem3A_455 : i32
        %dma_wait3A_466 = arith.constant 1 : i32
        %dma_wait3A_467 = arith.constant 0 : i32
        %dma_wait3A_468 = tpu.memref_slice %arg7[%select_n3A_465, %dma_wait3A_467] : memref<4x128xi32, #tpu.memory_space<vmem>> -> memref<1x128xi32, #tpu.memory_space<vmem>>
        %dma_wait3A_469 = tpu.memref_squeeze %dma_wait3A_468 : memref<1x128xi32, #tpu.memory_space<vmem>> -> memref<128xi32, #tpu.memory_space<vmem>>
        %dma_wait3A_470 = arith.constant 0 : i32
        %dma_wait3A_471 = tpu.memref_slice %arg3[%dma_wait3A_466, %select_n3A_449, %dma_wait3A_470] : memref<2x2500x128xi32, #tpu.memory_space<hbm>> -> memref<1x1x128xi32, #tpu.memory_space<hbm>>
        %dma_wait3A_472 = tpu.memref_squeeze %dma_wait3A_471 : memref<1x1x128xi32, #tpu.memory_space<hbm>> -> memref<128xi32, #tpu.memory_space<hbm>>
        %dma_wait3A_473 = arith.constant 0 : i32
        %dma_wait3A_474 = tpu.memref_slice %arg7[%select_n3A_465, %dma_wait3A_473] : memref<4x128xi32, #tpu.memory_space<vmem>> -> memref<1x128xi32, #tpu.memory_space<vmem>>
        %dma_wait3A_475 = tpu.memref_squeeze %dma_wait3A_474 : memref<1x128xi32, #tpu.memory_space<vmem>> -> memref<128xi32, #tpu.memory_space<vmem>>
        %dma_wait3A_476 = arith.constant 0 : i32
        %dma_wait3A_477 = tpu.memref_slice %arg3[%dma_wait3A_466, %select_n3A_449, %dma_wait3A_476] : memref<2x2500x128xi32, #tpu.memory_space<hbm>> -> memref<1x1x128xi32, #tpu.memory_space<hbm>>
        %dma_wait3A_478 = tpu.memref_squeeze %dma_wait3A_477 : memref<1x1x128xi32, #tpu.memory_space<hbm>> -> memref<128xi32, #tpu.memory_space<hbm>>
        tpu.wait_dma2 semaphore(%arg13 : memref<!tpu.dma_semaphore, #tpu.memory_space<semaphore_mem>>) src(%dma_wait3A_478 : memref<128xi32, #tpu.memory_space<hbm>>) dst(%dma_wait3A_475 : memref<128xi32, #tpu.memory_space<vmem>>)
        %add3A_479 = arith.constant 2 : i32
        %add3A_480 = arith.addi %mul3A_193, %add3A_479 : i32
        %eq3A_481 = arith.constant 78 : i32
        %eq3A_482 = arith.cmpi eq, %add3A_480, %eq3A_481 : i32
        %add3A_483 = arith.constant 2496 : i32
        %add3A_484 = arith.addi %add3A_483, %add3A : i32
        %add3A_485 = arith.addi %mul3A_2, %add3A_480 : i32
        %min3A_486 = arith.constant 2499 : i32
        %min3A_487 = arith.minsi %add3A_485, %min3A_486 : i32
        %select_n3A_488 = arith.select %eq3A_482, %add3A_484, %min3A_487 : i32
        %jit3A_489 = arith.constant 4 : i32
        %eq3A_490 = arith.constant 0 : i32
        %eq3A_491 = arith.cmpi eq, %jit3A_489, %eq3A_490 : i32
        %jit3A_492 = arith.constant 1 : i32
        %select_n3A_493 = arith.select %eq3A_491, %jit3A_492, %jit3A_489 : i32
        %rem3A_494 = arith.remsi %add3A_480, %select_n3A_493 : i32
        %ne3A_495 = arith.constant 0 : i32
        %ne3A_496 = arith.cmpi ne, %rem3A_494, %ne3A_495 : i32
        %lt3A_497 = arith.constant 0 : i32
        %lt3A_498 = arith.cmpi slt, %rem3A_494, %lt3A_497 : i32
        %lt3A_499 = arith.constant 0 : i32
        %lt3A_500 = arith.cmpi slt, %select_n3A_493, %lt3A_499 : i32
        %ne3A_501 = arith.xori %lt3A_498, %lt3A_500 : i1
        %and3A_502 = arith.andi %ne3A_501, %ne3A_496 : i1
        %add3A_503 = arith.addi %rem3A_494, %select_n3A_493 : i32
        %select_n3A_504 = arith.select %and3A_502, %add3A_503, %rem3A_494 : i32
        %dma_wait3A_505 = arith.constant 0 : i32
        %dma_wait3A_506 = arith.constant 0 : i32
        %dma_wait3A_507 = tpu.memref_slice %arg6[%select_n3A_504, %dma_wait3A_506] : memref<4x128xi32, #tpu.memory_space<vmem>> -> memref<1x128xi32, #tpu.memory_space<vmem>>
        %dma_wait3A_508 = tpu.memref_squeeze %dma_wait3A_507 : memref<1x128xi32, #tpu.memory_space<vmem>> -> memref<128xi32, #tpu.memory_space<vmem>>
        %dma_wait3A_509 = arith.constant 0 : i32
        %dma_wait3A_510 = tpu.memref_slice %arg3[%dma_wait3A_505, %select_n3A_488, %dma_wait3A_509] : memref<2x2500x128xi32, #tpu.memory_space<hbm>> -> memref<1x1x128xi32, #tpu.memory_space<hbm>>
        %dma_wait3A_511 = tpu.memref_squeeze %dma_wait3A_510 : memref<1x1x128xi32, #tpu.memory_space<hbm>> -> memref<128xi32, #tpu.memory_space<hbm>>
        %dma_wait3A_512 = arith.constant 0 : i32
        %dma_wait3A_513 = tpu.memref_slice %arg6[%select_n3A_504, %dma_wait3A_512] : memref<4x128xi32, #tpu.memory_space<vmem>> -> memref<1x128xi32, #tpu.memory_space<vmem>>
        %dma_wait3A_514 = tpu.memref_squeeze %dma_wait3A_513 : memref<1x128xi32, #tpu.memory_space<vmem>> -> memref<128xi32, #tpu.memory_space<vmem>>
        %dma_wait3A_515 = arith.constant 0 : i32
        %dma_wait3A_516 = tpu.memref_slice %arg3[%dma_wait3A_505, %select_n3A_488, %dma_wait3A_515] : memref<2x2500x128xi32, #tpu.memory_space<hbm>> -> memref<1x1x128xi32, #tpu.memory_space<hbm>>
        %dma_wait3A_517 = tpu.memref_squeeze %dma_wait3A_516 : memref<1x1x128xi32, #tpu.memory_space<hbm>> -> memref<128xi32, #tpu.memory_space<hbm>>
        tpu.wait_dma2 semaphore(%arg13 : memref<!tpu.dma_semaphore, #tpu.memory_space<semaphore_mem>>) src(%dma_wait3A_517 : memref<128xi32, #tpu.memory_space<hbm>>) dst(%dma_wait3A_514 : memref<128xi32, #tpu.memory_space<vmem>>)
        %eq3A_518 = arith.constant 78 : i32
        %eq3A_519 = arith.cmpi eq, %add3A_480, %eq3A_518 : i32
        %add3A_520 = arith.constant 2496 : i32
        %add3A_521 = arith.addi %add3A_520, %add3A : i32
        %add3A_522 = arith.addi %mul3A_2, %add3A_480 : i32
        %min3A_523 = arith.constant 2499 : i32
        %min3A_524 = arith.minsi %add3A_522, %min3A_523 : i32
        %select_n3A_525 = arith.select %eq3A_519, %add3A_521, %min3A_524 : i32
        %jit3A_526 = arith.constant 4 : i32
        %eq3A_527 = arith.constant 0 : i32
        %eq3A_528 = arith.cmpi eq, %jit3A_526, %eq3A_527 : i32
        %jit3A_529 = arith.constant 1 : i32
        %select_n3A_530 = arith.select %eq3A_528, %jit3A_529, %jit3A_526 : i32
        %rem3A_531 = arith.remsi %add3A_480, %select_n3A_530 : i32
        %ne3A_532 = arith.constant 0 : i32
        %ne3A_533 = arith.cmpi ne, %rem3A_531, %ne3A_532 : i32
        %lt3A_534 = arith.constant 0 : i32
        %lt3A_535 = arith.cmpi slt, %rem3A_531, %lt3A_534 : i32
        %lt3A_536 = arith.constant 0 : i32
        %lt3A_537 = arith.cmpi slt, %select_n3A_530, %lt3A_536 : i32
        %ne3A_538 = arith.xori %lt3A_535, %lt3A_537 : i1
        %and3A_539 = arith.andi %ne3A_538, %ne3A_533 : i1
        %add3A_540 = arith.addi %rem3A_531, %select_n3A_530 : i32
        %select_n3A_541 = arith.select %and3A_539, %add3A_540, %rem3A_531 : i32
        %dma_wait3A_542 = arith.constant 1 : i32
        %dma_wait3A_543 = arith.constant 0 : i32
        %dma_wait3A_544 = tpu.memref_slice %arg7[%select_n3A_541, %dma_wait3A_543] : memref<4x128xi32, #tpu.memory_space<vmem>> -> memref<1x128xi32, #tpu.memory_space<vmem>>
        %dma_wait3A_545 = tpu.memref_squeeze %dma_wait3A_544 : memref<1x128xi32, #tpu.memory_space<vmem>> -> memref<128xi32, #tpu.memory_space<vmem>>
        %dma_wait3A_546 = arith.constant 0 : i32
        %dma_wait3A_547 = tpu.memref_slice %arg3[%dma_wait3A_542, %select_n3A_525, %dma_wait3A_546] : memref<2x2500x128xi32, #tpu.memory_space<hbm>> -> memref<1x1x128xi32, #tpu.memory_space<hbm>>
        %dma_wait3A_548 = tpu.memref_squeeze %dma_wait3A_547 : memref<1x1x128xi32, #tpu.memory_space<hbm>> -> memref<128xi32, #tpu.memory_space<hbm>>
        %dma_wait3A_549 = arith.constant 0 : i32
        %dma_wait3A_550 = tpu.memref_slice %arg7[%select_n3A_541, %dma_wait3A_549] : memref<4x128xi32, #tpu.memory_space<vmem>> -> memref<1x128xi32, #tpu.memory_space<vmem>>
        %dma_wait3A_551 = tpu.memref_squeeze %dma_wait3A_550 : memref<1x128xi32, #tpu.memory_space<vmem>> -> memref<128xi32, #tpu.memory_space<vmem>>
        %dma_wait3A_552 = arith.constant 0 : i32
        %dma_wait3A_553 = tpu.memref_slice %arg3[%dma_wait3A_542, %select_n3A_525, %dma_wait3A_552] : memref<2x2500x128xi32, #tpu.memory_space<hbm>> -> memref<1x1x128xi32, #tpu.memory_space<hbm>>
        %dma_wait3A_554 = tpu.memref_squeeze %dma_wait3A_553 : memref<1x1x128xi32, #tpu.memory_space<hbm>> -> memref<128xi32, #tpu.memory_space<hbm>>
        tpu.wait_dma2 semaphore(%arg13 : memref<!tpu.dma_semaphore, #tpu.memory_space<semaphore_mem>>) src(%dma_wait3A_554 : memref<128xi32, #tpu.memory_space<hbm>>) dst(%dma_wait3A_551 : memref<128xi32, #tpu.memory_space<vmem>>)
      } else {
      }
      %dma_start3A_228 = arith.constant 0 : i32
      %dma_start3A_229 = tpu.memref_slice %arg6[%select_n3A_223, %dma_start3A_228] : memref<4x128xi32, #tpu.memory_space<vmem>> -> memref<1x128xi32, #tpu.memory_space<vmem>>
      %dma_start3A_230 = tpu.memref_squeeze %dma_start3A_229 : memref<1x128xi32, #tpu.memory_space<vmem>> -> memref<128xi32, #tpu.memory_space<vmem>>
      %dma_start3A_231 = arith.constant 0 : i32
      %dma_start3A_232 = arith.constant 0 : i32
      %dma_start3A_233 = tpu.memref_slice %arg2[%dma_start3A_231, %dma_start3A_232] : memref<10000x128xf32, #tpu.memory_space<hbm>> -> memref<10000x128xf32, #tpu.memory_space<hbm>>
      tpu.enqueue_indirect_dma source(%dma_start3A_233 : memref<10000x128xf32, #tpu.memory_space<hbm>>) target(%arg9 : memref<128x128xf32, #tpu.memory_space<vmem>>) offsets(%dma_start3A_230 : memref<128xi32, #tpu.memory_space<vmem>>) semaphore(%arg12 : memref<!tpu.dma_semaphore, #tpu.memory_space<semaphore_mem>>)
      %dma_wait3A_234 = arith.constant 0 : i32
      %dma_wait3A_235 = tpu.memref_slice %arg6[%select_n3A_205, %dma_wait3A_234] : memref<4x128xi32, #tpu.memory_space<vmem>> -> memref<1x128xi32, #tpu.memory_space<vmem>>
      %dma_wait3A_236 = tpu.memref_squeeze %dma_wait3A_235 : memref<1x128xi32, #tpu.memory_space<vmem>> -> memref<128xi32, #tpu.memory_space<vmem>>
      %dma_wait3A_237 = arith.constant 0 : i32
      %dma_wait3A_238 = arith.constant 0 : i32
      %dma_wait3A_239 = tpu.memref_slice %arg2[%dma_wait3A_237, %dma_wait3A_238] : memref<10000x128xf32, #tpu.memory_space<hbm>> -> memref<10000x128xf32, #tpu.memory_space<hbm>>
      tpu.wait_indirect_dma semaphore(%arg11 : memref<!tpu.dma_semaphore, #tpu.memory_space<semaphore_mem>>) src(%dma_wait3A_239 : memref<10000x128xf32, #tpu.memory_space<hbm>>) dst(%arg8 : memref<128x128xf32, #tpu.memory_space<vmem>>)
      "tpu.region"() ({
        %run_scoped3A_403 = tpu.sem_alloc : memref<!tpu.dma_semaphore, #tpu.memory_space<semaphore_mem>>
        %dma_start3A_404 = arith.constant 0 : i32
        %dma_start3A_405 = tpu.memref_slice %arg7[%select_n3A_205, %dma_start3A_404] : memref<4x128xi32, #tpu.memory_space<vmem>> -> memref<1x128xi32, #tpu.memory_space<vmem>>
        %dma_start3A_406 = tpu.memref_squeeze %dma_start3A_405 : memref<1x128xi32, #tpu.memory_space<vmem>> -> memref<128xi32, #tpu.memory_space<vmem>>
        %dma_start3A_407 = arith.constant 0 : i32
        %dma_start3A_408 = arith.constant 0 : i32
        %dma_start3A_409 = tpu.memref_slice %arg10[%dma_start3A_407, %dma_start3A_408] : memref<10000x128xf32, #tpu.memory_space<vmem_shared>> -> memref<10000x128xf32, #tpu.memory_space<vmem_shared>>
        tpu.enqueue_indirect_dma source(%arg8 : memref<128x128xf32, #tpu.memory_space<vmem>>) target(%dma_start3A_409 : memref<10000x128xf32, #tpu.memory_space<vmem_shared>>) offsets(%dma_start3A_406 : memref<128xi32, #tpu.memory_space<vmem>>) semaphore(%run_scoped3A_403 : memref<!tpu.dma_semaphore, #tpu.memory_space<semaphore_mem>>) {add = true}
        %dma_wait3A_410 = arith.constant 0 : i32
        %dma_wait3A_411 = tpu.memref_slice %arg7[%select_n3A_205, %dma_wait3A_410] : memref<4x128xi32, #tpu.memory_space<vmem>> -> memref<1x128xi32, #tpu.memory_space<vmem>>
        %dma_wait3A_412 = tpu.memref_squeeze %dma_wait3A_411 : memref<1x128xi32, #tpu.memory_space<vmem>> -> memref<128xi32, #tpu.memory_space<vmem>>
        %dma_wait3A_413 = arith.constant 0 : i32
        %dma_wait3A_414 = arith.constant 0 : i32
        %dma_wait3A_415 = tpu.memref_slice %arg10[%dma_wait3A_413, %dma_wait3A_414] : memref<10000x128xf32, #tpu.memory_space<vmem_shared>> -> memref<10000x128xf32, #tpu.memory_space<vmem_shared>>
        tpu.wait_indirect_dma semaphore(%run_scoped3A_403 : memref<!tpu.dma_semaphore, #tpu.memory_space<semaphore_mem>>) src(%arg8 : memref<128x128xf32, #tpu.memory_space<vmem>>) dst(%dma_wait3A_415 : memref<10000x128xf32, #tpu.memory_space<vmem_shared>>)
        tpu.yield
      }) : () -> ()
      "tpu.region"() ({
        %run_scoped3A_403 = tpu.sem_alloc : memref<!tpu.dma_semaphore, #tpu.memory_space<semaphore_mem>>
        %dma_start3A_404 = arith.constant 0 : i32
        %dma_start3A_405 = tpu.memref_slice %arg7[%select_n3A_205, %dma_start3A_404] : memref<4x128xi32, #tpu.memory_space<vmem>> -> memref<1x128xi32, #tpu.memory_space<vmem>>
        %dma_start3A_406 = tpu.memref_squeeze %dma_start3A_405 : memref<1x128xi32, #tpu.memory_space<vmem>> -> memref<128xi32, #tpu.memory_space<vmem>>
        %dma_start3A_407 = arith.constant 0 : i32
        %dma_start3A_408 = arith.constant 0 : i32
        %dma_start3A_409 = tpu.memref_slice %arg16[%dma_start3A_407, %dma_start3A_408] : memref<10000x16xf32, #tpu.memory_space<vmem_shared>> -> memref<10000x16xf32, #tpu.memory_space<vmem_shared>>
        tpu.enqueue_indirect_dma source(%arg14 : memref<128x16xf32, #tpu.memory_space<vmem>>) target(%dma_start3A_409 : memref<10000x16xf32, #tpu.memory_space<vmem_shared>>) offsets(%dma_start3A_406 : memref<128xi32, #tpu.memory_space<vmem>>) semaphore(%run_scoped3A_403 : memref<!tpu.dma_semaphore, #tpu.memory_space<semaphore_mem>>) {add = true}
        %dma_wait3A_410 = arith.constant 0 : i32
        %dma_wait3A_411 = tpu.memref_slice %arg7[%select_n3A_205, %dma_wait3A_410] : memref<4x128xi32, #tpu.memory_space<vmem>> -> memref<1x128xi32, #tpu.memory_space<vmem>>
        %dma_wait3A_412 = tpu.memref_squeeze %dma_wait3A_411 : memref<1x128xi32, #tpu.memory_space<vmem>> -> memref<128xi32, #tpu.memory_space<vmem>>
        %dma_wait3A_413 = arith.constant 0 : i32
        %dma_wait3A_414 = arith.constant 0 : i32
        %dma_wait3A_415 = tpu.memref_slice %arg16[%dma_wait3A_413, %dma_wait3A_414] : memref<10000x16xf32, #tpu.memory_space<vmem_shared>> -> memref<10000x16xf32, #tpu.memory_space<vmem_shared>>
        tpu.wait_indirect_dma semaphore(%run_scoped3A_403 : memref<!tpu.dma_semaphore, #tpu.memory_space<semaphore_mem>>) src(%arg14 : memref<128x16xf32, #tpu.memory_space<vmem>>) dst(%dma_wait3A_415 : memref<10000x16xf32, #tpu.memory_space<vmem_shared>>)
        tpu.yield
      }) : () -> ()
      %add3A_240 = arith.constant 3 : i32
      %add3A_241 = arith.addi %mul3A_193, %add3A_240 : i32
      %eq3A_242 = arith.constant 78 : i32
      %eq3A_243 = arith.cmpi eq, %add3A_241, %eq3A_242 : i32
      %add3A_244 = arith.constant 2496 : i32
      %add3A_245 = arith.addi %add3A_244, %add3A : i32
      %add3A_246 = arith.addi %mul3A_2, %add3A_241 : i32
      %min3A_247 = arith.constant 2499 : i32
      %min3A_248 = arith.minsi %add3A_246, %min3A_247 : i32
      %select_n3A_249 = arith.select %eq3A_243, %add3A_245, %min3A_248 : i32
      %jit3A_250 = arith.constant 4 : i32
      %eq3A_251 = arith.constant 0 : i32
      %eq3A_252 = arith.cmpi eq, %jit3A_250, %eq3A_251 : i32
      %jit3A_253 = arith.constant 1 : i32
      %select_n3A_254 = arith.select %eq3A_252, %jit3A_253, %jit3A_250 : i32
      %rem3A_255 = arith.remsi %add3A_241, %select_n3A_254 : i32
      %ne3A_256 = arith.constant 0 : i32
      %ne3A_257 = arith.cmpi ne, %rem3A_255, %ne3A_256 : i32
      %lt3A_258 = arith.constant 0 : i32
      %lt3A_259 = arith.cmpi slt, %rem3A_255, %lt3A_258 : i32
      %lt3A_260 = arith.constant 0 : i32
      %lt3A_261 = arith.cmpi slt, %select_n3A_254, %lt3A_260 : i32
      %ne3A_262 = arith.xori %lt3A_259, %lt3A_261 : i1
      %and3A_263 = arith.andi %ne3A_262, %ne3A_257 : i1
      %add3A_264 = arith.addi %rem3A_255, %select_n3A_254 : i32
      %select_n3A_265 = arith.select %and3A_263, %add3A_264, %rem3A_255 : i32
      %dma_start3A_266 = arith.constant 0 : i32
      %dma_start3A_267 = arith.constant 0 : i32
      %dma_start3A_268 = tpu.memref_slice %arg6[%select_n3A_265, %dma_start3A_267] : memref<4x128xi32, #tpu.memory_space<vmem>> -> memref<1x128xi32, #tpu.memory_space<vmem>>
      %dma_start3A_269 = tpu.memref_squeeze %dma_start3A_268 : memref<1x128xi32, #tpu.memory_space<vmem>> -> memref<128xi32, #tpu.memory_space<vmem>>
      %dma_start3A_270 = arith.constant 0 : i32
      %dma_start3A_271 = tpu.memref_slice %arg3[%dma_start3A_266, %select_n3A_249, %dma_start3A_270] : memref<2x2500x128xi32, #tpu.memory_space<hbm>> -> memref<1x1x128xi32, #tpu.memory_space<hbm>>
      %dma_start3A_272 = tpu.memref_squeeze %dma_start3A_271 : memref<1x1x128xi32, #tpu.memory_space<hbm>> -> memref<128xi32, #tpu.memory_space<hbm>>
      %dma_start3A_273 = arith.constant 0 : i32
      %dma_start3A_274 = tpu.memref_slice %arg6[%select_n3A_265, %dma_start3A_273] : memref<4x128xi32, #tpu.memory_space<vmem>> -> memref<1x128xi32, #tpu.memory_space<vmem>>
      %dma_start3A_275 = tpu.memref_squeeze %dma_start3A_274 : memref<1x128xi32, #tpu.memory_space<vmem>> -> memref<128xi32, #tpu.memory_space<vmem>>
      %dma_start3A_276 = arith.constant 0 : i32
      %dma_start3A_277 = tpu.memref_slice %arg3[%dma_start3A_266, %select_n3A_249, %dma_start3A_276] : memref<2x2500x128xi32, #tpu.memory_space<hbm>> -> memref<1x1x128xi32, #tpu.memory_space<hbm>>
      %dma_start3A_278 = tpu.memref_squeeze %dma_start3A_277 : memref<1x1x128xi32, #tpu.memory_space<hbm>> -> memref<128xi32, #tpu.memory_space<hbm>>
      tpu.enqueue_dma source(%dma_start3A_278 : memref<128xi32, #tpu.memory_space<hbm>>) target(%dma_start3A_275 : memref<128xi32, #tpu.memory_space<vmem>>) target_semaphore(%arg13 : memref<!tpu.dma_semaphore, #tpu.memory_space<semaphore_mem>>)
      %eq3A_279 = arith.constant 78 : i32
      %eq3A_280 = arith.cmpi eq, %add3A_241, %eq3A_279 : i32
      %add3A_281 = arith.constant 2496 : i32
      %add3A_282 = arith.addi %add3A_281, %add3A : i32
      %add3A_283 = arith.addi %mul3A_2, %add3A_241 : i32
      %min3A_284 = arith.constant 2499 : i32
      %min3A_285 = arith.minsi %add3A_283, %min3A_284 : i32
      %select_n3A_286 = arith.select %eq3A_280, %add3A_282, %min3A_285 : i32
      %jit3A_287 = arith.constant 4 : i32
      %eq3A_288 = arith.constant 0 : i32
      %eq3A_289 = arith.cmpi eq, %jit3A_287, %eq3A_288 : i32
      %jit3A_290 = arith.constant 1 : i32
      %select_n3A_291 = arith.select %eq3A_289, %jit3A_290, %jit3A_287 : i32
      %rem3A_292 = arith.remsi %add3A_241, %select_n3A_291 : i32
      %ne3A_293 = arith.constant 0 : i32
      %ne3A_294 = arith.cmpi ne, %rem3A_292, %ne3A_293 : i32
      %lt3A_295 = arith.constant 0 : i32
      %lt3A_296 = arith.cmpi slt, %rem3A_292, %lt3A_295 : i32
      %lt3A_297 = arith.constant 0 : i32
      %lt3A_298 = arith.cmpi slt, %select_n3A_291, %lt3A_297 : i32
      %ne3A_299 = arith.xori %lt3A_296, %lt3A_298 : i1
      %and3A_300 = arith.andi %ne3A_299, %ne3A_294 : i1
      %add3A_301 = arith.addi %rem3A_292, %select_n3A_291 : i32
      %select_n3A_302 = arith.select %and3A_300, %add3A_301, %rem3A_292 : i32
      %dma_start3A_303 = arith.constant 1 : i32
      %dma_start3A_304 = arith.constant 0 : i32
      %dma_start3A_305 = tpu.memref_slice %arg7[%select_n3A_302, %dma_start3A_304] : memref<4x128xi32, #tpu.memory_space<vmem>> -> memref<1x128xi32, #tpu.memory_space<vmem>>
      %dma_start3A_306 = tpu.memref_squeeze %dma_start3A_305 : memref<1x128xi32, #tpu.memory_space<vmem>> -> memref<128xi32, #tpu.memory_space<vmem>>
      %dma_start3A_307 = arith.constant 0 : i32
      %dma_start3A_308 = tpu.memref_slice %arg3[%dma_start3A_303, %select_n3A_286, %dma_start3A_307] : memref<2x2500x128xi32, #tpu.memory_space<hbm>> -> memref<1x1x128xi32, #tpu.memory_space<hbm>>
      %dma_start3A_309 = tpu.memref_squeeze %dma_start3A_308 : memref<1x1x128xi32, #tpu.memory_space<hbm>> -> memref<128xi32, #tpu.memory_space<hbm>>
      %dma_start3A_310 = arith.constant 0 : i32
      %dma_start3A_311 = tpu.memref_slice %arg7[%select_n3A_302, %dma_start3A_310] : memref<4x128xi32, #tpu.memory_space<vmem>> -> memref<1x128xi32, #tpu.memory_space<vmem>>
      %dma_start3A_312 = tpu.memref_squeeze %dma_start3A_311 : memref<1x128xi32, #tpu.memory_space<vmem>> -> memref<128xi32, #tpu.memory_space<vmem>>
      %dma_start3A_313 = arith.constant 0 : i32
      %dma_start3A_314 = tpu.memref_slice %arg3[%dma_start3A_303, %select_n3A_286, %dma_start3A_313] : memref<2x2500x128xi32, #tpu.memory_space<hbm>> -> memref<1x1x128xi32, #tpu.memory_space<hbm>>
      %dma_start3A_315 = tpu.memref_squeeze %dma_start3A_314 : memref<1x1x128xi32, #tpu.memory_space<hbm>> -> memref<128xi32, #tpu.memory_space<hbm>>
      tpu.enqueue_dma source(%dma_start3A_315 : memref<128xi32, #tpu.memory_space<hbm>>) target(%dma_start3A_312 : memref<128xi32, #tpu.memory_space<vmem>>) target_semaphore(%arg13 : memref<!tpu.dma_semaphore, #tpu.memory_space<semaphore_mem>>)
      %add3A_316 = arith.constant 4 : i32
      %add3A_317 = arith.addi %mul3A_193, %add3A_316 : i32
      %eq3A_318 = arith.constant 78 : i32
      %eq3A_319 = arith.cmpi eq, %add3A_317, %eq3A_318 : i32
      %add3A_320 = arith.constant 2496 : i32
      %add3A_321 = arith.addi %add3A_320, %add3A : i32
      %add3A_322 = arith.addi %mul3A_2, %add3A_317 : i32
      %min3A_323 = arith.constant 2499 : i32
      %min3A_324 = arith.minsi %add3A_322, %min3A_323 : i32
      %select_n3A_325 = arith.select %eq3A_319, %add3A_321, %min3A_324 : i32
      %jit3A_326 = arith.constant 4 : i32
      %eq3A_327 = arith.constant 0 : i32
      %eq3A_328 = arith.cmpi eq, %jit3A_326, %eq3A_327 : i32
      %jit3A_329 = arith.constant 1 : i32
      %select_n3A_330 = arith.select %eq3A_328, %jit3A_329, %jit3A_326 : i32
      %rem3A_331 = arith.remsi %add3A_317, %select_n3A_330 : i32
      %ne3A_332 = arith.constant 0 : i32
      %ne3A_333 = arith.cmpi ne, %rem3A_331, %ne3A_332 : i32
      %lt3A_334 = arith.constant 0 : i32
      %lt3A_335 = arith.cmpi slt, %rem3A_331, %lt3A_334 : i32
      %lt3A_336 = arith.constant 0 : i32
      %lt3A_337 = arith.cmpi slt, %select_n3A_330, %lt3A_336 : i32
      %ne3A_338 = arith.xori %lt3A_335, %lt3A_337 : i1
      %and3A_339 = arith.andi %ne3A_338, %ne3A_333 : i1
      %add3A_340 = arith.addi %rem3A_331, %select_n3A_330 : i32
      %select_n3A_341 = arith.select %and3A_339, %add3A_340, %rem3A_331 : i32
      %dma_start3A_342 = arith.constant 0 : i32
      %dma_start3A_343 = arith.constant 0 : i32
      %dma_start3A_344 = tpu.memref_slice %arg6[%select_n3A_341, %dma_start3A_343] : memref<4x128xi32, #tpu.memory_space<vmem>> -> memref<1x128xi32, #tpu.memory_space<vmem>>
      %dma_start3A_345 = tpu.memref_squeeze %dma_start3A_344 : memref<1x128xi32, #tpu.memory_space<vmem>> -> memref<128xi32, #tpu.memory_space<vmem>>
      %dma_start3A_346 = arith.constant 0 : i32
      %dma_start3A_347 = tpu.memref_slice %arg3[%dma_start3A_342, %select_n3A_325, %dma_start3A_346] : memref<2x2500x128xi32, #tpu.memory_space<hbm>> -> memref<1x1x128xi32, #tpu.memory_space<hbm>>
      %dma_start3A_348 = tpu.memref_squeeze %dma_start3A_347 : memref<1x1x128xi32, #tpu.memory_space<hbm>> -> memref<128xi32, #tpu.memory_space<hbm>>
      %dma_start3A_349 = arith.constant 0 : i32
      %dma_start3A_350 = tpu.memref_slice %arg6[%select_n3A_341, %dma_start3A_349] : memref<4x128xi32, #tpu.memory_space<vmem>> -> memref<1x128xi32, #tpu.memory_space<vmem>>
      %dma_start3A_351 = tpu.memref_squeeze %dma_start3A_350 : memref<1x128xi32, #tpu.memory_space<vmem>> -> memref<128xi32, #tpu.memory_space<vmem>>
      %dma_start3A_352 = arith.constant 0 : i32
      %dma_start3A_353 = tpu.memref_slice %arg3[%dma_start3A_342, %select_n3A_325, %dma_start3A_352] : memref<2x2500x128xi32, #tpu.memory_space<hbm>> -> memref<1x1x128xi32, #tpu.memory_space<hbm>>
      %dma_start3A_354 = tpu.memref_squeeze %dma_start3A_353 : memref<1x1x128xi32, #tpu.memory_space<hbm>> -> memref<128xi32, #tpu.memory_space<hbm>>
      tpu.enqueue_dma source(%dma_start3A_354 : memref<128xi32, #tpu.memory_space<hbm>>) target(%dma_start3A_351 : memref<128xi32, #tpu.memory_space<vmem>>) target_semaphore(%arg13 : memref<!tpu.dma_semaphore, #tpu.memory_space<semaphore_mem>>)
      %eq3A_355 = arith.constant 78 : i32
      %eq3A_356 = arith.cmpi eq, %add3A_317, %eq3A_355 : i32
      %add3A_357 = arith.constant 2496 : i32
      %add3A_358 = arith.addi %add3A_357, %add3A : i32
      %add3A_359 = arith.addi %mul3A_2, %add3A_317 : i32
      %min3A_360 = arith.constant 2499 : i32
      %min3A_361 = arith.minsi %add3A_359, %min3A_360 : i32
      %select_n3A_362 = arith.select %eq3A_356, %add3A_358, %min3A_361 : i32
      %jit3A_363 = arith.constant 4 : i32
      %eq3A_364 = arith.constant 0 : i32
      %eq3A_365 = arith.cmpi eq, %jit3A_363, %eq3A_364 : i32
      %jit3A_366 = arith.constant 1 : i32
      %select_n3A_367 = arith.select %eq3A_365, %jit3A_366, %jit3A_363 : i32
      %rem3A_368 = arith.remsi %add3A_317, %select_n3A_367 : i32
      %ne3A_369 = arith.constant 0 : i32
      %ne3A_370 = arith.cmpi ne, %rem3A_368, %ne3A_369 : i32
      %lt3A_371 = arith.constant 0 : i32
      %lt3A_372 = arith.cmpi slt, %rem3A_368, %lt3A_371 : i32
      %lt3A_373 = arith.constant 0 : i32
      %lt3A_374 = arith.cmpi slt, %select_n3A_367, %lt3A_373 : i32
      %ne3A_375 = arith.xori %lt3A_372, %lt3A_374 : i1
      %and3A_376 = arith.andi %ne3A_375, %ne3A_370 : i1
      %add3A_377 = arith.addi %rem3A_368, %select_n3A_367 : i32
      %select_n3A_378 = arith.select %and3A_376, %add3A_377, %rem3A_368 : i32
      %dma_start3A_379 = arith.constant 1 : i32
      %dma_start3A_380 = arith.constant 0 : i32
      %dma_start3A_381 = tpu.memref_slice %arg7[%select_n3A_378, %dma_start3A_380] : memref<4x128xi32, #tpu.memory_space<vmem>> -> memref<1x128xi32, #tpu.memory_space<vmem>>
      %dma_start3A_382 = tpu.memref_squeeze %dma_start3A_381 : memref<1x128xi32, #tpu.memory_space<vmem>> -> memref<128xi32, #tpu.memory_space<vmem>>
      %dma_start3A_383 = arith.constant 0 : i32
      %dma_start3A_384 = tpu.memref_slice %arg3[%dma_start3A_379, %select_n3A_362, %dma_start3A_383] : memref<2x2500x128xi32, #tpu.memory_space<hbm>> -> memref<1x1x128xi32, #tpu.memory_space<hbm>>
      %dma_start3A_385 = tpu.memref_squeeze %dma_start3A_384 : memref<1x1x128xi32, #tpu.memory_space<hbm>> -> memref<128xi32, #tpu.memory_space<hbm>>
      %dma_start3A_386 = arith.constant 0 : i32
      %dma_start3A_387 = tpu.memref_slice %arg7[%select_n3A_378, %dma_start3A_386] : memref<4x128xi32, #tpu.memory_space<vmem>> -> memref<1x128xi32, #tpu.memory_space<vmem>>
      %dma_start3A_388 = tpu.memref_squeeze %dma_start3A_387 : memref<1x128xi32, #tpu.memory_space<vmem>> -> memref<128xi32, #tpu.memory_space<vmem>>
      %dma_start3A_389 = arith.constant 0 : i32
      %dma_start3A_390 = tpu.memref_slice %arg3[%dma_start3A_379, %select_n3A_362, %dma_start3A_389] : memref<2x2500x128xi32, #tpu.memory_space<hbm>> -> memref<1x1x128xi32, #tpu.memory_space<hbm>>
      %dma_start3A_391 = tpu.memref_squeeze %dma_start3A_390 : memref<1x1x128xi32, #tpu.memory_space<hbm>> -> memref<128xi32, #tpu.memory_space<hbm>>
      tpu.enqueue_dma source(%dma_start3A_391 : memref<128xi32, #tpu.memory_space<hbm>>) target(%dma_start3A_388 : memref<128xi32, #tpu.memory_space<vmem>>) target_semaphore(%arg13 : memref<!tpu.dma_semaphore, #tpu.memory_space<semaphore_mem>>)
      %lt3A_392 = arith.constant 38 : i32
      %lt3A_393 = arith.cmpi slt, %scan3A_191, %lt3A_392 : i32
      %or3A = arith.ori %lt3A_393, %lt3A_3 : i1
      %convert_element_type3A_394 = arith.extui %or3A : i1 to i32
      %cond3A_395 = arith.constant 0 : i32
      %cond3A_396 = arith.cmpi ne, %convert_element_type3A_394, %cond3A_395 : i32
      scf.if %cond3A_396 {
        %add3A_403 = arith.constant 2 : i32
        %add3A_404 = arith.addi %mul3A_193, %add3A_403 : i32
        %jit3A_405 = arith.constant 4 : i32
        %eq3A_406 = arith.constant 0 : i32
        %eq3A_407 = arith.cmpi eq, %jit3A_405, %eq3A_406 : i32
        %jit3A_408 = arith.constant 1 : i32
        %select_n3A_409 = arith.select %eq3A_407, %jit3A_408, %jit3A_405 : i32
        %rem3A_410 = arith.remsi %add3A_404, %select_n3A_409 : i32
        %ne3A_411 = arith.constant 0 : i32
        %ne3A_412 = arith.cmpi ne, %rem3A_410, %ne3A_411 : i32
        %lt3A_413 = arith.constant 0 : i32
        %lt3A_414 = arith.cmpi slt, %rem3A_410, %lt3A_413 : i32
        %lt3A_415 = arith.constant 0 : i32
        %lt3A_416 = arith.cmpi slt, %select_n3A_409, %lt3A_415 : i32
        %ne3A_417 = arith.xori %lt3A_414, %lt3A_416 : i1
        %and3A_418 = arith.andi %ne3A_417, %ne3A_412 : i1
        %add3A_419 = arith.addi %rem3A_410, %select_n3A_409 : i32
        %select_n3A_420 = arith.select %and3A_418, %add3A_419, %rem3A_410 : i32
        %dma_start3A_421 = arith.constant 0 : i32
        %dma_start3A_422 = tpu.memref_slice %arg6[%select_n3A_420, %dma_start3A_421] : memref<4x128xi32, #tpu.memory_space<vmem>> -> memref<1x128xi32, #tpu.memory_space<vmem>>
        %dma_start3A_423 = tpu.memref_squeeze %dma_start3A_422 : memref<1x128xi32, #tpu.memory_space<vmem>> -> memref<128xi32, #tpu.memory_space<vmem>>
        %dma_start3A_424 = arith.constant 0 : i32
        %dma_start3A_425 = arith.constant 0 : i32
        %dma_start3A_426 = tpu.memref_slice %arg2[%dma_start3A_424, %dma_start3A_425] : memref<10000x128xf32, #tpu.memory_space<hbm>> -> memref<10000x128xf32, #tpu.memory_space<hbm>>
        tpu.enqueue_indirect_dma source(%dma_start3A_426 : memref<10000x128xf32, #tpu.memory_space<hbm>>) target(%arg8 : memref<128x128xf32, #tpu.memory_space<vmem>>) offsets(%dma_start3A_423 : memref<128xi32, #tpu.memory_space<vmem>>) semaphore(%arg11 : memref<!tpu.dma_semaphore, #tpu.memory_space<semaphore_mem>>)
      } else {
      }
      %dma_wait3A_397 = arith.constant 0 : i32
      %dma_wait3A_398 = tpu.memref_slice %arg6[%select_n3A_223, %dma_wait3A_397] : memref<4x128xi32, #tpu.memory_space<vmem>> -> memref<1x128xi32, #tpu.memory_space<vmem>>
      %dma_wait3A_399 = tpu.memref_squeeze %dma_wait3A_398 : memref<1x128xi32, #tpu.memory_space<vmem>> -> memref<128xi32, #tpu.memory_space<vmem>>
      %dma_wait3A_400 = arith.constant 0 : i32
      %dma_wait3A_401 = arith.constant 0 : i32
      %dma_wait3A_402 = tpu.memref_slice %arg2[%dma_wait3A_400, %dma_wait3A_401] : memref<10000x128xf32, #tpu.memory_space<hbm>> -> memref<10000x128xf32, #tpu.memory_space<hbm>>
      tpu.wait_indirect_dma semaphore(%arg12 : memref<!tpu.dma_semaphore, #tpu.memory_space<semaphore_mem>>) src(%dma_wait3A_402 : memref<10000x128xf32, #tpu.memory_space<hbm>>) dst(%arg9 : memref<128x128xf32, #tpu.memory_space<vmem>>)
      "tpu.region"() ({
        %run_scoped3A_403 = tpu.sem_alloc : memref<!tpu.dma_semaphore, #tpu.memory_space<semaphore_mem>>
        %dma_start3A_404 = arith.constant 0 : i32
        %dma_start3A_405 = tpu.memref_slice %arg7[%select_n3A_223, %dma_start3A_404] : memref<4x128xi32, #tpu.memory_space<vmem>> -> memref<1x128xi32, #tpu.memory_space<vmem>>
        %dma_start3A_406 = tpu.memref_squeeze %dma_start3A_405 : memref<1x128xi32, #tpu.memory_space<vmem>> -> memref<128xi32, #tpu.memory_space<vmem>>
        %dma_start3A_407 = arith.constant 0 : i32
        %dma_start3A_408 = arith.constant 0 : i32
        %dma_start3A_409 = tpu.memref_slice %arg10[%dma_start3A_407, %dma_start3A_408] : memref<10000x128xf32, #tpu.memory_space<vmem_shared>> -> memref<10000x128xf32, #tpu.memory_space<vmem_shared>>
        tpu.enqueue_indirect_dma source(%arg9 : memref<128x128xf32, #tpu.memory_space<vmem>>) target(%dma_start3A_409 : memref<10000x128xf32, #tpu.memory_space<vmem_shared>>) offsets(%dma_start3A_406 : memref<128xi32, #tpu.memory_space<vmem>>) semaphore(%run_scoped3A_403 : memref<!tpu.dma_semaphore, #tpu.memory_space<semaphore_mem>>) {add = true}
        %dma_wait3A_410 = arith.constant 0 : i32
        %dma_wait3A_411 = tpu.memref_slice %arg7[%select_n3A_223, %dma_wait3A_410] : memref<4x128xi32, #tpu.memory_space<vmem>> -> memref<1x128xi32, #tpu.memory_space<vmem>>
        %dma_wait3A_412 = tpu.memref_squeeze %dma_wait3A_411 : memref<1x128xi32, #tpu.memory_space<vmem>> -> memref<128xi32, #tpu.memory_space<vmem>>
        %dma_wait3A_413 = arith.constant 0 : i32
        %dma_wait3A_414 = arith.constant 0 : i32
        %dma_wait3A_415 = tpu.memref_slice %arg10[%dma_wait3A_413, %dma_wait3A_414] : memref<10000x128xf32, #tpu.memory_space<vmem_shared>> -> memref<10000x128xf32, #tpu.memory_space<vmem_shared>>
        tpu.wait_indirect_dma semaphore(%run_scoped3A_403 : memref<!tpu.dma_semaphore, #tpu.memory_space<semaphore_mem>>) src(%arg9 : memref<128x128xf32, #tpu.memory_space<vmem>>) dst(%dma_wait3A_415 : memref<10000x128xf32, #tpu.memory_space<vmem_shared>>)
        tpu.yield
      }) : () -> ()
      "tpu.region"() ({
        %run_scoped3A_403 = tpu.sem_alloc : memref<!tpu.dma_semaphore, #tpu.memory_space<semaphore_mem>>
        %dma_start3A_404 = arith.constant 0 : i32
        %dma_start3A_405 = tpu.memref_slice %arg7[%select_n3A_223, %dma_start3A_404] : memref<4x128xi32, #tpu.memory_space<vmem>> -> memref<1x128xi32, #tpu.memory_space<vmem>>
        %dma_start3A_406 = tpu.memref_squeeze %dma_start3A_405 : memref<1x128xi32, #tpu.memory_space<vmem>> -> memref<128xi32, #tpu.memory_space<vmem>>
        %dma_start3A_407 = arith.constant 0 : i32
        %dma_start3A_408 = arith.constant 0 : i32
        %dma_start3A_409 = tpu.memref_slice %arg16[%dma_start3A_407, %dma_start3A_408] : memref<10000x16xf32, #tpu.memory_space<vmem_shared>> -> memref<10000x16xf32, #tpu.memory_space<vmem_shared>>
        tpu.enqueue_indirect_dma source(%arg14 : memref<128x16xf32, #tpu.memory_space<vmem>>) target(%dma_start3A_409 : memref<10000x16xf32, #tpu.memory_space<vmem_shared>>) offsets(%dma_start3A_406 : memref<128xi32, #tpu.memory_space<vmem>>) semaphore(%run_scoped3A_403 : memref<!tpu.dma_semaphore, #tpu.memory_space<semaphore_mem>>) {add = true}
        %dma_wait3A_410 = arith.constant 0 : i32
        %dma_wait3A_411 = tpu.memref_slice %arg7[%select_n3A_223, %dma_wait3A_410] : memref<4x128xi32, #tpu.memory_space<vmem>> -> memref<1x128xi32, #tpu.memory_space<vmem>>
        %dma_wait3A_412 = tpu.memref_squeeze %dma_wait3A_411 : memref<1x128xi32, #tpu.memory_space<vmem>> -> memref<128xi32, #tpu.memory_space<vmem>>
        %dma_wait3A_413 = arith.constant 0 : i32
        %dma_wait3A_414 = arith.constant 0 : i32
        %dma_wait3A_415 = tpu.memref_slice %arg16[%dma_wait3A_413, %dma_wait3A_414] : memref<10000x16xf32, #tpu.memory_space<vmem_shared>> -> memref<10000x16xf32, #tpu.memory_space<vmem_shared>>
        tpu.wait_indirect_dma semaphore(%run_scoped3A_403 : memref<!tpu.dma_semaphore, #tpu.memory_space<semaphore_mem>>) src(%arg14 : memref<128x16xf32, #tpu.memory_space<vmem>>) dst(%dma_wait3A_415 : memref<10000x16xf32, #tpu.memory_space<vmem_shared>>)
        tpu.yield
      }) : () -> ()
    }
    %scan3A_101 = arith.constant 39 : i32
    %add3A_102 = arith.constant 2496 : i32
    %add3A_103 = arith.addi %add3A_102, %add3A : i32
    %add3A_104 = arith.constant 79 : i32
    %add3A_105 = arith.addi %mul3A_2, %add3A_104 : i32
    %min3A_106 = arith.constant 2499 : i32
    %min3A_107 = arith.minsi %add3A_105, %min3A_106 : i32
    %jit3A_108 = arith.constant false
    %select_n3A_109 = arith.select %jit3A_108, %add3A_103, %min3A_107 : i32
    %dma_wait3A = arith.constant 0 : i32
    %dma_wait3A_110 = arith.constant 3 : i32
    %dma_wait3A_111 = arith.constant 0 : i32
    %dma_wait3A_112 = tpu.memref_slice %arg6[%dma_wait3A_110, %dma_wait3A_111] : memref<4x128xi32, #tpu.memory_space<vmem>> -> memref<1x128xi32, #tpu.memory_space<vmem>>
    %dma_wait3A_113 = tpu.memref_squeeze %dma_wait3A_112 : memref<1x128xi32, #tpu.memory_space<vmem>> -> memref<128xi32, #tpu.memory_space<vmem>>
    %dma_wait3A_114 = arith.constant 0 : i32
    %dma_wait3A_115 = tpu.memref_slice %arg3[%dma_wait3A, %select_n3A_109, %dma_wait3A_114] : memref<2x2500x128xi32, #tpu.memory_space<hbm>> -> memref<1x1x128xi32, #tpu.memory_space<hbm>>
    %dma_wait3A_116 = tpu.memref_squeeze %dma_wait3A_115 : memref<1x1x128xi32, #tpu.memory_space<hbm>> -> memref<128xi32, #tpu.memory_space<hbm>>
    %dma_wait3A_117 = arith.constant 0 : i32
    %dma_wait3A_118 = tpu.memref_slice %arg6[%dma_wait3A_110, %dma_wait3A_117] : memref<4x128xi32, #tpu.memory_space<vmem>> -> memref<1x128xi32, #tpu.memory_space<vmem>>
    %dma_wait3A_119 = tpu.memref_squeeze %dma_wait3A_118 : memref<1x128xi32, #tpu.memory_space<vmem>> -> memref<128xi32, #tpu.memory_space<vmem>>
    %dma_wait3A_120 = arith.constant 0 : i32
    %dma_wait3A_121 = tpu.memref_slice %arg3[%dma_wait3A, %select_n3A_109, %dma_wait3A_120] : memref<2x2500x128xi32, #tpu.memory_space<hbm>> -> memref<1x1x128xi32, #tpu.memory_space<hbm>>
    %dma_wait3A_122 = tpu.memref_squeeze %dma_wait3A_121 : memref<1x1x128xi32, #tpu.memory_space<hbm>> -> memref<128xi32, #tpu.memory_space<hbm>>
    tpu.wait_dma2 semaphore(%arg13 : memref<!tpu.dma_semaphore, #tpu.memory_space<semaphore_mem>>) src(%dma_wait3A_122 : memref<128xi32, #tpu.memory_space<hbm>>) dst(%dma_wait3A_119 : memref<128xi32, #tpu.memory_space<vmem>>)
    %add3A_123 = arith.constant 2496 : i32
    %add3A_124 = arith.addi %add3A_123, %add3A : i32
    %add3A_125 = arith.constant 79 : i32
    %add3A_126 = arith.addi %mul3A_2, %add3A_125 : i32
    %min3A_127 = arith.constant 2499 : i32
    %min3A_128 = arith.minsi %add3A_126, %min3A_127 : i32
    %jit3A_129 = arith.constant false
    %select_n3A_130 = arith.select %jit3A_129, %add3A_124, %min3A_128 : i32
    %dma_wait3A_131 = arith.constant 1 : i32
    %dma_wait3A_132 = arith.constant 3 : i32
    %dma_wait3A_133 = arith.constant 0 : i32
    %dma_wait3A_134 = tpu.memref_slice %arg7[%dma_wait3A_132, %dma_wait3A_133] : memref<4x128xi32, #tpu.memory_space<vmem>> -> memref<1x128xi32, #tpu.memory_space<vmem>>
    %dma_wait3A_135 = tpu.memref_squeeze %dma_wait3A_134 : memref<1x128xi32, #tpu.memory_space<vmem>> -> memref<128xi32, #tpu.memory_space<vmem>>
    %dma_wait3A_136 = arith.constant 0 : i32
    %dma_wait3A_137 = tpu.memref_slice %arg3[%dma_wait3A_131, %select_n3A_130, %dma_wait3A_136] : memref<2x2500x128xi32, #tpu.memory_space<hbm>> -> memref<1x1x128xi32, #tpu.memory_space<hbm>>
    %dma_wait3A_138 = tpu.memref_squeeze %dma_wait3A_137 : memref<1x1x128xi32, #tpu.memory_space<hbm>> -> memref<128xi32, #tpu.memory_space<hbm>>
    %dma_wait3A_139 = arith.constant 0 : i32
    %dma_wait3A_140 = tpu.memref_slice %arg7[%dma_wait3A_132, %dma_wait3A_139] : memref<4x128xi32, #tpu.memory_space<vmem>> -> memref<1x128xi32, #tpu.memory_space<vmem>>
    %dma_wait3A_141 = tpu.memref_squeeze %dma_wait3A_140 : memref<1x128xi32, #tpu.memory_space<vmem>> -> memref<128xi32, #tpu.memory_space<vmem>>
    %dma_wait3A_142 = arith.constant 0 : i32
    %dma_wait3A_143 = tpu.memref_slice %arg3[%dma_wait3A_131, %select_n3A_130, %dma_wait3A_142] : memref<2x2500x128xi32, #tpu.memory_space<hbm>> -> memref<1x1x128xi32, #tpu.memory_space<hbm>>
    %dma_wait3A_144 = tpu.memref_squeeze %dma_wait3A_143 : memref<1x1x128xi32, #tpu.memory_space<hbm>> -> memref<128xi32, #tpu.memory_space<hbm>>
    tpu.wait_dma2 semaphore(%arg13 : memref<!tpu.dma_semaphore, #tpu.memory_space<semaphore_mem>>) src(%dma_wait3A_144 : memref<128xi32, #tpu.memory_space<hbm>>) dst(%dma_wait3A_141 : memref<128xi32, #tpu.memory_space<vmem>>)
    %add3A_145 = arith.constant 2496 : i32
    %add3A_146 = arith.addi %add3A_145, %add3A : i32
    %add3A_147 = arith.constant 80 : i32
    %add3A_148 = arith.addi %mul3A_2, %add3A_147 : i32
    %min3A_149 = arith.constant 2499 : i32
    %min3A_150 = arith.minsi %add3A_148, %min3A_149 : i32
    %jit3A_151 = arith.constant false
    %select_n3A_152 = arith.select %jit3A_151, %add3A_146, %min3A_150 : i32
    %dma_wait3A_153 = arith.constant 0 : i32
    %dma_wait3A_154 = arith.constant 0 : i32
    %dma_wait3A_155 = arith.constant 0 : i32
    %dma_wait3A_156 = tpu.memref_slice %arg6[%dma_wait3A_154, %dma_wait3A_155] : memref<4x128xi32, #tpu.memory_space<vmem>> -> memref<1x128xi32, #tpu.memory_space<vmem>>
    %dma_wait3A_157 = tpu.memref_squeeze %dma_wait3A_156 : memref<1x128xi32, #tpu.memory_space<vmem>> -> memref<128xi32, #tpu.memory_space<vmem>>
    %dma_wait3A_158 = arith.constant 0 : i32
    %dma_wait3A_159 = tpu.memref_slice %arg3[%dma_wait3A_153, %select_n3A_152, %dma_wait3A_158] : memref<2x2500x128xi32, #tpu.memory_space<hbm>> -> memref<1x1x128xi32, #tpu.memory_space<hbm>>
    %dma_wait3A_160 = tpu.memref_squeeze %dma_wait3A_159 : memref<1x1x128xi32, #tpu.memory_space<hbm>> -> memref<128xi32, #tpu.memory_space<hbm>>
    %dma_wait3A_161 = arith.constant 0 : i32
    %dma_wait3A_162 = tpu.memref_slice %arg6[%dma_wait3A_154, %dma_wait3A_161] : memref<4x128xi32, #tpu.memory_space<vmem>> -> memref<1x128xi32, #tpu.memory_space<vmem>>
    %dma_wait3A_163 = tpu.memref_squeeze %dma_wait3A_162 : memref<1x128xi32, #tpu.memory_space<vmem>> -> memref<128xi32, #tpu.memory_space<vmem>>
    %dma_wait3A_164 = arith.constant 0 : i32
    %dma_wait3A_165 = tpu.memref_slice %arg3[%dma_wait3A_153, %select_n3A_152, %dma_wait3A_164] : memref<2x2500x128xi32, #tpu.memory_space<hbm>> -> memref<1x1x128xi32, #tpu.memory_space<hbm>>
    %dma_wait3A_166 = tpu.memref_squeeze %dma_wait3A_165 : memref<1x1x128xi32, #tpu.memory_space<hbm>> -> memref<128xi32, #tpu.memory_space<hbm>>
    tpu.wait_dma2 semaphore(%arg13 : memref<!tpu.dma_semaphore, #tpu.memory_space<semaphore_mem>>) src(%dma_wait3A_166 : memref<128xi32, #tpu.memory_space<hbm>>) dst(%dma_wait3A_163 : memref<128xi32, #tpu.memory_space<vmem>>)
    %add3A_167 = arith.constant 2496 : i32
    %add3A_168 = arith.addi %add3A_167, %add3A : i32
    %add3A_169 = arith.constant 80 : i32
    %add3A_170 = arith.addi %mul3A_2, %add3A_169 : i32
    %min3A_171 = arith.constant 2499 : i32
    %min3A_172 = arith.minsi %add3A_170, %min3A_171 : i32
    %jit3A_173 = arith.constant false
    %select_n3A_174 = arith.select %jit3A_173, %add3A_168, %min3A_172 : i32
    %dma_wait3A_175 = arith.constant 1 : i32
    %dma_wait3A_176 = arith.constant 0 : i32
    %dma_wait3A_177 = arith.constant 0 : i32
    %dma_wait3A_178 = tpu.memref_slice %arg7[%dma_wait3A_176, %dma_wait3A_177] : memref<4x128xi32, #tpu.memory_space<vmem>> -> memref<1x128xi32, #tpu.memory_space<vmem>>
    %dma_wait3A_179 = tpu.memref_squeeze %dma_wait3A_178 : memref<1x128xi32, #tpu.memory_space<vmem>> -> memref<128xi32, #tpu.memory_space<vmem>>
    %dma_wait3A_180 = arith.constant 0 : i32
    %dma_wait3A_181 = tpu.memref_slice %arg3[%dma_wait3A_175, %select_n3A_174, %dma_wait3A_180] : memref<2x2500x128xi32, #tpu.memory_space<hbm>> -> memref<1x1x128xi32, #tpu.memory_space<hbm>>
    %dma_wait3A_182 = tpu.memref_squeeze %dma_wait3A_181 : memref<1x1x128xi32, #tpu.memory_space<hbm>> -> memref<128xi32, #tpu.memory_space<hbm>>
    %dma_wait3A_183 = arith.constant 0 : i32
    %dma_wait3A_184 = tpu.memref_slice %arg7[%dma_wait3A_176, %dma_wait3A_183] : memref<4x128xi32, #tpu.memory_space<vmem>> -> memref<1x128xi32, #tpu.memory_space<vmem>>
    %dma_wait3A_185 = tpu.memref_squeeze %dma_wait3A_184 : memref<1x128xi32, #tpu.memory_space<vmem>> -> memref<128xi32, #tpu.memory_space<vmem>>
    %dma_wait3A_186 = arith.constant 0 : i32
    %dma_wait3A_187 = tpu.memref_slice %arg3[%dma_wait3A_175, %select_n3A_174, %dma_wait3A_186] : memref<2x2500x128xi32, #tpu.memory_space<hbm>> -> memref<1x1x128xi32, #tpu.memory_space<hbm>>
    %dma_wait3A_188 = tpu.memref_squeeze %dma_wait3A_187 : memref<1x1x128xi32, #tpu.memory_space<hbm>> -> memref<128xi32, #tpu.memory_space<hbm>>
    tpu.wait_dma2 semaphore(%arg13 : memref<!tpu.dma_semaphore, #tpu.memory_space<semaphore_mem>>) src(%dma_wait3A_188 : memref<128xi32, #tpu.memory_space<hbm>>) dst(%dma_wait3A_185 : memref<128xi32, #tpu.memory_space<vmem>>)
    %convert_element_type3A = arith.extui %lt3A_3 : i1 to i32
    %cond3A = arith.constant 0 : i32
    %cond3A_189 = arith.cmpi ne, %convert_element_type3A, %cond3A : i32
    scf.if %cond3A_189 {
      %dma_wait3A_191 = arith.constant 2 : i32
      %dma_wait3A_192 = arith.constant 0 : i32
      %dma_wait3A_193 = tpu.memref_slice %arg6[%dma_wait3A_191, %dma_wait3A_192] : memref<4x128xi32, #tpu.memory_space<vmem>> -> memref<1x128xi32, #tpu.memory_space<vmem>>
      %dma_wait3A_194 = tpu.memref_squeeze %dma_wait3A_193 : memref<1x128xi32, #tpu.memory_space<vmem>> -> memref<128xi32, #tpu.memory_space<vmem>>
      %dma_wait3A_195 = arith.constant 0 : i32
      %dma_wait3A_196 = arith.constant 0 : i32
      %dma_wait3A_197 = tpu.memref_slice %arg2[%dma_wait3A_195, %dma_wait3A_196] : memref<10000x128xf32, #tpu.memory_space<hbm>> -> memref<10000x128xf32, #tpu.memory_space<hbm>>
      tpu.wait_indirect_dma semaphore(%arg11 : memref<!tpu.dma_semaphore, #tpu.memory_space<semaphore_mem>>) src(%dma_wait3A_197 : memref<10000x128xf32, #tpu.memory_space<hbm>>) dst(%arg8 : memref<128x128xf32, #tpu.memory_space<vmem>>)
      %run_scoped3A_198 = arith.constant 2 : i32
      "tpu.region"() ({
        %run_scoped3A_200 = tpu.sem_alloc : memref<!tpu.dma_semaphore, #tpu.memory_space<semaphore_mem>>
        %dma_start3A_201 = arith.constant 0 : i32
        %dma_start3A_202 = tpu.memref_slice %arg7[%run_scoped3A_198, %dma_start3A_201] : memref<4x128xi32, #tpu.memory_space<vmem>> -> memref<1x128xi32, #tpu.memory_space<vmem>>
        %dma_start3A_203 = tpu.memref_squeeze %dma_start3A_202 : memref<1x128xi32, #tpu.memory_space<vmem>> -> memref<128xi32, #tpu.memory_space<vmem>>
        %dma_start3A_204 = arith.constant 0 : i32
        %dma_start3A_205 = arith.constant 0 : i32
        %dma_start3A_206 = tpu.memref_slice %arg10[%dma_start3A_204, %dma_start3A_205] : memref<10000x128xf32, #tpu.memory_space<vmem_shared>> -> memref<10000x128xf32, #tpu.memory_space<vmem_shared>>
        tpu.enqueue_indirect_dma source(%arg8 : memref<128x128xf32, #tpu.memory_space<vmem>>) target(%dma_start3A_206 : memref<10000x128xf32, #tpu.memory_space<vmem_shared>>) offsets(%dma_start3A_203 : memref<128xi32, #tpu.memory_space<vmem>>) semaphore(%run_scoped3A_200 : memref<!tpu.dma_semaphore, #tpu.memory_space<semaphore_mem>>) {add = true}
        %dma_wait3A_207 = arith.constant 0 : i32
        %dma_wait3A_208 = tpu.memref_slice %arg7[%run_scoped3A_198, %dma_wait3A_207] : memref<4x128xi32, #tpu.memory_space<vmem>> -> memref<1x128xi32, #tpu.memory_space<vmem>>
        %dma_wait3A_209 = tpu.memref_squeeze %dma_wait3A_208 : memref<1x128xi32, #tpu.memory_space<vmem>> -> memref<128xi32, #tpu.memory_space<vmem>>
        %dma_wait3A_210 = arith.constant 0 : i32
        %dma_wait3A_211 = arith.constant 0 : i32
        %dma_wait3A_212 = tpu.memref_slice %arg10[%dma_wait3A_210, %dma_wait3A_211] : memref<10000x128xf32, #tpu.memory_space<vmem_shared>> -> memref<10000x128xf32, #tpu.memory_space<vmem_shared>>
        tpu.wait_indirect_dma semaphore(%run_scoped3A_200 : memref<!tpu.dma_semaphore, #tpu.memory_space<semaphore_mem>>) src(%arg8 : memref<128x128xf32, #tpu.memory_space<vmem>>) dst(%dma_wait3A_212 : memref<10000x128xf32, #tpu.memory_space<vmem_shared>>)
        tpu.yield
      }) : () -> ()
      %run_scoped3A_199 = arith.constant 2 : i32
      "tpu.region"() ({
        %run_scoped3A_200 = tpu.sem_alloc : memref<!tpu.dma_semaphore, #tpu.memory_space<semaphore_mem>>
        %dma_start3A_201 = arith.constant 0 : i32
        %dma_start3A_202 = tpu.memref_slice %arg7[%run_scoped3A_199, %dma_start3A_201] : memref<4x128xi32, #tpu.memory_space<vmem>> -> memref<1x128xi32, #tpu.memory_space<vmem>>
        %dma_start3A_203 = tpu.memref_squeeze %dma_start3A_202 : memref<1x128xi32, #tpu.memory_space<vmem>> -> memref<128xi32, #tpu.memory_space<vmem>>
        %dma_start3A_204 = arith.constant 0 : i32
        %dma_start3A_205 = arith.constant 0 : i32
        %dma_start3A_206 = tpu.memref_slice %arg16[%dma_start3A_204, %dma_start3A_205] : memref<10000x16xf32, #tpu.memory_space<vmem_shared>> -> memref<10000x16xf32, #tpu.memory_space<vmem_shared>>
        tpu.enqueue_indirect_dma source(%arg14 : memref<128x16xf32, #tpu.memory_space<vmem>>) target(%dma_start3A_206 : memref<10000x16xf32, #tpu.memory_space<vmem_shared>>) offsets(%dma_start3A_203 : memref<128xi32, #tpu.memory_space<vmem>>) semaphore(%run_scoped3A_200 : memref<!tpu.dma_semaphore, #tpu.memory_space<semaphore_mem>>) {add = true}
        %dma_wait3A_207 = arith.constant 0 : i32
        %dma_wait3A_208 = tpu.memref_slice %arg7[%run_scoped3A_199, %dma_wait3A_207] : memref<4x128xi32, #tpu.memory_space<vmem>> -> memref<1x128xi32, #tpu.memory_space<vmem>>
        %dma_wait3A_209 = tpu.memref_squeeze %dma_wait3A_208 : memref<1x128xi32, #tpu.memory_space<vmem>> -> memref<128xi32, #tpu.memory_space<vmem>>
        %dma_wait3A_210 = arith.constant 0 : i32
        %dma_wait3A_211 = arith.constant 0 : i32
        %dma_wait3A_212 = tpu.memref_slice %arg16[%dma_wait3A_210, %dma_wait3A_211] : memref<10000x16xf32, #tpu.memory_space<vmem_shared>> -> memref<10000x16xf32, #tpu.memory_space<vmem_shared>>
        tpu.wait_indirect_dma semaphore(%run_scoped3A_200 : memref<!tpu.dma_semaphore, #tpu.memory_space<semaphore_mem>>) src(%arg14 : memref<128x16xf32, #tpu.memory_space<vmem>>) dst(%dma_wait3A_212 : memref<10000x16xf32, #tpu.memory_space<vmem_shared>>)
        tpu.yield
      }) : () -> ()
    } else {
    }
    %barrier3A_190 = arith.constant 0 : index
    tpu.barrier barrier_id(%barrier3A_190)
    "tpu.trace_stop"() : () -> ()
    "tpu.trace_start"() <{level = 10 : i32, message = "agg_writeback"}> : () -> ()
    "tpu.region"() ({
      %run_scoped3A_191 = tpu.sem_alloc : memref<!tpu.dma_semaphore, #tpu.memory_space<semaphore_mem>>
      %dma_start3A_192 = arith.constant 0 : i32
      %dma_start3A_193 = tpu.memref_slice %arg4[%arg0, %mul3A_14, %dma_start3A_192] : memref<2x10000x128xf32, #tpu.memory_space<hbm>> -> memref<1x625x128xf32, #tpu.memory_space<hbm>>
      %dma_start3A_194 = tpu.memref_squeeze %dma_start3A_193 : memref<1x625x128xf32, #tpu.memory_space<hbm>> -> memref<625x128xf32, #tpu.memory_space<hbm>>
      %dma_start3A_195 = arith.constant 0 : i32
      %dma_start3A_196 = tpu.memref_slice %arg10[%mul3A_14, %dma_start3A_195] : memref<10000x128xf32, #tpu.memory_space<vmem_shared>> -> memref<625x128xf32, #tpu.memory_space<vmem_shared>>
      tpu.enqueue_dma source(%dma_start3A_196 : memref<625x128xf32, #tpu.memory_space<vmem_shared>>) target(%dma_start3A_194 : memref<625x128xf32, #tpu.memory_space<hbm>>) target_semaphore(%run_scoped3A_191 : memref<!tpu.dma_semaphore, #tpu.memory_space<semaphore_mem>>)
      %dma_wait3A_197 = arith.constant 0 : i32
      %dma_wait3A_198 = tpu.memref_slice %arg4[%arg0, %mul3A_14, %dma_wait3A_197] : memref<2x10000x128xf32, #tpu.memory_space<hbm>> -> memref<1x625x128xf32, #tpu.memory_space<hbm>>
      %dma_wait3A_199 = tpu.memref_squeeze %dma_wait3A_198 : memref<1x625x128xf32, #tpu.memory_space<hbm>> -> memref<625x128xf32, #tpu.memory_space<hbm>>
      %dma_wait3A_200 = arith.constant 0 : i32
      %dma_wait3A_201 = tpu.memref_slice %arg10[%mul3A_14, %dma_wait3A_200] : memref<10000x128xf32, #tpu.memory_space<vmem_shared>> -> memref<625x128xf32, #tpu.memory_space<vmem_shared>>
      tpu.wait_dma2 semaphore(%run_scoped3A_191 : memref<!tpu.dma_semaphore, #tpu.memory_space<semaphore_mem>>) src(%dma_wait3A_201 : memref<625x128xf32, #tpu.memory_space<vmem_shared>>) dst(%dma_wait3A_199 : memref<625x128xf32, #tpu.memory_space<hbm>>)
      tpu.yield
    }) : () -> ()
    "tpu.region"() ({
      %run_scoped3A_191 = tpu.sem_alloc : memref<!tpu.dma_semaphore, #tpu.memory_space<semaphore_mem>>
      %dma_start3A_192 = arith.constant 0 : i32
      %dma_start3A_193 = tpu.memref_slice %arg5[%arg0, %mul3A_14, %dma_start3A_192] : memref<2x10000x16xf32, #tpu.memory_space<hbm>> -> memref<1x625x16xf32, #tpu.memory_space<hbm>>
      %dma_start3A_194 = tpu.memref_squeeze %dma_start3A_193 : memref<1x625x16xf32, #tpu.memory_space<hbm>> -> memref<625x16xf32, #tpu.memory_space<hbm>>
      %dma_start3A_195 = arith.constant 0 : i32
      %dma_start3A_196 = tpu.memref_slice %arg16[%mul3A_14, %dma_start3A_195] : memref<10000x16xf32, #tpu.memory_space<vmem_shared>> -> memref<625x16xf32, #tpu.memory_space<vmem_shared>>
      tpu.enqueue_dma source(%dma_start3A_196 : memref<625x16xf32, #tpu.memory_space<vmem_shared>>) target(%dma_start3A_194 : memref<625x16xf32, #tpu.memory_space<hbm>>) target_semaphore(%run_scoped3A_191 : memref<!tpu.dma_semaphore, #tpu.memory_space<semaphore_mem>>)
      %dma_wait3A_197 = arith.constant 0 : i32
      %dma_wait3A_198 = tpu.memref_slice %arg5[%arg0, %mul3A_14, %dma_wait3A_197] : memref<2x10000x16xf32, #tpu.memory_space<hbm>> -> memref<1x625x16xf32, #tpu.memory_space<hbm>>
      %dma_wait3A_199 = tpu.memref_squeeze %dma_wait3A_198 : memref<1x625x16xf32, #tpu.memory_space<hbm>> -> memref<625x16xf32, #tpu.memory_space<hbm>>
      %dma_wait3A_200 = arith.constant 0 : i32
      %dma_wait3A_201 = tpu.memref_slice %arg16[%mul3A_14, %dma_wait3A_200] : memref<10000x16xf32, #tpu.memory_space<vmem_shared>> -> memref<625x16xf32, #tpu.memory_space<vmem_shared>>
      tpu.wait_dma2 semaphore(%run_scoped3A_191 : memref<!tpu.dma_semaphore, #tpu.memory_space<semaphore_mem>>) src(%dma_wait3A_201 : memref<625x16xf32, #tpu.memory_space<vmem_shared>>) dst(%dma_wait3A_199 : memref<625x16xf32, #tpu.memory_space<hbm>>)
      tpu.yield
    }) : () -> ()
    "tpu.trace_stop"() : () -> ()
    return
  }
}

#map = affine_map<(d0, d1) -> (0, 0)>
#map1 = affine_map<(d0, d1) -> (0, 0, 0)>
module attributes {stable_mosaic.version = 14 : i64} {
  func.func @body(%arg0: i32, %arg1: i32, %arg2: memref<10000x48xf32, #tpu.memory_space<hbm>>, %arg3: memref<2x2500x128xi32, #tpu.memory_space<hbm>>, %arg4: memref<2x10000x48xf32, #tpu.memory_space<hbm>>, %arg5: memref<4x128xi32, #tpu.memory_space<vmem>>, %arg6: memref<4x128xi32, #tpu.memory_space<vmem>>, %arg7: memref<128x48xf32, #tpu.memory_space<vmem>>, %arg8: memref<128x48xf32, #tpu.memory_space<vmem>>, %arg9: memref<10000x48xf32, #tpu.memory_space<vmem_shared>>, %arg10: memref<!tpu.dma_semaphore, #tpu.memory_space<semaphore_mem>>, %arg11: memref<!tpu.dma_semaphore, #tpu.memory_space<semaphore_mem>>, %arg12: memref<!tpu.dma_semaphore, #tpu.memory_space<semaphore_mem>>, %arg13: memref<10000x48xf32, #tpu.memory_space<vmem_shared>>) attributes {dimension_semantics = [#tpu.dimension_semantics<core_parallel>, #tpu.dimension_semantics<subcore_parallel>], iteration_bounds = array<i64: 2, 16>, scalar_prefetch = 0 : i64, scratch_operands = 9 : i64, tpu.core_type = #tpu.core_type<sc_vector_subcore>, window_params = [{transform_indices = #map}, {transform_indices = #map1}, {transform_indices = #map1}]} {
    %mul3A = arith.constant 16 : i32
    %mul3A_0 = arith.muli %arg0, %mul3A : i32
    %add3A = arith.addi %mul3A_0, %arg1 : i32
    %mul3A_1 = arith.constant 78 : i32
    %mul3A_2 = arith.muli %add3A, %mul3A_1 : i32
    %lt3A = arith.constant 4 : i32
    %lt3A_3 = arith.cmpi slt, %add3A, %lt3A : i32
    "tpu.trace_start"() <{level = 10 : i32, message = "agg_prologue"}> : () -> ()
    %scan3A = arith.constant 0 : i32
    %scan3A_4 = arith.constant 384 : i32
    %scan3A_5 = arith.addi %scan3A, %scan3A_4 : i32
    %scan3A_6 = arith.constant 1 : i32
    scf.for %scan3A_176 = %scan3A to %scan3A_5 step %scan3A_6  : i32 {
      %jit3A_177 = arith.constant 3 : i32
      %div3A = arith.divsi %scan3A_176, %jit3A_177 : i32
      %sign3A = arith.constant 0 : i32
      %sign3A_178 = arith.cmpi sgt, %scan3A_176, %sign3A : i32
      %sign3A_179 = arith.extui %sign3A_178 : i1 to i32
      %sign3A_180 = arith.constant 0 : i32
      %sign3A_181 = arith.cmpi slt, %scan3A_176, %sign3A_180 : i32
      %sign3A_182 = arith.extui %sign3A_181 : i1 to i32
      %sign3A_183 = arith.subi %sign3A_179, %sign3A_182 : i32
      %sign3A_184 = arith.constant 0 : i32
      %sign3A_185 = arith.cmpi sgt, %jit3A_177, %sign3A_184 : i32
      %sign3A_186 = arith.extui %sign3A_185 : i1 to i32
      %sign3A_187 = arith.constant 0 : i32
      %sign3A_188 = arith.cmpi slt, %jit3A_177, %sign3A_187 : i32
      %sign3A_189 = arith.extui %sign3A_188 : i1 to i32
      %sign3A_190 = arith.subi %sign3A_186, %sign3A_189 : i32
      %ne3A = arith.cmpi ne, %sign3A_183, %sign3A_190 : i32
      %rem3A = arith.remsi %scan3A_176, %jit3A_177 : i32
      %ne3A_191 = arith.constant 0 : i32
      %ne3A_192 = arith.cmpi ne, %rem3A, %ne3A_191 : i32
      %and3A = arith.andi %ne3A, %ne3A_192 : i1
      %sub3A = arith.constant 1 : i32
      %sub3A_193 = arith.subi %div3A, %sub3A : i32
      %select_n3A_194 = arith.select %and3A, %sub3A_193, %div3A : i32
      %jit3A_195 = arith.constant 3 : i32
      %eq3A = arith.constant 0 : i32
      %eq3A_196 = arith.cmpi eq, %jit3A_195, %eq3A : i32
      %jit3A_197 = arith.constant 1 : i32
      %select_n3A_198 = arith.select %eq3A_196, %jit3A_197, %jit3A_195 : i32
      %rem3A_199 = arith.remsi %scan3A_176, %select_n3A_198 : i32
      %ne3A_200 = arith.constant 0 : i32
      %ne3A_201 = arith.cmpi ne, %rem3A_199, %ne3A_200 : i32
      %lt3A_202 = arith.constant 0 : i32
      %lt3A_203 = arith.cmpi slt, %rem3A_199, %lt3A_202 : i32
      %lt3A_204 = arith.constant 0 : i32
      %lt3A_205 = arith.cmpi slt, %select_n3A_198, %lt3A_204 : i32
      %ne3A_206 = arith.xori %lt3A_203, %lt3A_205 : i1
      %and3A_207 = arith.andi %ne3A_206, %ne3A_201 : i1
      %add3A_208 = arith.addi %rem3A_199, %select_n3A_198 : i32
      %select_n3A_209 = arith.select %and3A_207, %add3A_208, %rem3A_199 : i32
      %mul3A_210 = arith.constant 16 : i32
      %mul3A_211 = arith.muli %select_n3A_209, %mul3A_210 : i32
      %broadcast_in_dim3A = arith.constant 0.000000e+00 : f32
      %broadcast_in_dim3A_212 = vector.broadcast %broadcast_in_dim3A : f32 to vector<16xf32>
      %swap3A = arith.index_cast %select_n3A_194 : i32 to index
      %swap3A_213 = arith.index_cast %mul3A_211 : i32 to index
      %swap3A_214 = tpu.vector_load %arg7[%swap3A, %swap3A_213] {strides = array<i32>} : memref<128x48xf32, #tpu.memory_space<vmem>>, vector<1x16xf32>,
      %swap3A_215 = vector.shape_cast %swap3A_214 : vector<1x16xf32> to vector<16xf32>
      %swap3A_216 = vector.shape_cast %broadcast_in_dim3A_212 : vector<16xf32> to vector<1x16xf32>
      tpu.vector_store %arg7[%swap3A, %swap3A_213], %swap3A_216 {strides = array<i32>} : memref<128x48xf32, #tpu.memory_space<vmem>>, vector<1x16xf32>,
    }
    %scan3A_7 = arith.constant 384 : i32
    %mul3A_8 = arith.constant 625 : i32
    %mul3A_9 = arith.muli %arg1, %mul3A_8 : i32
    %add3A_10 = arith.constant 0 : i32
    %add3A_11 = arith.addi %mul3A_9, %add3A_10 : i32
    "tpu.region"() ({
      %run_scoped3A_176 = tpu.sem_alloc : memref<!tpu.dma_semaphore, #tpu.memory_space<semaphore_mem>>
      %dma_start3A_177 = arith.constant 0 : i32
      %dma_start3A_178 = tpu.memref_slice %arg9[%add3A_11, %dma_start3A_177] : memref<10000x48xf32, #tpu.memory_space<vmem_shared>> -> memref<128x48xf32, #tpu.memory_space<vmem_shared>>
      %dma_start3A_179 = arith.constant 0 : i32
      %dma_start3A_180 = tpu.memref_slice %arg9[%add3A_11, %dma_start3A_179] : memref<10000x48xf32, #tpu.memory_space<vmem_shared>> -> memref<128x48xf32, #tpu.memory_space<vmem_shared>>
      tpu.enqueue_dma source(%arg7 : memref<128x48xf32, #tpu.memory_space<vmem>>) target(%dma_start3A_180 : memref<128x48xf32, #tpu.memory_space<vmem_shared>>) target_semaphore(%run_scoped3A_176 : memref<!tpu.dma_semaphore, #tpu.memory_space<semaphore_mem>>)
      %dma_wait3A_181 = arith.constant 0 : i32
      %dma_wait3A_182 = tpu.memref_slice %arg9[%add3A_11, %dma_wait3A_181] : memref<10000x48xf32, #tpu.memory_space<vmem_shared>> -> memref<128x48xf32, #tpu.memory_space<vmem_shared>>
      %dma_wait3A_183 = arith.constant 0 : i32
      %dma_wait3A_184 = tpu.memref_slice %arg9[%add3A_11, %dma_wait3A_183] : memref<10000x48xf32, #tpu.memory_space<vmem_shared>> -> memref<128x48xf32, #tpu.memory_space<vmem_shared>>
      tpu.wait_dma2 semaphore(%run_scoped3A_176 : memref<!tpu.dma_semaphore, #tpu.memory_space<semaphore_mem>>) src(%arg7 : memref<128x48xf32, #tpu.memory_space<vmem>>) dst(%dma_wait3A_184 : memref<128x48xf32, #tpu.memory_space<vmem_shared>>)
      tpu.yield
    }) : () -> ()
    %add3A_12 = arith.constant 128 : i32
    %add3A_13 = arith.addi %mul3A_9, %add3A_12 : i32
    "tpu.region"() ({
      %run_scoped3A_176 = tpu.sem_alloc : memref<!tpu.dma_semaphore, #tpu.memory_space<semaphore_mem>>
      %dma_start3A_177 = arith.constant 0 : i32
      %dma_start3A_178 = tpu.memref_slice %arg9[%add3A_13, %dma_start3A_177] : memref<10000x48xf32, #tpu.memory_space<vmem_shared>> -> memref<128x48xf32, #tpu.memory_space<vmem_shared>>
      %dma_start3A_179 = arith.constant 0 : i32
      %dma_start3A_180 = tpu.memref_slice %arg9[%add3A_13, %dma_start3A_179] : memref<10000x48xf32, #tpu.memory_space<vmem_shared>> -> memref<128x48xf32, #tpu.memory_space<vmem_shared>>
      tpu.enqueue_dma source(%arg7 : memref<128x48xf32, #tpu.memory_space<vmem>>) target(%dma_start3A_180 : memref<128x48xf32, #tpu.memory_space<vmem_shared>>) target_semaphore(%run_scoped3A_176 : memref<!tpu.dma_semaphore, #tpu.memory_space<semaphore_mem>>)
      %dma_wait3A_181 = arith.constant 0 : i32
      %dma_wait3A_182 = tpu.memref_slice %arg9[%add3A_13, %dma_wait3A_181] : memref<10000x48xf32, #tpu.memory_space<vmem_shared>> -> memref<128x48xf32, #tpu.memory_space<vmem_shared>>
      %dma_wait3A_183 = arith.constant 0 : i32
      %dma_wait3A_184 = tpu.memref_slice %arg9[%add3A_13, %dma_wait3A_183] : memref<10000x48xf32, #tpu.memory_space<vmem_shared>> -> memref<128x48xf32, #tpu.memory_space<vmem_shared>>
      tpu.wait_dma2 semaphore(%run_scoped3A_176 : memref<!tpu.dma_semaphore, #tpu.memory_space<semaphore_mem>>) src(%arg7 : memref<128x48xf32, #tpu.memory_space<vmem>>) dst(%dma_wait3A_184 : memref<128x48xf32, #tpu.memory_space<vmem_shared>>)
      tpu.yield
    }) : () -> ()
    %add3A_14 = arith.constant 256 : i32
    %add3A_15 = arith.addi %mul3A_9, %add3A_14 : i32
    "tpu.region"() ({
      %run_scoped3A_176 = tpu.sem_alloc : memref<!tpu.dma_semaphore, #tpu.memory_space<semaphore_mem>>
      %dma_start3A_177 = arith.constant 0 : i32
      %dma_start3A_178 = tpu.memref_slice %arg9[%add3A_15, %dma_start3A_177] : memref<10000x48xf32, #tpu.memory_space<vmem_shared>> -> memref<128x48xf32, #tpu.memory_space<vmem_shared>>
      %dma_start3A_179 = arith.constant 0 : i32
      %dma_start3A_180 = tpu.memref_slice %arg9[%add3A_15, %dma_start3A_179] : memref<10000x48xf32, #tpu.memory_space<vmem_shared>> -> memref<128x48xf32, #tpu.memory_space<vmem_shared>>
      tpu.enqueue_dma source(%arg7 : memref<128x48xf32, #tpu.memory_space<vmem>>) target(%dma_start3A_180 : memref<128x48xf32, #tpu.memory_space<vmem_shared>>) target_semaphore(%run_scoped3A_176 : memref<!tpu.dma_semaphore, #tpu.memory_space<semaphore_mem>>)
      %dma_wait3A_181 = arith.constant 0 : i32
      %dma_wait3A_182 = tpu.memref_slice %arg9[%add3A_15, %dma_wait3A_181] : memref<10000x48xf32, #tpu.memory_space<vmem_shared>> -> memref<128x48xf32, #tpu.memory_space<vmem_shared>>
      %dma_wait3A_183 = arith.constant 0 : i32
      %dma_wait3A_184 = tpu.memref_slice %arg9[%add3A_15, %dma_wait3A_183] : memref<10000x48xf32, #tpu.memory_space<vmem_shared>> -> memref<128x48xf32, #tpu.memory_space<vmem_shared>>
      tpu.wait_dma2 semaphore(%run_scoped3A_176 : memref<!tpu.dma_semaphore, #tpu.memory_space<semaphore_mem>>) src(%arg7 : memref<128x48xf32, #tpu.memory_space<vmem>>) dst(%dma_wait3A_184 : memref<128x48xf32, #tpu.memory_space<vmem_shared>>)
      tpu.yield
    }) : () -> ()
    %add3A_16 = arith.constant 384 : i32
    %add3A_17 = arith.addi %mul3A_9, %add3A_16 : i32
    "tpu.region"() ({
      %run_scoped3A_176 = tpu.sem_alloc : memref<!tpu.dma_semaphore, #tpu.memory_space<semaphore_mem>>
      %dma_start3A_177 = arith.constant 0 : i32
      %dma_start3A_178 = tpu.memref_slice %arg9[%add3A_17, %dma_start3A_177] : memref<10000x48xf32, #tpu.memory_space<vmem_shared>> -> memref<128x48xf32, #tpu.memory_space<vmem_shared>>
      %dma_start3A_179 = arith.constant 0 : i32
      %dma_start3A_180 = tpu.memref_slice %arg9[%add3A_17, %dma_start3A_179] : memref<10000x48xf32, #tpu.memory_space<vmem_shared>> -> memref<128x48xf32, #tpu.memory_space<vmem_shared>>
      tpu.enqueue_dma source(%arg7 : memref<128x48xf32, #tpu.memory_space<vmem>>) target(%dma_start3A_180 : memref<128x48xf32, #tpu.memory_space<vmem_shared>>) target_semaphore(%run_scoped3A_176 : memref<!tpu.dma_semaphore, #tpu.memory_space<semaphore_mem>>)
      %dma_wait3A_181 = arith.constant 0 : i32
      %dma_wait3A_182 = tpu.memref_slice %arg9[%add3A_17, %dma_wait3A_181] : memref<10000x48xf32, #tpu.memory_space<vmem_shared>> -> memref<128x48xf32, #tpu.memory_space<vmem_shared>>
      %dma_wait3A_183 = arith.constant 0 : i32
      %dma_wait3A_184 = tpu.memref_slice %arg9[%add3A_17, %dma_wait3A_183] : memref<10000x48xf32, #tpu.memory_space<vmem_shared>> -> memref<128x48xf32, #tpu.memory_space<vmem_shared>>
      tpu.wait_dma2 semaphore(%run_scoped3A_176 : memref<!tpu.dma_semaphore, #tpu.memory_space<semaphore_mem>>) src(%arg7 : memref<128x48xf32, #tpu.memory_space<vmem>>) dst(%dma_wait3A_184 : memref<128x48xf32, #tpu.memory_space<vmem_shared>>)
      tpu.yield
    }) : () -> ()
    %add3A_18 = arith.constant 512 : i32
    %add3A_19 = arith.addi %mul3A_9, %add3A_18 : i32
    "tpu.region"() ({
      %run_scoped3A_176 = tpu.sem_alloc : memref<!tpu.dma_semaphore, #tpu.memory_space<semaphore_mem>>
      %dma_start3A_177 = arith.constant 0 : i32
      %dma_start3A_178 = arith.constant 0 : i32
      %dma_start3A_179 = tpu.memref_slice %arg7[%dma_start3A_177, %dma_start3A_178] : memref<128x48xf32, #tpu.memory_space<vmem>> -> memref<113x48xf32, #tpu.memory_space<vmem>>
      %dma_start3A_180 = arith.constant 0 : i32
      %dma_start3A_181 = tpu.memref_slice %arg9[%add3A_19, %dma_start3A_180] : memref<10000x48xf32, #tpu.memory_space<vmem_shared>> -> memref<113x48xf32, #tpu.memory_space<vmem_shared>>
      %dma_start3A_182 = arith.constant 0 : i32
      %dma_start3A_183 = tpu.memref_slice %arg9[%add3A_19, %dma_start3A_182] : memref<10000x48xf32, #tpu.memory_space<vmem_shared>> -> memref<113x48xf32, #tpu.memory_space<vmem_shared>>
      %dma_start3A_184 = arith.constant 0 : i32
      %dma_start3A_185 = arith.constant 0 : i32
      %dma_start3A_186 = tpu.memref_slice %arg7[%dma_start3A_184, %dma_start3A_185] : memref<128x48xf32, #tpu.memory_space<vmem>> -> memref<113x48xf32, #tpu.memory_space<vmem>>
      tpu.enqueue_dma source(%dma_start3A_186 : memref<113x48xf32, #tpu.memory_space<vmem>>) target(%dma_start3A_183 : memref<113x48xf32, #tpu.memory_space<vmem_shared>>) target_semaphore(%run_scoped3A_176 : memref<!tpu.dma_semaphore, #tpu.memory_space<semaphore_mem>>)
      %dma_wait3A_187 = arith.constant 0 : i32
      %dma_wait3A_188 = arith.constant 0 : i32
      %dma_wait3A_189 = tpu.memref_slice %arg7[%dma_wait3A_187, %dma_wait3A_188] : memref<128x48xf32, #tpu.memory_space<vmem>> -> memref<113x48xf32, #tpu.memory_space<vmem>>
      %dma_wait3A_190 = arith.constant 0 : i32
      %dma_wait3A_191 = tpu.memref_slice %arg9[%add3A_19, %dma_wait3A_190] : memref<10000x48xf32, #tpu.memory_space<vmem_shared>> -> memref<113x48xf32, #tpu.memory_space<vmem_shared>>
      %dma_wait3A_192 = arith.constant 0 : i32
      %dma_wait3A_193 = tpu.memref_slice %arg9[%add3A_19, %dma_wait3A_192] : memref<10000x48xf32, #tpu.memory_space<vmem_shared>> -> memref<113x48xf32, #tpu.memory_space<vmem_shared>>
      %dma_wait3A_194 = arith.constant 0 : i32
      %dma_wait3A_195 = arith.constant 0 : i32
      %dma_wait3A_196 = tpu.memref_slice %arg7[%dma_wait3A_194, %dma_wait3A_195] : memref<128x48xf32, #tpu.memory_space<vmem>> -> memref<113x48xf32, #tpu.memory_space<vmem>>
      tpu.wait_dma2 semaphore(%run_scoped3A_176 : memref<!tpu.dma_semaphore, #tpu.memory_space<semaphore_mem>>) src(%dma_wait3A_196 : memref<113x48xf32, #tpu.memory_space<vmem>>) dst(%dma_wait3A_193 : memref<113x48xf32, #tpu.memory_space<vmem_shared>>)
      tpu.yield
    }) : () -> ()
    "tpu.region"() ({
      %run_scoped3A_176 = tpu.sem_alloc : memref<!tpu.dma_semaphore, #tpu.memory_space<semaphore_mem>>
      %dma_start3A_177 = arith.constant 0 : i32
      %dma_start3A_178 = tpu.memref_slice %arg13[%mul3A_9, %dma_start3A_177] : memref<10000x48xf32, #tpu.memory_space<vmem_shared>> -> memref<625x48xf32, #tpu.memory_space<vmem_shared>>
      %dma_start3A_179 = arith.constant 0 : i32
      %dma_start3A_180 = tpu.memref_slice %arg2[%mul3A_9, %dma_start3A_179] : memref<10000x48xf32, #tpu.memory_space<hbm>> -> memref<625x48xf32, #tpu.memory_space<hbm>>
      tpu.enqueue_dma source(%dma_start3A_180 : memref<625x48xf32, #tpu.memory_space<hbm>>) target(%dma_start3A_178 : memref<625x48xf32, #tpu.memory_space<vmem_shared>>) target_semaphore(%run_scoped3A_176 : memref<!tpu.dma_semaphore, #tpu.memory_space<semaphore_mem>>)
      %dma_wait3A_181 = arith.constant 0 : i32
      %dma_wait3A_182 = tpu.memref_slice %arg13[%mul3A_9, %dma_wait3A_181] : memref<10000x48xf32, #tpu.memory_space<vmem_shared>> -> memref<625x48xf32, #tpu.memory_space<vmem_shared>>
      %dma_wait3A_183 = arith.constant 0 : i32
      %dma_wait3A_184 = tpu.memref_slice %arg2[%mul3A_9, %dma_wait3A_183] : memref<10000x48xf32, #tpu.memory_space<hbm>> -> memref<625x48xf32, #tpu.memory_space<hbm>>
      tpu.wait_dma2 semaphore(%run_scoped3A_176 : memref<!tpu.dma_semaphore, #tpu.memory_space<semaphore_mem>>) src(%dma_wait3A_184 : memref<625x48xf32, #tpu.memory_space<hbm>>) dst(%dma_wait3A_182 : memref<625x48xf32, #tpu.memory_space<vmem_shared>>)
      tpu.yield
    }) : () -> ()
    %add3A_20 = arith.constant 2496 : i32
    %add3A_21 = arith.addi %add3A_20, %add3A : i32
    %add3A_22 = arith.constant 0 : i32
    %add3A_23 = arith.addi %mul3A_2, %add3A_22 : i32
    %min3A = arith.constant 2499 : i32
    %min3A_24 = arith.minsi %add3A_23, %min3A : i32
    %jit3A = arith.constant false
    %select_n3A = arith.select %jit3A, %add3A_21, %min3A_24 : i32
    %run_scoped3A = arith.constant 0 : i32
    %run_scoped3A_25 = arith.constant 0 : i32
    "tpu.region"() ({
      %run_scoped3A_176 = tpu.sem_alloc : memref<!tpu.dma_semaphore, #tpu.memory_space<semaphore_mem>>
      %dma_start3A_177 = arith.constant 0 : i32
      %dma_start3A_178 = tpu.memref_slice %arg5[%run_scoped3A_25, %dma_start3A_177] : memref<4x128xi32, #tpu.memory_space<vmem>> -> memref<1x128xi32, #tpu.memory_space<vmem>>
      %dma_start3A_179 = tpu.memref_squeeze %dma_start3A_178 : memref<1x128xi32, #tpu.memory_space<vmem>> -> memref<128xi32, #tpu.memory_space<vmem>>
      %dma_start3A_180 = arith.constant 0 : i32
      %dma_start3A_181 = tpu.memref_slice %arg3[%run_scoped3A, %select_n3A, %dma_start3A_180] : memref<2x2500x128xi32, #tpu.memory_space<hbm>> -> memref<1x1x128xi32, #tpu.memory_space<hbm>>
      %dma_start3A_182 = tpu.memref_squeeze %dma_start3A_181 : memref<1x1x128xi32, #tpu.memory_space<hbm>> -> memref<128xi32, #tpu.memory_space<hbm>>
      %dma_start3A_183 = arith.constant 0 : i32
      %dma_start3A_184 = tpu.memref_slice %arg5[%run_scoped3A_25, %dma_start3A_183] : memref<4x128xi32, #tpu.memory_space<vmem>> -> memref<1x128xi32, #tpu.memory_space<vmem>>
      %dma_start3A_185 = tpu.memref_squeeze %dma_start3A_184 : memref<1x128xi32, #tpu.memory_space<vmem>> -> memref<128xi32, #tpu.memory_space<vmem>>
      %dma_start3A_186 = arith.constant 0 : i32
      %dma_start3A_187 = tpu.memref_slice %arg3[%run_scoped3A, %select_n3A, %dma_start3A_186] : memref<2x2500x128xi32, #tpu.memory_space<hbm>> -> memref<1x1x128xi32, #tpu.memory_space<hbm>>
      %dma_start3A_188 = tpu.memref_squeeze %dma_start3A_187 : memref<1x1x128xi32, #tpu.memory_space<hbm>> -> memref<128xi32, #tpu.memory_space<hbm>>
      tpu.enqueue_dma source(%dma_start3A_188 : memref<128xi32, #tpu.memory_space<hbm>>) target(%dma_start3A_185 : memref<128xi32, #tpu.memory_space<vmem>>) target_semaphore(%run_scoped3A_176 : memref<!tpu.dma_semaphore, #tpu.memory_space<semaphore_mem>>)
      %dma_wait3A_189 = arith.constant 0 : i32
      %dma_wait3A_190 = tpu.memref_slice %arg5[%run_scoped3A_25, %dma_wait3A_189] : memref<4x128xi32, #tpu.memory_space<vmem>> -> memref<1x128xi32, #tpu.memory_space<vmem>>
      %dma_wait3A_191 = tpu.memref_squeeze %dma_wait3A_190 : memref<1x128xi32, #tpu.memory_space<vmem>> -> memref<128xi32, #tpu.memory_space<vmem>>
      %dma_wait3A_192 = arith.constant 0 : i32
      %dma_wait3A_193 = tpu.memref_slice %arg3[%run_scoped3A, %select_n3A, %dma_wait3A_192] : memref<2x2500x128xi32, #tpu.memory_space<hbm>> -> memref<1x1x128xi32, #tpu.memory_space<hbm>>
      %dma_wait3A_194 = tpu.memref_squeeze %dma_wait3A_193 : memref<1x1x128xi32, #tpu.memory_space<hbm>> -> memref<128xi32, #tpu.memory_space<hbm>>
      %dma_wait3A_195 = arith.constant 0 : i32
      %dma_wait3A_196 = tpu.memref_slice %arg5[%run_scoped3A_25, %dma_wait3A_195] : memref<4x128xi32, #tpu.memory_space<vmem>> -> memref<1x128xi32, #tpu.memory_space<vmem>>
      %dma_wait3A_197 = tpu.memref_squeeze %dma_wait3A_196 : memref<1x128xi32, #tpu.memory_space<vmem>> -> memref<128xi32, #tpu.memory_space<vmem>>
      %dma_wait3A_198 = arith.constant 0 : i32
      %dma_wait3A_199 = tpu.memref_slice %arg3[%run_scoped3A, %select_n3A, %dma_wait3A_198] : memref<2x2500x128xi32, #tpu.memory_space<hbm>> -> memref<1x1x128xi32, #tpu.memory_space<hbm>>
      %dma_wait3A_200 = tpu.memref_squeeze %dma_wait3A_199 : memref<1x1x128xi32, #tpu.memory_space<hbm>> -> memref<128xi32, #tpu.memory_space<hbm>>
      tpu.wait_dma2 semaphore(%run_scoped3A_176 : memref<!tpu.dma_semaphore, #tpu.memory_space<semaphore_mem>>) src(%dma_wait3A_200 : memref<128xi32, #tpu.memory_space<hbm>>) dst(%dma_wait3A_197 : memref<128xi32, #tpu.memory_space<vmem>>)
      tpu.yield
    }) : () -> ()
    %add3A_26 = arith.constant 2496 : i32
    %add3A_27 = arith.addi %add3A_26, %add3A : i32
    %add3A_28 = arith.constant 0 : i32
    %add3A_29 = arith.addi %mul3A_2, %add3A_28 : i32
    %min3A_30 = arith.constant 2499 : i32
    %min3A_31 = arith.minsi %add3A_29, %min3A_30 : i32
    %jit3A_32 = arith.constant false
    %select_n3A_33 = arith.select %jit3A_32, %add3A_27, %min3A_31 : i32
    %run_scoped3A_34 = arith.constant 1 : i32
    %run_scoped3A_35 = arith.constant 0 : i32
    "tpu.region"() ({
      %run_scoped3A_176 = tpu.sem_alloc : memref<!tpu.dma_semaphore, #tpu.memory_space<semaphore_mem>>
      %dma_start3A_177 = arith.constant 0 : i32
      %dma_start3A_178 = tpu.memref_slice %arg6[%run_scoped3A_35, %dma_start3A_177] : memref<4x128xi32, #tpu.memory_space<vmem>> -> memref<1x128xi32, #tpu.memory_space<vmem>>
      %dma_start3A_179 = tpu.memref_squeeze %dma_start3A_178 : memref<1x128xi32, #tpu.memory_space<vmem>> -> memref<128xi32, #tpu.memory_space<vmem>>
      %dma_start3A_180 = arith.constant 0 : i32
      %dma_start3A_181 = tpu.memref_slice %arg3[%run_scoped3A_34, %select_n3A_33, %dma_start3A_180] : memref<2x2500x128xi32, #tpu.memory_space<hbm>> -> memref<1x1x128xi32, #tpu.memory_space<hbm>>
      %dma_start3A_182 = tpu.memref_squeeze %dma_start3A_181 : memref<1x1x128xi32, #tpu.memory_space<hbm>> -> memref<128xi32, #tpu.memory_space<hbm>>
      %dma_start3A_183 = arith.constant 0 : i32
      %dma_start3A_184 = tpu.memref_slice %arg6[%run_scoped3A_35, %dma_start3A_183] : memref<4x128xi32, #tpu.memory_space<vmem>> -> memref<1x128xi32, #tpu.memory_space<vmem>>
      %dma_start3A_185 = tpu.memref_squeeze %dma_start3A_184 : memref<1x128xi32, #tpu.memory_space<vmem>> -> memref<128xi32, #tpu.memory_space<vmem>>
      %dma_start3A_186 = arith.constant 0 : i32
      %dma_start3A_187 = tpu.memref_slice %arg3[%run_scoped3A_34, %select_n3A_33, %dma_start3A_186] : memref<2x2500x128xi32, #tpu.memory_space<hbm>> -> memref<1x1x128xi32, #tpu.memory_space<hbm>>
      %dma_start3A_188 = tpu.memref_squeeze %dma_start3A_187 : memref<1x1x128xi32, #tpu.memory_space<hbm>> -> memref<128xi32, #tpu.memory_space<hbm>>
      tpu.enqueue_dma source(%dma_start3A_188 : memref<128xi32, #tpu.memory_space<hbm>>) target(%dma_start3A_185 : memref<128xi32, #tpu.memory_space<vmem>>) target_semaphore(%run_scoped3A_176 : memref<!tpu.dma_semaphore, #tpu.memory_space<semaphore_mem>>)
      %dma_wait3A_189 = arith.constant 0 : i32
      %dma_wait3A_190 = tpu.memref_slice %arg6[%run_scoped3A_35, %dma_wait3A_189] : memref<4x128xi32, #tpu.memory_space<vmem>> -> memref<1x128xi32, #tpu.memory_space<vmem>>
      %dma_wait3A_191 = tpu.memref_squeeze %dma_wait3A_190 : memref<1x128xi32, #tpu.memory_space<vmem>> -> memref<128xi32, #tpu.memory_space<vmem>>
      %dma_wait3A_192 = arith.constant 0 : i32
      %dma_wait3A_193 = tpu.memref_slice %arg3[%run_scoped3A_34, %select_n3A_33, %dma_wait3A_192] : memref<2x2500x128xi32, #tpu.memory_space<hbm>> -> memref<1x1x128xi32, #tpu.memory_space<hbm>>
      %dma_wait3A_194 = tpu.memref_squeeze %dma_wait3A_193 : memref<1x1x128xi32, #tpu.memory_space<hbm>> -> memref<128xi32, #tpu.memory_space<hbm>>
      %dma_wait3A_195 = arith.constant 0 : i32
      %dma_wait3A_196 = tpu.memref_slice %arg6[%run_scoped3A_35, %dma_wait3A_195] : memref<4x128xi32, #tpu.memory_space<vmem>> -> memref<1x128xi32, #tpu.memory_space<vmem>>
      %dma_wait3A_197 = tpu.memref_squeeze %dma_wait3A_196 : memref<1x128xi32, #tpu.memory_space<vmem>> -> memref<128xi32, #tpu.memory_space<vmem>>
      %dma_wait3A_198 = arith.constant 0 : i32
      %dma_wait3A_199 = tpu.memref_slice %arg3[%run_scoped3A_34, %select_n3A_33, %dma_wait3A_198] : memref<2x2500x128xi32, #tpu.memory_space<hbm>> -> memref<1x1x128xi32, #tpu.memory_space<hbm>>
      %dma_wait3A_200 = tpu.memref_squeeze %dma_wait3A_199 : memref<1x1x128xi32, #tpu.memory_space<hbm>> -> memref<128xi32, #tpu.memory_space<hbm>>
      tpu.wait_dma2 semaphore(%run_scoped3A_176 : memref<!tpu.dma_semaphore, #tpu.memory_space<semaphore_mem>>) src(%dma_wait3A_200 : memref<128xi32, #tpu.memory_space<hbm>>) dst(%dma_wait3A_197 : memref<128xi32, #tpu.memory_space<vmem>>)
      tpu.yield
    }) : () -> ()
    %add3A_36 = arith.constant 2496 : i32
    %add3A_37 = arith.addi %add3A_36, %add3A : i32
    %add3A_38 = arith.constant 1 : i32
    %add3A_39 = arith.addi %mul3A_2, %add3A_38 : i32
    %min3A_40 = arith.constant 2499 : i32
    %min3A_41 = arith.minsi %add3A_39, %min3A_40 : i32
    %jit3A_42 = arith.constant false
    %select_n3A_43 = arith.select %jit3A_42, %add3A_37, %min3A_41 : i32
    %run_scoped3A_44 = arith.constant 0 : i32
    %run_scoped3A_45 = arith.constant 1 : i32
    "tpu.region"() ({
      %run_scoped3A_176 = tpu.sem_alloc : memref<!tpu.dma_semaphore, #tpu.memory_space<semaphore_mem>>
      %dma_start3A_177 = arith.constant 0 : i32
      %dma_start3A_178 = tpu.memref_slice %arg5[%run_scoped3A_45, %dma_start3A_177] : memref<4x128xi32, #tpu.memory_space<vmem>> -> memref<1x128xi32, #tpu.memory_space<vmem>>
      %dma_start3A_179 = tpu.memref_squeeze %dma_start3A_178 : memref<1x128xi32, #tpu.memory_space<vmem>> -> memref<128xi32, #tpu.memory_space<vmem>>
      %dma_start3A_180 = arith.constant 0 : i32
      %dma_start3A_181 = tpu.memref_slice %arg3[%run_scoped3A_44, %select_n3A_43, %dma_start3A_180] : memref<2x2500x128xi32, #tpu.memory_space<hbm>> -> memref<1x1x128xi32, #tpu.memory_space<hbm>>
      %dma_start3A_182 = tpu.memref_squeeze %dma_start3A_181 : memref<1x1x128xi32, #tpu.memory_space<hbm>> -> memref<128xi32, #tpu.memory_space<hbm>>
      %dma_start3A_183 = arith.constant 0 : i32
      %dma_start3A_184 = tpu.memref_slice %arg5[%run_scoped3A_45, %dma_start3A_183] : memref<4x128xi32, #tpu.memory_space<vmem>> -> memref<1x128xi32, #tpu.memory_space<vmem>>
      %dma_start3A_185 = tpu.memref_squeeze %dma_start3A_184 : memref<1x128xi32, #tpu.memory_space<vmem>> -> memref<128xi32, #tpu.memory_space<vmem>>
      %dma_start3A_186 = arith.constant 0 : i32
      %dma_start3A_187 = tpu.memref_slice %arg3[%run_scoped3A_44, %select_n3A_43, %dma_start3A_186] : memref<2x2500x128xi32, #tpu.memory_space<hbm>> -> memref<1x1x128xi32, #tpu.memory_space<hbm>>
      %dma_start3A_188 = tpu.memref_squeeze %dma_start3A_187 : memref<1x1x128xi32, #tpu.memory_space<hbm>> -> memref<128xi32, #tpu.memory_space<hbm>>
      tpu.enqueue_dma source(%dma_start3A_188 : memref<128xi32, #tpu.memory_space<hbm>>) target(%dma_start3A_185 : memref<128xi32, #tpu.memory_space<vmem>>) target_semaphore(%run_scoped3A_176 : memref<!tpu.dma_semaphore, #tpu.memory_space<semaphore_mem>>)
      %dma_wait3A_189 = arith.constant 0 : i32
      %dma_wait3A_190 = tpu.memref_slice %arg5[%run_scoped3A_45, %dma_wait3A_189] : memref<4x128xi32, #tpu.memory_space<vmem>> -> memref<1x128xi32, #tpu.memory_space<vmem>>
      %dma_wait3A_191 = tpu.memref_squeeze %dma_wait3A_190 : memref<1x128xi32, #tpu.memory_space<vmem>> -> memref<128xi32, #tpu.memory_space<vmem>>
      %dma_wait3A_192 = arith.constant 0 : i32
      %dma_wait3A_193 = tpu.memref_slice %arg3[%run_scoped3A_44, %select_n3A_43, %dma_wait3A_192] : memref<2x2500x128xi32, #tpu.memory_space<hbm>> -> memref<1x1x128xi32, #tpu.memory_space<hbm>>
      %dma_wait3A_194 = tpu.memref_squeeze %dma_wait3A_193 : memref<1x1x128xi32, #tpu.memory_space<hbm>> -> memref<128xi32, #tpu.memory_space<hbm>>
      %dma_wait3A_195 = arith.constant 0 : i32
      %dma_wait3A_196 = tpu.memref_slice %arg5[%run_scoped3A_45, %dma_wait3A_195] : memref<4x128xi32, #tpu.memory_space<vmem>> -> memref<1x128xi32, #tpu.memory_space<vmem>>
      %dma_wait3A_197 = tpu.memref_squeeze %dma_wait3A_196 : memref<1x128xi32, #tpu.memory_space<vmem>> -> memref<128xi32, #tpu.memory_space<vmem>>
      %dma_wait3A_198 = arith.constant 0 : i32
      %dma_wait3A_199 = tpu.memref_slice %arg3[%run_scoped3A_44, %select_n3A_43, %dma_wait3A_198] : memref<2x2500x128xi32, #tpu.memory_space<hbm>> -> memref<1x1x128xi32, #tpu.memory_space<hbm>>
      %dma_wait3A_200 = tpu.memref_squeeze %dma_wait3A_199 : memref<1x1x128xi32, #tpu.memory_space<hbm>> -> memref<128xi32, #tpu.memory_space<hbm>>
      tpu.wait_dma2 semaphore(%run_scoped3A_176 : memref<!tpu.dma_semaphore, #tpu.memory_space<semaphore_mem>>) src(%dma_wait3A_200 : memref<128xi32, #tpu.memory_space<hbm>>) dst(%dma_wait3A_197 : memref<128xi32, #tpu.memory_space<vmem>>)
      tpu.yield
    }) : () -> ()
    %add3A_46 = arith.constant 2496 : i32
    %add3A_47 = arith.addi %add3A_46, %add3A : i32
    %add3A_48 = arith.constant 1 : i32
    %add3A_49 = arith.addi %mul3A_2, %add3A_48 : i32
    %min3A_50 = arith.constant 2499 : i32
    %min3A_51 = arith.minsi %add3A_49, %min3A_50 : i32
    %jit3A_52 = arith.constant false
    %select_n3A_53 = arith.select %jit3A_52, %add3A_47, %min3A_51 : i32
    %run_scoped3A_54 = arith.constant 1 : i32
    %run_scoped3A_55 = arith.constant 1 : i32
    "tpu.region"() ({
      %run_scoped3A_176 = tpu.sem_alloc : memref<!tpu.dma_semaphore, #tpu.memory_space<semaphore_mem>>
      %dma_start3A_177 = arith.constant 0 : i32
      %dma_start3A_178 = tpu.memref_slice %arg6[%run_scoped3A_55, %dma_start3A_177] : memref<4x128xi32, #tpu.memory_space<vmem>> -> memref<1x128xi32, #tpu.memory_space<vmem>>
      %dma_start3A_179 = tpu.memref_squeeze %dma_start3A_178 : memref<1x128xi32, #tpu.memory_space<vmem>> -> memref<128xi32, #tpu.memory_space<vmem>>
      %dma_start3A_180 = arith.constant 0 : i32
      %dma_start3A_181 = tpu.memref_slice %arg3[%run_scoped3A_54, %select_n3A_53, %dma_start3A_180] : memref<2x2500x128xi32, #tpu.memory_space<hbm>> -> memref<1x1x128xi32, #tpu.memory_space<hbm>>
      %dma_start3A_182 = tpu.memref_squeeze %dma_start3A_181 : memref<1x1x128xi32, #tpu.memory_space<hbm>> -> memref<128xi32, #tpu.memory_space<hbm>>
      %dma_start3A_183 = arith.constant 0 : i32
      %dma_start3A_184 = tpu.memref_slice %arg6[%run_scoped3A_55, %dma_start3A_183] : memref<4x128xi32, #tpu.memory_space<vmem>> -> memref<1x128xi32, #tpu.memory_space<vmem>>
      %dma_start3A_185 = tpu.memref_squeeze %dma_start3A_184 : memref<1x128xi32, #tpu.memory_space<vmem>> -> memref<128xi32, #tpu.memory_space<vmem>>
      %dma_start3A_186 = arith.constant 0 : i32
      %dma_start3A_187 = tpu.memref_slice %arg3[%run_scoped3A_54, %select_n3A_53, %dma_start3A_186] : memref<2x2500x128xi32, #tpu.memory_space<hbm>> -> memref<1x1x128xi32, #tpu.memory_space<hbm>>
      %dma_start3A_188 = tpu.memref_squeeze %dma_start3A_187 : memref<1x1x128xi32, #tpu.memory_space<hbm>> -> memref<128xi32, #tpu.memory_space<hbm>>
      tpu.enqueue_dma source(%dma_start3A_188 : memref<128xi32, #tpu.memory_space<hbm>>) target(%dma_start3A_185 : memref<128xi32, #tpu.memory_space<vmem>>) target_semaphore(%run_scoped3A_176 : memref<!tpu.dma_semaphore, #tpu.memory_space<semaphore_mem>>)
      %dma_wait3A_189 = arith.constant 0 : i32
      %dma_wait3A_190 = tpu.memref_slice %arg6[%run_scoped3A_55, %dma_wait3A_189] : memref<4x128xi32, #tpu.memory_space<vmem>> -> memref<1x128xi32, #tpu.memory_space<vmem>>
      %dma_wait3A_191 = tpu.memref_squeeze %dma_wait3A_190 : memref<1x128xi32, #tpu.memory_space<vmem>> -> memref<128xi32, #tpu.memory_space<vmem>>
      %dma_wait3A_192 = arith.constant 0 : i32
      %dma_wait3A_193 = tpu.memref_slice %arg3[%run_scoped3A_54, %select_n3A_53, %dma_wait3A_192] : memref<2x2500x128xi32, #tpu.memory_space<hbm>> -> memref<1x1x128xi32, #tpu.memory_space<hbm>>
      %dma_wait3A_194 = tpu.memref_squeeze %dma_wait3A_193 : memref<1x1x128xi32, #tpu.memory_space<hbm>> -> memref<128xi32, #tpu.memory_space<hbm>>
      %dma_wait3A_195 = arith.constant 0 : i32
      %dma_wait3A_196 = tpu.memref_slice %arg6[%run_scoped3A_55, %dma_wait3A_195] : memref<4x128xi32, #tpu.memory_space<vmem>> -> memref<1x128xi32, #tpu.memory_space<vmem>>
      %dma_wait3A_197 = tpu.memref_squeeze %dma_wait3A_196 : memref<1x128xi32, #tpu.memory_space<vmem>> -> memref<128xi32, #tpu.memory_space<vmem>>
      %dma_wait3A_198 = arith.constant 0 : i32
      %dma_wait3A_199 = tpu.memref_slice %arg3[%run_scoped3A_54, %select_n3A_53, %dma_wait3A_198] : memref<2x2500x128xi32, #tpu.memory_space<hbm>> -> memref<1x1x128xi32, #tpu.memory_space<hbm>>
      %dma_wait3A_200 = tpu.memref_squeeze %dma_wait3A_199 : memref<1x1x128xi32, #tpu.memory_space<hbm>> -> memref<128xi32, #tpu.memory_space<hbm>>
      tpu.wait_dma2 semaphore(%run_scoped3A_176 : memref<!tpu.dma_semaphore, #tpu.memory_space<semaphore_mem>>) src(%dma_wait3A_200 : memref<128xi32, #tpu.memory_space<hbm>>) dst(%dma_wait3A_197 : memref<128xi32, #tpu.memory_space<vmem>>)
      tpu.yield
    }) : () -> ()
    %add3A_56 = arith.constant 2496 : i32
    %add3A_57 = arith.addi %add3A_56, %add3A : i32
    %add3A_58 = arith.constant 2 : i32
    %add3A_59 = arith.addi %mul3A_2, %add3A_58 : i32
    %min3A_60 = arith.constant 2499 : i32
    %min3A_61 = arith.minsi %add3A_59, %min3A_60 : i32
    %jit3A_62 = arith.constant false
    %select_n3A_63 = arith.select %jit3A_62, %add3A_57, %min3A_61 : i32
    %run_scoped3A_64 = arith.constant 0 : i32
    %run_scoped3A_65 = arith.constant 2 : i32
    "tpu.region"() ({
      %run_scoped3A_176 = tpu.sem_alloc : memref<!tpu.dma_semaphore, #tpu.memory_space<semaphore_mem>>
      %dma_start3A_177 = arith.constant 0 : i32
      %dma_start3A_178 = tpu.memref_slice %arg5[%run_scoped3A_65, %dma_start3A_177] : memref<4x128xi32, #tpu.memory_space<vmem>> -> memref<1x128xi32, #tpu.memory_space<vmem>>
      %dma_start3A_179 = tpu.memref_squeeze %dma_start3A_178 : memref<1x128xi32, #tpu.memory_space<vmem>> -> memref<128xi32, #tpu.memory_space<vmem>>
      %dma_start3A_180 = arith.constant 0 : i32
      %dma_start3A_181 = tpu.memref_slice %arg3[%run_scoped3A_64, %select_n3A_63, %dma_start3A_180] : memref<2x2500x128xi32, #tpu.memory_space<hbm>> -> memref<1x1x128xi32, #tpu.memory_space<hbm>>
      %dma_start3A_182 = tpu.memref_squeeze %dma_start3A_181 : memref<1x1x128xi32, #tpu.memory_space<hbm>> -> memref<128xi32, #tpu.memory_space<hbm>>
      %dma_start3A_183 = arith.constant 0 : i32
      %dma_start3A_184 = tpu.memref_slice %arg5[%run_scoped3A_65, %dma_start3A_183] : memref<4x128xi32, #tpu.memory_space<vmem>> -> memref<1x128xi32, #tpu.memory_space<vmem>>
      %dma_start3A_185 = tpu.memref_squeeze %dma_start3A_184 : memref<1x128xi32, #tpu.memory_space<vmem>> -> memref<128xi32, #tpu.memory_space<vmem>>
      %dma_start3A_186 = arith.constant 0 : i32
      %dma_start3A_187 = tpu.memref_slice %arg3[%run_scoped3A_64, %select_n3A_63, %dma_start3A_186] : memref<2x2500x128xi32, #tpu.memory_space<hbm>> -> memref<1x1x128xi32, #tpu.memory_space<hbm>>
      %dma_start3A_188 = tpu.memref_squeeze %dma_start3A_187 : memref<1x1x128xi32, #tpu.memory_space<hbm>> -> memref<128xi32, #tpu.memory_space<hbm>>
      tpu.enqueue_dma source(%dma_start3A_188 : memref<128xi32, #tpu.memory_space<hbm>>) target(%dma_start3A_185 : memref<128xi32, #tpu.memory_space<vmem>>) target_semaphore(%run_scoped3A_176 : memref<!tpu.dma_semaphore, #tpu.memory_space<semaphore_mem>>)
      %dma_wait3A_189 = arith.constant 0 : i32
      %dma_wait3A_190 = tpu.memref_slice %arg5[%run_scoped3A_65, %dma_wait3A_189] : memref<4x128xi32, #tpu.memory_space<vmem>> -> memref<1x128xi32, #tpu.memory_space<vmem>>
      %dma_wait3A_191 = tpu.memref_squeeze %dma_wait3A_190 : memref<1x128xi32, #tpu.memory_space<vmem>> -> memref<128xi32, #tpu.memory_space<vmem>>
      %dma_wait3A_192 = arith.constant 0 : i32
      %dma_wait3A_193 = tpu.memref_slice %arg3[%run_scoped3A_64, %select_n3A_63, %dma_wait3A_192] : memref<2x2500x128xi32, #tpu.memory_space<hbm>> -> memref<1x1x128xi32, #tpu.memory_space<hbm>>
      %dma_wait3A_194 = tpu.memref_squeeze %dma_wait3A_193 : memref<1x1x128xi32, #tpu.memory_space<hbm>> -> memref<128xi32, #tpu.memory_space<hbm>>
      %dma_wait3A_195 = arith.constant 0 : i32
      %dma_wait3A_196 = tpu.memref_slice %arg5[%run_scoped3A_65, %dma_wait3A_195] : memref<4x128xi32, #tpu.memory_space<vmem>> -> memref<1x128xi32, #tpu.memory_space<vmem>>
      %dma_wait3A_197 = tpu.memref_squeeze %dma_wait3A_196 : memref<1x128xi32, #tpu.memory_space<vmem>> -> memref<128xi32, #tpu.memory_space<vmem>>
      %dma_wait3A_198 = arith.constant 0 : i32
      %dma_wait3A_199 = tpu.memref_slice %arg3[%run_scoped3A_64, %select_n3A_63, %dma_wait3A_198] : memref<2x2500x128xi32, #tpu.memory_space<hbm>> -> memref<1x1x128xi32, #tpu.memory_space<hbm>>
      %dma_wait3A_200 = tpu.memref_squeeze %dma_wait3A_199 : memref<1x1x128xi32, #tpu.memory_space<hbm>> -> memref<128xi32, #tpu.memory_space<hbm>>
      tpu.wait_dma2 semaphore(%run_scoped3A_176 : memref<!tpu.dma_semaphore, #tpu.memory_space<semaphore_mem>>) src(%dma_wait3A_200 : memref<128xi32, #tpu.memory_space<hbm>>) dst(%dma_wait3A_197 : memref<128xi32, #tpu.memory_space<vmem>>)
      tpu.yield
    }) : () -> ()
    %add3A_66 = arith.constant 2496 : i32
    %add3A_67 = arith.addi %add3A_66, %add3A : i32
    %add3A_68 = arith.constant 2 : i32
    %add3A_69 = arith.addi %mul3A_2, %add3A_68 : i32
    %min3A_70 = arith.constant 2499 : i32
    %min3A_71 = arith.minsi %add3A_69, %min3A_70 : i32
    %jit3A_72 = arith.constant false
    %select_n3A_73 = arith.select %jit3A_72, %add3A_67, %min3A_71 : i32
    %run_scoped3A_74 = arith.constant 1 : i32
    %run_scoped3A_75 = arith.constant 2 : i32
    "tpu.region"() ({
      %run_scoped3A_176 = tpu.sem_alloc : memref<!tpu.dma_semaphore, #tpu.memory_space<semaphore_mem>>
      %dma_start3A_177 = arith.constant 0 : i32
      %dma_start3A_178 = tpu.memref_slice %arg6[%run_scoped3A_75, %dma_start3A_177] : memref<4x128xi32, #tpu.memory_space<vmem>> -> memref<1x128xi32, #tpu.memory_space<vmem>>
      %dma_start3A_179 = tpu.memref_squeeze %dma_start3A_178 : memref<1x128xi32, #tpu.memory_space<vmem>> -> memref<128xi32, #tpu.memory_space<vmem>>
      %dma_start3A_180 = arith.constant 0 : i32
      %dma_start3A_181 = tpu.memref_slice %arg3[%run_scoped3A_74, %select_n3A_73, %dma_start3A_180] : memref<2x2500x128xi32, #tpu.memory_space<hbm>> -> memref<1x1x128xi32, #tpu.memory_space<hbm>>
      %dma_start3A_182 = tpu.memref_squeeze %dma_start3A_181 : memref<1x1x128xi32, #tpu.memory_space<hbm>> -> memref<128xi32, #tpu.memory_space<hbm>>
      %dma_start3A_183 = arith.constant 0 : i32
      %dma_start3A_184 = tpu.memref_slice %arg6[%run_scoped3A_75, %dma_start3A_183] : memref<4x128xi32, #tpu.memory_space<vmem>> -> memref<1x128xi32, #tpu.memory_space<vmem>>
      %dma_start3A_185 = tpu.memref_squeeze %dma_start3A_184 : memref<1x128xi32, #tpu.memory_space<vmem>> -> memref<128xi32, #tpu.memory_space<vmem>>
      %dma_start3A_186 = arith.constant 0 : i32
      %dma_start3A_187 = tpu.memref_slice %arg3[%run_scoped3A_74, %select_n3A_73, %dma_start3A_186] : memref<2x2500x128xi32, #tpu.memory_space<hbm>> -> memref<1x1x128xi32, #tpu.memory_space<hbm>>
      %dma_start3A_188 = tpu.memref_squeeze %dma_start3A_187 : memref<1x1x128xi32, #tpu.memory_space<hbm>> -> memref<128xi32, #tpu.memory_space<hbm>>
      tpu.enqueue_dma source(%dma_start3A_188 : memref<128xi32, #tpu.memory_space<hbm>>) target(%dma_start3A_185 : memref<128xi32, #tpu.memory_space<vmem>>) target_semaphore(%run_scoped3A_176 : memref<!tpu.dma_semaphore, #tpu.memory_space<semaphore_mem>>)
      %dma_wait3A_189 = arith.constant 0 : i32
      %dma_wait3A_190 = tpu.memref_slice %arg6[%run_scoped3A_75, %dma_wait3A_189] : memref<4x128xi32, #tpu.memory_space<vmem>> -> memref<1x128xi32, #tpu.memory_space<vmem>>
      %dma_wait3A_191 = tpu.memref_squeeze %dma_wait3A_190 : memref<1x128xi32, #tpu.memory_space<vmem>> -> memref<128xi32, #tpu.memory_space<vmem>>
      %dma_wait3A_192 = arith.constant 0 : i32
      %dma_wait3A_193 = tpu.memref_slice %arg3[%run_scoped3A_74, %select_n3A_73, %dma_wait3A_192] : memref<2x2500x128xi32, #tpu.memory_space<hbm>> -> memref<1x1x128xi32, #tpu.memory_space<hbm>>
      %dma_wait3A_194 = tpu.memref_squeeze %dma_wait3A_193 : memref<1x1x128xi32, #tpu.memory_space<hbm>> -> memref<128xi32, #tpu.memory_space<hbm>>
      %dma_wait3A_195 = arith.constant 0 : i32
      %dma_wait3A_196 = tpu.memref_slice %arg6[%run_scoped3A_75, %dma_wait3A_195] : memref<4x128xi32, #tpu.memory_space<vmem>> -> memref<1x128xi32, #tpu.memory_space<vmem>>
      %dma_wait3A_197 = tpu.memref_squeeze %dma_wait3A_196 : memref<1x128xi32, #tpu.memory_space<vmem>> -> memref<128xi32, #tpu.memory_space<vmem>>
      %dma_wait3A_198 = arith.constant 0 : i32
      %dma_wait3A_199 = tpu.memref_slice %arg3[%run_scoped3A_74, %select_n3A_73, %dma_wait3A_198] : memref<2x2500x128xi32, #tpu.memory_space<hbm>> -> memref<1x1x128xi32, #tpu.memory_space<hbm>>
      %dma_wait3A_200 = tpu.memref_squeeze %dma_wait3A_199 : memref<1x1x128xi32, #tpu.memory_space<hbm>> -> memref<128xi32, #tpu.memory_space<hbm>>
      tpu.wait_dma2 semaphore(%run_scoped3A_176 : memref<!tpu.dma_semaphore, #tpu.memory_space<semaphore_mem>>) src(%dma_wait3A_200 : memref<128xi32, #tpu.memory_space<hbm>>) dst(%dma_wait3A_197 : memref<128xi32, #tpu.memory_space<vmem>>)
      tpu.yield
    }) : () -> ()
    %barrier3A = arith.constant 0 : index
    tpu.barrier barrier_id(%barrier3A)
    %dma_start3A = arith.constant 0 : i32
    "tpu.trace_stop"() : () -> ()
    "tpu.trace_start"() <{level = 10 : i32, message = "agg_edges"}> : () -> ()
    %dma_start3A_76 = arith.constant 0 : i32
    %dma_start3A_77 = tpu.memref_slice %arg5[%dma_start3A, %dma_start3A_76] : memref<4x128xi32, #tpu.memory_space<vmem>> -> memref<1x128xi32, #tpu.memory_space<vmem>>
    %dma_start3A_78 = tpu.memref_squeeze %dma_start3A_77 : memref<1x128xi32, #tpu.memory_space<vmem>> -> memref<128xi32, #tpu.memory_space<vmem>>
    %dma_start3A_79 = arith.constant 0 : i32
    %dma_start3A_80 = arith.constant 0 : i32
    %dma_start3A_81 = tpu.memref_slice %arg13[%dma_start3A_79, %dma_start3A_80] : memref<10000x48xf32, #tpu.memory_space<vmem_shared>> -> memref<10000x48xf32, #tpu.memory_space<vmem_shared>>
    tpu.enqueue_indirect_dma source(%dma_start3A_81 : memref<10000x48xf32, #tpu.memory_space<vmem_shared>>) target(%arg7 : memref<128x48xf32, #tpu.memory_space<vmem>>) offsets(%dma_start3A_78 : memref<128xi32, #tpu.memory_space<vmem>>) semaphore(%arg10 : memref<!tpu.dma_semaphore, #tpu.memory_space<semaphore_mem>>)
    %scan3A_82 = arith.constant 0 : i32
    %scan3A_83 = arith.constant 39 : i32
    %scan3A_84 = arith.addi %scan3A_82, %scan3A_83 : i32
    %scan3A_85 = arith.constant 1 : i32
    scf.for %scan3A_176 = %scan3A_82 to %scan3A_84 step %scan3A_85  : i32 {
      %mul3A_177 = arith.constant 2 : i32
      %mul3A_178 = arith.muli %mul3A_177, %scan3A_176 : i32
      %jit3A_179 = arith.constant 4 : i32
      %eq3A = arith.constant 0 : i32
      %eq3A_180 = arith.cmpi eq, %jit3A_179, %eq3A : i32
      %jit3A_181 = arith.constant 1 : i32
      %select_n3A_182 = arith.select %eq3A_180, %jit3A_181, %jit3A_179 : i32
      %rem3A = arith.remsi %mul3A_178, %select_n3A_182 : i32
      %ne3A = arith.constant 0 : i32
      %ne3A_183 = arith.cmpi ne, %rem3A, %ne3A : i32
      %lt3A_184 = arith.constant 0 : i32
      %lt3A_185 = arith.cmpi slt, %rem3A, %lt3A_184 : i32
      %lt3A_186 = arith.constant 0 : i32
      %lt3A_187 = arith.cmpi slt, %select_n3A_182, %lt3A_186 : i32
      %ne3A_188 = arith.xori %lt3A_185, %lt3A_187 : i1
      %and3A = arith.andi %ne3A_188, %ne3A_183 : i1
      %add3A_189 = arith.addi %rem3A, %select_n3A_182 : i32
      %select_n3A_190 = arith.select %and3A, %add3A_189, %rem3A : i32
      %add3A_191 = arith.constant 1 : i32
      %add3A_192 = arith.addi %mul3A_178, %add3A_191 : i32
      %jit3A_193 = arith.constant 4 : i32
      %eq3A_194 = arith.constant 0 : i32
      %eq3A_195 = arith.cmpi eq, %jit3A_193, %eq3A_194 : i32
      %jit3A_196 = arith.constant 1 : i32
      %select_n3A_197 = arith.select %eq3A_195, %jit3A_196, %jit3A_193 : i32
      %rem3A_198 = arith.remsi %add3A_192, %select_n3A_197 : i32
      %ne3A_199 = arith.constant 0 : i32
      %ne3A_200 = arith.cmpi ne, %rem3A_198, %ne3A_199 : i32
      %lt3A_201 = arith.constant 0 : i32
      %lt3A_202 = arith.cmpi slt, %rem3A_198, %lt3A_201 : i32
      %lt3A_203 = arith.constant 0 : i32
      %lt3A_204 = arith.cmpi slt, %select_n3A_197, %lt3A_203 : i32
      %ne3A_205 = arith.xori %lt3A_202, %lt3A_204 : i1
      %and3A_206 = arith.andi %ne3A_205, %ne3A_200 : i1
      %add3A_207 = arith.addi %rem3A_198, %select_n3A_197 : i32
      %select_n3A_208 = arith.select %and3A_206, %add3A_207, %rem3A_198 : i32
      %gt3A = arith.constant 0 : i32
      %gt3A_209 = arith.cmpi sgt, %scan3A_176, %gt3A : i32
      %convert_element_type3A_210 = arith.extui %gt3A_209 : i1 to i32
      %cond3A_211 = arith.constant 0 : i32
      %cond3A_212 = arith.cmpi ne, %convert_element_type3A_210, %cond3A_211 : i32
      scf.if %cond3A_212 {
        %add3A_388 = arith.constant 1 : i32
        %add3A_389 = arith.addi %mul3A_178, %add3A_388 : i32
        %eq3A_390 = arith.constant 78 : i32
        %eq3A_391 = arith.cmpi eq, %add3A_389, %eq3A_390 : i32
        %add3A_392 = arith.constant 2496 : i32
        %add3A_393 = arith.addi %add3A_392, %add3A : i32
        %add3A_394 = arith.addi %mul3A_2, %add3A_389 : i32
        %min3A_395 = arith.constant 2499 : i32
        %min3A_396 = arith.minsi %add3A_394, %min3A_395 : i32
        %select_n3A_397 = arith.select %eq3A_391, %add3A_393, %min3A_396 : i32
        %jit3A_398 = arith.constant 4 : i32
        %eq3A_399 = arith.constant 0 : i32
        %eq3A_400 = arith.cmpi eq, %jit3A_398, %eq3A_399 : i32
        %jit3A_401 = arith.constant 1 : i32
        %select_n3A_402 = arith.select %eq3A_400, %jit3A_401, %jit3A_398 : i32
        %rem3A_403 = arith.remsi %add3A_389, %select_n3A_402 : i32
        %ne3A_404 = arith.constant 0 : i32
        %ne3A_405 = arith.cmpi ne, %rem3A_403, %ne3A_404 : i32
        %lt3A_406 = arith.constant 0 : i32
        %lt3A_407 = arith.cmpi slt, %rem3A_403, %lt3A_406 : i32
        %lt3A_408 = arith.constant 0 : i32
        %lt3A_409 = arith.cmpi slt, %select_n3A_402, %lt3A_408 : i32
        %ne3A_410 = arith.xori %lt3A_407, %lt3A_409 : i1
        %and3A_411 = arith.andi %ne3A_410, %ne3A_405 : i1
        %add3A_412 = arith.addi %rem3A_403, %select_n3A_402 : i32
        %select_n3A_413 = arith.select %and3A_411, %add3A_412, %rem3A_403 : i32
        %dma_wait3A_414 = arith.constant 0 : i32
        %dma_wait3A_415 = arith.constant 0 : i32
        %dma_wait3A_416 = tpu.memref_slice %arg5[%select_n3A_413, %dma_wait3A_415] : memref<4x128xi32, #tpu.memory_space<vmem>> -> memref<1x128xi32, #tpu.memory_space<vmem>>
        %dma_wait3A_417 = tpu.memref_squeeze %dma_wait3A_416 : memref<1x128xi32, #tpu.memory_space<vmem>> -> memref<128xi32, #tpu.memory_space<vmem>>
        %dma_wait3A_418 = arith.constant 0 : i32
        %dma_wait3A_419 = tpu.memref_slice %arg3[%dma_wait3A_414, %select_n3A_397, %dma_wait3A_418] : memref<2x2500x128xi32, #tpu.memory_space<hbm>> -> memref<1x1x128xi32, #tpu.memory_space<hbm>>
        %dma_wait3A_420 = tpu.memref_squeeze %dma_wait3A_419 : memref<1x1x128xi32, #tpu.memory_space<hbm>> -> memref<128xi32, #tpu.memory_space<hbm>>
        %dma_wait3A_421 = arith.constant 0 : i32
        %dma_wait3A_422 = tpu.memref_slice %arg5[%select_n3A_413, %dma_wait3A_421] : memref<4x128xi32, #tpu.memory_space<vmem>> -> memref<1x128xi32, #tpu.memory_space<vmem>>
        %dma_wait3A_423 = tpu.memref_squeeze %dma_wait3A_422 : memref<1x128xi32, #tpu.memory_space<vmem>> -> memref<128xi32, #tpu.memory_space<vmem>>
        %dma_wait3A_424 = arith.constant 0 : i32
        %dma_wait3A_425 = tpu.memref_slice %arg3[%dma_wait3A_414, %select_n3A_397, %dma_wait3A_424] : memref<2x2500x128xi32, #tpu.memory_space<hbm>> -> memref<1x1x128xi32, #tpu.memory_space<hbm>>
        %dma_wait3A_426 = tpu.memref_squeeze %dma_wait3A_425 : memref<1x1x128xi32, #tpu.memory_space<hbm>> -> memref<128xi32, #tpu.memory_space<hbm>>
        tpu.wait_dma2 semaphore(%arg12 : memref<!tpu.dma_semaphore, #tpu.memory_space<semaphore_mem>>) src(%dma_wait3A_426 : memref<128xi32, #tpu.memory_space<hbm>>) dst(%dma_wait3A_423 : memref<128xi32, #tpu.memory_space<vmem>>)
        %eq3A_427 = arith.constant 78 : i32
        %eq3A_428 = arith.cmpi eq, %add3A_389, %eq3A_427 : i32
        %add3A_429 = arith.constant 2496 : i32
        %add3A_430 = arith.addi %add3A_429, %add3A : i32
        %add3A_431 = arith.addi %mul3A_2, %add3A_389 : i32
        %min3A_432 = arith.constant 2499 : i32
        %min3A_433 = arith.minsi %add3A_431, %min3A_432 : i32
        %select_n3A_434 = arith.select %eq3A_428, %add3A_430, %min3A_433 : i32
        %jit3A_435 = arith.constant 4 : i32
        %eq3A_436 = arith.constant 0 : i32
        %eq3A_437 = arith.cmpi eq, %jit3A_435, %eq3A_436 : i32
        %jit3A_438 = arith.constant 1 : i32
        %select_n3A_439 = arith.select %eq3A_437, %jit3A_438, %jit3A_435 : i32
        %rem3A_440 = arith.remsi %add3A_389, %select_n3A_439 : i32
        %ne3A_441 = arith.constant 0 : i32
        %ne3A_442 = arith.cmpi ne, %rem3A_440, %ne3A_441 : i32
        %lt3A_443 = arith.constant 0 : i32
        %lt3A_444 = arith.cmpi slt, %rem3A_440, %lt3A_443 : i32
        %lt3A_445 = arith.constant 0 : i32
        %lt3A_446 = arith.cmpi slt, %select_n3A_439, %lt3A_445 : i32
        %ne3A_447 = arith.xori %lt3A_444, %lt3A_446 : i1
        %and3A_448 = arith.andi %ne3A_447, %ne3A_442 : i1
        %add3A_449 = arith.addi %rem3A_440, %select_n3A_439 : i32
        %select_n3A_450 = arith.select %and3A_448, %add3A_449, %rem3A_440 : i32
        %dma_wait3A_451 = arith.constant 1 : i32
        %dma_wait3A_452 = arith.constant 0 : i32
        %dma_wait3A_453 = tpu.memref_slice %arg6[%select_n3A_450, %dma_wait3A_452] : memref<4x128xi32, #tpu.memory_space<vmem>> -> memref<1x128xi32, #tpu.memory_space<vmem>>
        %dma_wait3A_454 = tpu.memref_squeeze %dma_wait3A_453 : memref<1x128xi32, #tpu.memory_space<vmem>> -> memref<128xi32, #tpu.memory_space<vmem>>
        %dma_wait3A_455 = arith.constant 0 : i32
        %dma_wait3A_456 = tpu.memref_slice %arg3[%dma_wait3A_451, %select_n3A_434, %dma_wait3A_455] : memref<2x2500x128xi32, #tpu.memory_space<hbm>> -> memref<1x1x128xi32, #tpu.memory_space<hbm>>
        %dma_wait3A_457 = tpu.memref_squeeze %dma_wait3A_456 : memref<1x1x128xi32, #tpu.memory_space<hbm>> -> memref<128xi32, #tpu.memory_space<hbm>>
        %dma_wait3A_458 = arith.constant 0 : i32
        %dma_wait3A_459 = tpu.memref_slice %arg6[%select_n3A_450, %dma_wait3A_458] : memref<4x128xi32, #tpu.memory_space<vmem>> -> memref<1x128xi32, #tpu.memory_space<vmem>>
        %dma_wait3A_460 = tpu.memref_squeeze %dma_wait3A_459 : memref<1x128xi32, #tpu.memory_space<vmem>> -> memref<128xi32, #tpu.memory_space<vmem>>
        %dma_wait3A_461 = arith.constant 0 : i32
        %dma_wait3A_462 = tpu.memref_slice %arg3[%dma_wait3A_451, %select_n3A_434, %dma_wait3A_461] : memref<2x2500x128xi32, #tpu.memory_space<hbm>> -> memref<1x1x128xi32, #tpu.memory_space<hbm>>
        %dma_wait3A_463 = tpu.memref_squeeze %dma_wait3A_462 : memref<1x1x128xi32, #tpu.memory_space<hbm>> -> memref<128xi32, #tpu.memory_space<hbm>>
        tpu.wait_dma2 semaphore(%arg12 : memref<!tpu.dma_semaphore, #tpu.memory_space<semaphore_mem>>) src(%dma_wait3A_463 : memref<128xi32, #tpu.memory_space<hbm>>) dst(%dma_wait3A_460 : memref<128xi32, #tpu.memory_space<vmem>>)
        %add3A_464 = arith.constant 2 : i32
        %add3A_465 = arith.addi %mul3A_178, %add3A_464 : i32
        %eq3A_466 = arith.constant 78 : i32
        %eq3A_467 = arith.cmpi eq, %add3A_465, %eq3A_466 : i32
        %add3A_468 = arith.constant 2496 : i32
        %add3A_469 = arith.addi %add3A_468, %add3A : i32
        %add3A_470 = arith.addi %mul3A_2, %add3A_465 : i32
        %min3A_471 = arith.constant 2499 : i32
        %min3A_472 = arith.minsi %add3A_470, %min3A_471 : i32
        %select_n3A_473 = arith.select %eq3A_467, %add3A_469, %min3A_472 : i32
        %jit3A_474 = arith.constant 4 : i32
        %eq3A_475 = arith.constant 0 : i32
        %eq3A_476 = arith.cmpi eq, %jit3A_474, %eq3A_475 : i32
        %jit3A_477 = arith.constant 1 : i32
        %select_n3A_478 = arith.select %eq3A_476, %jit3A_477, %jit3A_474 : i32
        %rem3A_479 = arith.remsi %add3A_465, %select_n3A_478 : i32
        %ne3A_480 = arith.constant 0 : i32
        %ne3A_481 = arith.cmpi ne, %rem3A_479, %ne3A_480 : i32
        %lt3A_482 = arith.constant 0 : i32
        %lt3A_483 = arith.cmpi slt, %rem3A_479, %lt3A_482 : i32
        %lt3A_484 = arith.constant 0 : i32
        %lt3A_485 = arith.cmpi slt, %select_n3A_478, %lt3A_484 : i32
        %ne3A_486 = arith.xori %lt3A_483, %lt3A_485 : i1
        %and3A_487 = arith.andi %ne3A_486, %ne3A_481 : i1
        %add3A_488 = arith.addi %rem3A_479, %select_n3A_478 : i32
        %select_n3A_489 = arith.select %and3A_487, %add3A_488, %rem3A_479 : i32
        %dma_wait3A_490 = arith.constant 0 : i32
        %dma_wait3A_491 = arith.constant 0 : i32
        %dma_wait3A_492 = tpu.memref_slice %arg5[%select_n3A_489, %dma_wait3A_491] : memref<4x128xi32, #tpu.memory_space<vmem>> -> memref<1x128xi32, #tpu.memory_space<vmem>>
        %dma_wait3A_493 = tpu.memref_squeeze %dma_wait3A_492 : memref<1x128xi32, #tpu.memory_space<vmem>> -> memref<128xi32, #tpu.memory_space<vmem>>
        %dma_wait3A_494 = arith.constant 0 : i32
        %dma_wait3A_495 = tpu.memref_slice %arg3[%dma_wait3A_490, %select_n3A_473, %dma_wait3A_494] : memref<2x2500x128xi32, #tpu.memory_space<hbm>> -> memref<1x1x128xi32, #tpu.memory_space<hbm>>
        %dma_wait3A_496 = tpu.memref_squeeze %dma_wait3A_495 : memref<1x1x128xi32, #tpu.memory_space<hbm>> -> memref<128xi32, #tpu.memory_space<hbm>>
        %dma_wait3A_497 = arith.constant 0 : i32
        %dma_wait3A_498 = tpu.memref_slice %arg5[%select_n3A_489, %dma_wait3A_497] : memref<4x128xi32, #tpu.memory_space<vmem>> -> memref<1x128xi32, #tpu.memory_space<vmem>>
        %dma_wait3A_499 = tpu.memref_squeeze %dma_wait3A_498 : memref<1x128xi32, #tpu.memory_space<vmem>> -> memref<128xi32, #tpu.memory_space<vmem>>
        %dma_wait3A_500 = arith.constant 0 : i32
        %dma_wait3A_501 = tpu.memref_slice %arg3[%dma_wait3A_490, %select_n3A_473, %dma_wait3A_500] : memref<2x2500x128xi32, #tpu.memory_space<hbm>> -> memref<1x1x128xi32, #tpu.memory_space<hbm>>
        %dma_wait3A_502 = tpu.memref_squeeze %dma_wait3A_501 : memref<1x1x128xi32, #tpu.memory_space<hbm>> -> memref<128xi32, #tpu.memory_space<hbm>>
        tpu.wait_dma2 semaphore(%arg12 : memref<!tpu.dma_semaphore, #tpu.memory_space<semaphore_mem>>) src(%dma_wait3A_502 : memref<128xi32, #tpu.memory_space<hbm>>) dst(%dma_wait3A_499 : memref<128xi32, #tpu.memory_space<vmem>>)
        %eq3A_503 = arith.constant 78 : i32
        %eq3A_504 = arith.cmpi eq, %add3A_465, %eq3A_503 : i32
        %add3A_505 = arith.constant 2496 : i32
        %add3A_506 = arith.addi %add3A_505, %add3A : i32
        %add3A_507 = arith.addi %mul3A_2, %add3A_465 : i32
        %min3A_508 = arith.constant 2499 : i32
        %min3A_509 = arith.minsi %add3A_507, %min3A_508 : i32
        %select_n3A_510 = arith.select %eq3A_504, %add3A_506, %min3A_509 : i32
        %jit3A_511 = arith.constant 4 : i32
        %eq3A_512 = arith.constant 0 : i32
        %eq3A_513 = arith.cmpi eq, %jit3A_511, %eq3A_512 : i32
        %jit3A_514 = arith.constant 1 : i32
        %select_n3A_515 = arith.select %eq3A_513, %jit3A_514, %jit3A_511 : i32
        %rem3A_516 = arith.remsi %add3A_465, %select_n3A_515 : i32
        %ne3A_517 = arith.constant 0 : i32
        %ne3A_518 = arith.cmpi ne, %rem3A_516, %ne3A_517 : i32
        %lt3A_519 = arith.constant 0 : i32
        %lt3A_520 = arith.cmpi slt, %rem3A_516, %lt3A_519 : i32
        %lt3A_521 = arith.constant 0 : i32
        %lt3A_522 = arith.cmpi slt, %select_n3A_515, %lt3A_521 : i32
        %ne3A_523 = arith.xori %lt3A_520, %lt3A_522 : i1
        %and3A_524 = arith.andi %ne3A_523, %ne3A_518 : i1
        %add3A_525 = arith.addi %rem3A_516, %select_n3A_515 : i32
        %select_n3A_526 = arith.select %and3A_524, %add3A_525, %rem3A_516 : i32
        %dma_wait3A_527 = arith.constant 1 : i32
        %dma_wait3A_528 = arith.constant 0 : i32
        %dma_wait3A_529 = tpu.memref_slice %arg6[%select_n3A_526, %dma_wait3A_528] : memref<4x128xi32, #tpu.memory_space<vmem>> -> memref<1x128xi32, #tpu.memory_space<vmem>>
        %dma_wait3A_530 = tpu.memref_squeeze %dma_wait3A_529 : memref<1x128xi32, #tpu.memory_space<vmem>> -> memref<128xi32, #tpu.memory_space<vmem>>
        %dma_wait3A_531 = arith.constant 0 : i32
        %dma_wait3A_532 = tpu.memref_slice %arg3[%dma_wait3A_527, %select_n3A_510, %dma_wait3A_531] : memref<2x2500x128xi32, #tpu.memory_space<hbm>> -> memref<1x1x128xi32, #tpu.memory_space<hbm>>
        %dma_wait3A_533 = tpu.memref_squeeze %dma_wait3A_532 : memref<1x1x128xi32, #tpu.memory_space<hbm>> -> memref<128xi32, #tpu.memory_space<hbm>>
        %dma_wait3A_534 = arith.constant 0 : i32
        %dma_wait3A_535 = tpu.memref_slice %arg6[%select_n3A_526, %dma_wait3A_534] : memref<4x128xi32, #tpu.memory_space<vmem>> -> memref<1x128xi32, #tpu.memory_space<vmem>>
        %dma_wait3A_536 = tpu.memref_squeeze %dma_wait3A_535 : memref<1x128xi32, #tpu.memory_space<vmem>> -> memref<128xi32, #tpu.memory_space<vmem>>
        %dma_wait3A_537 = arith.constant 0 : i32
        %dma_wait3A_538 = tpu.memref_slice %arg3[%dma_wait3A_527, %select_n3A_510, %dma_wait3A_537] : memref<2x2500x128xi32, #tpu.memory_space<hbm>> -> memref<1x1x128xi32, #tpu.memory_space<hbm>>
        %dma_wait3A_539 = tpu.memref_squeeze %dma_wait3A_538 : memref<1x1x128xi32, #tpu.memory_space<hbm>> -> memref<128xi32, #tpu.memory_space<hbm>>
        tpu.wait_dma2 semaphore(%arg12 : memref<!tpu.dma_semaphore, #tpu.memory_space<semaphore_mem>>) src(%dma_wait3A_539 : memref<128xi32, #tpu.memory_space<hbm>>) dst(%dma_wait3A_536 : memref<128xi32, #tpu.memory_space<vmem>>)
      } else {
      }
      %dma_start3A_213 = arith.constant 0 : i32
      %dma_start3A_214 = tpu.memref_slice %arg5[%select_n3A_208, %dma_start3A_213] : memref<4x128xi32, #tpu.memory_space<vmem>> -> memref<1x128xi32, #tpu.memory_space<vmem>>
      %dma_start3A_215 = tpu.memref_squeeze %dma_start3A_214 : memref<1x128xi32, #tpu.memory_space<vmem>> -> memref<128xi32, #tpu.memory_space<vmem>>
      %dma_start3A_216 = arith.constant 0 : i32
      %dma_start3A_217 = arith.constant 0 : i32
      %dma_start3A_218 = tpu.memref_slice %arg13[%dma_start3A_216, %dma_start3A_217] : memref<10000x48xf32, #tpu.memory_space<vmem_shared>> -> memref<10000x48xf32, #tpu.memory_space<vmem_shared>>
      tpu.enqueue_indirect_dma source(%dma_start3A_218 : memref<10000x48xf32, #tpu.memory_space<vmem_shared>>) target(%arg8 : memref<128x48xf32, #tpu.memory_space<vmem>>) offsets(%dma_start3A_215 : memref<128xi32, #tpu.memory_space<vmem>>) semaphore(%arg11 : memref<!tpu.dma_semaphore, #tpu.memory_space<semaphore_mem>>)
      %dma_wait3A_219 = arith.constant 0 : i32
      %dma_wait3A_220 = tpu.memref_slice %arg5[%select_n3A_190, %dma_wait3A_219] : memref<4x128xi32, #tpu.memory_space<vmem>> -> memref<1x128xi32, #tpu.memory_space<vmem>>
      %dma_wait3A_221 = tpu.memref_squeeze %dma_wait3A_220 : memref<1x128xi32, #tpu.memory_space<vmem>> -> memref<128xi32, #tpu.memory_space<vmem>>
      %dma_wait3A_222 = arith.constant 0 : i32
      %dma_wait3A_223 = arith.constant 0 : i32
      %dma_wait3A_224 = tpu.memref_slice %arg13[%dma_wait3A_222, %dma_wait3A_223] : memref<10000x48xf32, #tpu.memory_space<vmem_shared>> -> memref<10000x48xf32, #tpu.memory_space<vmem_shared>>
      tpu.wait_indirect_dma semaphore(%arg10 : memref<!tpu.dma_semaphore, #tpu.memory_space<semaphore_mem>>) src(%dma_wait3A_224 : memref<10000x48xf32, #tpu.memory_space<vmem_shared>>) dst(%arg7 : memref<128x48xf32, #tpu.memory_space<vmem>>)
      "tpu.region"() ({
        %run_scoped3A_388 = tpu.sem_alloc : memref<!tpu.dma_semaphore, #tpu.memory_space<semaphore_mem>>
        %dma_start3A_389 = arith.constant 0 : i32
        %dma_start3A_390 = tpu.memref_slice %arg6[%select_n3A_190, %dma_start3A_389] : memref<4x128xi32, #tpu.memory_space<vmem>> -> memref<1x128xi32, #tpu.memory_space<vmem>>
        %dma_start3A_391 = tpu.memref_squeeze %dma_start3A_390 : memref<1x128xi32, #tpu.memory_space<vmem>> -> memref<128xi32, #tpu.memory_space<vmem>>
        %dma_start3A_392 = arith.constant 0 : i32
        %dma_start3A_393 = arith.constant 0 : i32
        %dma_start3A_394 = tpu.memref_slice %arg9[%dma_start3A_392, %dma_start3A_393] : memref<10000x48xf32, #tpu.memory_space<vmem_shared>> -> memref<10000x48xf32, #tpu.memory_space<vmem_shared>>
        tpu.enqueue_indirect_dma source(%arg7 : memref<128x48xf32, #tpu.memory_space<vmem>>) target(%dma_start3A_394 : memref<10000x48xf32, #tpu.memory_space<vmem_shared>>) offsets(%dma_start3A_391 : memref<128xi32, #tpu.memory_space<vmem>>) semaphore(%run_scoped3A_388 : memref<!tpu.dma_semaphore, #tpu.memory_space<semaphore_mem>>) {add = true}
        %dma_wait3A_395 = arith.constant 0 : i32
        %dma_wait3A_396 = tpu.memref_slice %arg6[%select_n3A_190, %dma_wait3A_395] : memref<4x128xi32, #tpu.memory_space<vmem>> -> memref<1x128xi32, #tpu.memory_space<vmem>>
        %dma_wait3A_397 = tpu.memref_squeeze %dma_wait3A_396 : memref<1x128xi32, #tpu.memory_space<vmem>> -> memref<128xi32, #tpu.memory_space<vmem>>
        %dma_wait3A_398 = arith.constant 0 : i32
        %dma_wait3A_399 = arith.constant 0 : i32
        %dma_wait3A_400 = tpu.memref_slice %arg9[%dma_wait3A_398, %dma_wait3A_399] : memref<10000x48xf32, #tpu.memory_space<vmem_shared>> -> memref<10000x48xf32, #tpu.memory_space<vmem_shared>>
        tpu.wait_indirect_dma semaphore(%run_scoped3A_388 : memref<!tpu.dma_semaphore, #tpu.memory_space<semaphore_mem>>) src(%arg7 : memref<128x48xf32, #tpu.memory_space<vmem>>) dst(%dma_wait3A_400 : memref<10000x48xf32, #tpu.memory_space<vmem_shared>>)
        tpu.yield
      }) : () -> ()
      %add3A_225 = arith.constant 3 : i32
      %add3A_226 = arith.addi %mul3A_178, %add3A_225 : i32
      %eq3A_227 = arith.constant 78 : i32
      %eq3A_228 = arith.cmpi eq, %add3A_226, %eq3A_227 : i32
      %add3A_229 = arith.constant 2496 : i32
      %add3A_230 = arith.addi %add3A_229, %add3A : i32
      %add3A_231 = arith.addi %mul3A_2, %add3A_226 : i32
      %min3A_232 = arith.constant 2499 : i32
      %min3A_233 = arith.minsi %add3A_231, %min3A_232 : i32
      %select_n3A_234 = arith.select %eq3A_228, %add3A_230, %min3A_233 : i32
      %jit3A_235 = arith.constant 4 : i32
      %eq3A_236 = arith.constant 0 : i32
      %eq3A_237 = arith.cmpi eq, %jit3A_235, %eq3A_236 : i32
      %jit3A_238 = arith.constant 1 : i32
      %select_n3A_239 = arith.select %eq3A_237, %jit3A_238, %jit3A_235 : i32
      %rem3A_240 = arith.remsi %add3A_226, %select_n3A_239 : i32
      %ne3A_241 = arith.constant 0 : i32
      %ne3A_242 = arith.cmpi ne, %rem3A_240, %ne3A_241 : i32
      %lt3A_243 = arith.constant 0 : i32
      %lt3A_244 = arith.cmpi slt, %rem3A_240, %lt3A_243 : i32
      %lt3A_245 = arith.constant 0 : i32
      %lt3A_246 = arith.cmpi slt, %select_n3A_239, %lt3A_245 : i32
      %ne3A_247 = arith.xori %lt3A_244, %lt3A_246 : i1
      %and3A_248 = arith.andi %ne3A_247, %ne3A_242 : i1
      %add3A_249 = arith.addi %rem3A_240, %select_n3A_239 : i32
      %select_n3A_250 = arith.select %and3A_248, %add3A_249, %rem3A_240 : i32
      %dma_start3A_251 = arith.constant 0 : i32
      %dma_start3A_252 = arith.constant 0 : i32
      %dma_start3A_253 = tpu.memref_slice %arg5[%select_n3A_250, %dma_start3A_252] : memref<4x128xi32, #tpu.memory_space<vmem>> -> memref<1x128xi32, #tpu.memory_space<vmem>>
      %dma_start3A_254 = tpu.memref_squeeze %dma_start3A_253 : memref<1x128xi32, #tpu.memory_space<vmem>> -> memref<128xi32, #tpu.memory_space<vmem>>
      %dma_start3A_255 = arith.constant 0 : i32
      %dma_start3A_256 = tpu.memref_slice %arg3[%dma_start3A_251, %select_n3A_234, %dma_start3A_255] : memref<2x2500x128xi32, #tpu.memory_space<hbm>> -> memref<1x1x128xi32, #tpu.memory_space<hbm>>
      %dma_start3A_257 = tpu.memref_squeeze %dma_start3A_256 : memref<1x1x128xi32, #tpu.memory_space<hbm>> -> memref<128xi32, #tpu.memory_space<hbm>>
      %dma_start3A_258 = arith.constant 0 : i32
      %dma_start3A_259 = tpu.memref_slice %arg5[%select_n3A_250, %dma_start3A_258] : memref<4x128xi32, #tpu.memory_space<vmem>> -> memref<1x128xi32, #tpu.memory_space<vmem>>
      %dma_start3A_260 = tpu.memref_squeeze %dma_start3A_259 : memref<1x128xi32, #tpu.memory_space<vmem>> -> memref<128xi32, #tpu.memory_space<vmem>>
      %dma_start3A_261 = arith.constant 0 : i32
      %dma_start3A_262 = tpu.memref_slice %arg3[%dma_start3A_251, %select_n3A_234, %dma_start3A_261] : memref<2x2500x128xi32, #tpu.memory_space<hbm>> -> memref<1x1x128xi32, #tpu.memory_space<hbm>>
      %dma_start3A_263 = tpu.memref_squeeze %dma_start3A_262 : memref<1x1x128xi32, #tpu.memory_space<hbm>> -> memref<128xi32, #tpu.memory_space<hbm>>
      tpu.enqueue_dma source(%dma_start3A_263 : memref<128xi32, #tpu.memory_space<hbm>>) target(%dma_start3A_260 : memref<128xi32, #tpu.memory_space<vmem>>) target_semaphore(%arg12 : memref<!tpu.dma_semaphore, #tpu.memory_space<semaphore_mem>>)
      %eq3A_264 = arith.constant 78 : i32
      %eq3A_265 = arith.cmpi eq, %add3A_226, %eq3A_264 : i32
      %add3A_266 = arith.constant 2496 : i32
      %add3A_267 = arith.addi %add3A_266, %add3A : i32
      %add3A_268 = arith.addi %mul3A_2, %add3A_226 : i32
      %min3A_269 = arith.constant 2499 : i32
      %min3A_270 = arith.minsi %add3A_268, %min3A_269 : i32
      %select_n3A_271 = arith.select %eq3A_265, %add3A_267, %min3A_270 : i32
      %jit3A_272 = arith.constant 4 : i32
      %eq3A_273 = arith.constant 0 : i32
      %eq3A_274 = arith.cmpi eq, %jit3A_272, %eq3A_273 : i32
      %jit3A_275 = arith.constant 1 : i32
      %select_n3A_276 = arith.select %eq3A_274, %jit3A_275, %jit3A_272 : i32
      %rem3A_277 = arith.remsi %add3A_226, %select_n3A_276 : i32
      %ne3A_278 = arith.constant 0 : i32
      %ne3A_279 = arith.cmpi ne, %rem3A_277, %ne3A_278 : i32
      %lt3A_280 = arith.constant 0 : i32
      %lt3A_281 = arith.cmpi slt, %rem3A_277, %lt3A_280 : i32
      %lt3A_282 = arith.constant 0 : i32
      %lt3A_283 = arith.cmpi slt, %select_n3A_276, %lt3A_282 : i32
      %ne3A_284 = arith.xori %lt3A_281, %lt3A_283 : i1
      %and3A_285 = arith.andi %ne3A_284, %ne3A_279 : i1
      %add3A_286 = arith.addi %rem3A_277, %select_n3A_276 : i32
      %select_n3A_287 = arith.select %and3A_285, %add3A_286, %rem3A_277 : i32
      %dma_start3A_288 = arith.constant 1 : i32
      %dma_start3A_289 = arith.constant 0 : i32
      %dma_start3A_290 = tpu.memref_slice %arg6[%select_n3A_287, %dma_start3A_289] : memref<4x128xi32, #tpu.memory_space<vmem>> -> memref<1x128xi32, #tpu.memory_space<vmem>>
      %dma_start3A_291 = tpu.memref_squeeze %dma_start3A_290 : memref<1x128xi32, #tpu.memory_space<vmem>> -> memref<128xi32, #tpu.memory_space<vmem>>
      %dma_start3A_292 = arith.constant 0 : i32
      %dma_start3A_293 = tpu.memref_slice %arg3[%dma_start3A_288, %select_n3A_271, %dma_start3A_292] : memref<2x2500x128xi32, #tpu.memory_space<hbm>> -> memref<1x1x128xi32, #tpu.memory_space<hbm>>
      %dma_start3A_294 = tpu.memref_squeeze %dma_start3A_293 : memref<1x1x128xi32, #tpu.memory_space<hbm>> -> memref<128xi32, #tpu.memory_space<hbm>>
      %dma_start3A_295 = arith.constant 0 : i32
      %dma_start3A_296 = tpu.memref_slice %arg6[%select_n3A_287, %dma_start3A_295] : memref<4x128xi32, #tpu.memory_space<vmem>> -> memref<1x128xi32, #tpu.memory_space<vmem>>
      %dma_start3A_297 = tpu.memref_squeeze %dma_start3A_296 : memref<1x128xi32, #tpu.memory_space<vmem>> -> memref<128xi32, #tpu.memory_space<vmem>>
      %dma_start3A_298 = arith.constant 0 : i32
      %dma_start3A_299 = tpu.memref_slice %arg3[%dma_start3A_288, %select_n3A_271, %dma_start3A_298] : memref<2x2500x128xi32, #tpu.memory_space<hbm>> -> memref<1x1x128xi32, #tpu.memory_space<hbm>>
      %dma_start3A_300 = tpu.memref_squeeze %dma_start3A_299 : memref<1x1x128xi32, #tpu.memory_space<hbm>> -> memref<128xi32, #tpu.memory_space<hbm>>
      tpu.enqueue_dma source(%dma_start3A_300 : memref<128xi32, #tpu.memory_space<hbm>>) target(%dma_start3A_297 : memref<128xi32, #tpu.memory_space<vmem>>) target_semaphore(%arg12 : memref<!tpu.dma_semaphore, #tpu.memory_space<semaphore_mem>>)
      %add3A_301 = arith.constant 4 : i32
      %add3A_302 = arith.addi %mul3A_178, %add3A_301 : i32
      %eq3A_303 = arith.constant 78 : i32
      %eq3A_304 = arith.cmpi eq, %add3A_302, %eq3A_303 : i32
      %add3A_305 = arith.constant 2496 : i32
      %add3A_306 = arith.addi %add3A_305, %add3A : i32
      %add3A_307 = arith.addi %mul3A_2, %add3A_302 : i32
      %min3A_308 = arith.constant 2499 : i32
      %min3A_309 = arith.minsi %add3A_307, %min3A_308 : i32
      %select_n3A_310 = arith.select %eq3A_304, %add3A_306, %min3A_309 : i32
      %jit3A_311 = arith.constant 4 : i32
      %eq3A_312 = arith.constant 0 : i32
      %eq3A_313 = arith.cmpi eq, %jit3A_311, %eq3A_312 : i32
      %jit3A_314 = arith.constant 1 : i32
      %select_n3A_315 = arith.select %eq3A_313, %jit3A_314, %jit3A_311 : i32
      %rem3A_316 = arith.remsi %add3A_302, %select_n3A_315 : i32
      %ne3A_317 = arith.constant 0 : i32
      %ne3A_318 = arith.cmpi ne, %rem3A_316, %ne3A_317 : i32
      %lt3A_319 = arith.constant 0 : i32
      %lt3A_320 = arith.cmpi slt, %rem3A_316, %lt3A_319 : i32
      %lt3A_321 = arith.constant 0 : i32
      %lt3A_322 = arith.cmpi slt, %select_n3A_315, %lt3A_321 : i32
      %ne3A_323 = arith.xori %lt3A_320, %lt3A_322 : i1
      %and3A_324 = arith.andi %ne3A_323, %ne3A_318 : i1
      %add3A_325 = arith.addi %rem3A_316, %select_n3A_315 : i32
      %select_n3A_326 = arith.select %and3A_324, %add3A_325, %rem3A_316 : i32
      %dma_start3A_327 = arith.constant 0 : i32
      %dma_start3A_328 = arith.constant 0 : i32
      %dma_start3A_329 = tpu.memref_slice %arg5[%select_n3A_326, %dma_start3A_328] : memref<4x128xi32, #tpu.memory_space<vmem>> -> memref<1x128xi32, #tpu.memory_space<vmem>>
      %dma_start3A_330 = tpu.memref_squeeze %dma_start3A_329 : memref<1x128xi32, #tpu.memory_space<vmem>> -> memref<128xi32, #tpu.memory_space<vmem>>
      %dma_start3A_331 = arith.constant 0 : i32
      %dma_start3A_332 = tpu.memref_slice %arg3[%dma_start3A_327, %select_n3A_310, %dma_start3A_331] : memref<2x2500x128xi32, #tpu.memory_space<hbm>> -> memref<1x1x128xi32, #tpu.memory_space<hbm>>
      %dma_start3A_333 = tpu.memref_squeeze %dma_start3A_332 : memref<1x1x128xi32, #tpu.memory_space<hbm>> -> memref<128xi32, #tpu.memory_space<hbm>>
      %dma_start3A_334 = arith.constant 0 : i32
      %dma_start3A_335 = tpu.memref_slice %arg5[%select_n3A_326, %dma_start3A_334] : memref<4x128xi32, #tpu.memory_space<vmem>> -> memref<1x128xi32, #tpu.memory_space<vmem>>
      %dma_start3A_336 = tpu.memref_squeeze %dma_start3A_335 : memref<1x128xi32, #tpu.memory_space<vmem>> -> memref<128xi32, #tpu.memory_space<vmem>>
      %dma_start3A_337 = arith.constant 0 : i32
      %dma_start3A_338 = tpu.memref_slice %arg3[%dma_start3A_327, %select_n3A_310, %dma_start3A_337] : memref<2x2500x128xi32, #tpu.memory_space<hbm>> -> memref<1x1x128xi32, #tpu.memory_space<hbm>>
      %dma_start3A_339 = tpu.memref_squeeze %dma_start3A_338 : memref<1x1x128xi32, #tpu.memory_space<hbm>> -> memref<128xi32, #tpu.memory_space<hbm>>
      tpu.enqueue_dma source(%dma_start3A_339 : memref<128xi32, #tpu.memory_space<hbm>>) target(%dma_start3A_336 : memref<128xi32, #tpu.memory_space<vmem>>) target_semaphore(%arg12 : memref<!tpu.dma_semaphore, #tpu.memory_space<semaphore_mem>>)
      %eq3A_340 = arith.constant 78 : i32
      %eq3A_341 = arith.cmpi eq, %add3A_302, %eq3A_340 : i32
      %add3A_342 = arith.constant 2496 : i32
      %add3A_343 = arith.addi %add3A_342, %add3A : i32
      %add3A_344 = arith.addi %mul3A_2, %add3A_302 : i32
      %min3A_345 = arith.constant 2499 : i32
      %min3A_346 = arith.minsi %add3A_344, %min3A_345 : i32
      %select_n3A_347 = arith.select %eq3A_341, %add3A_343, %min3A_346 : i32
      %jit3A_348 = arith.constant 4 : i32
      %eq3A_349 = arith.constant 0 : i32
      %eq3A_350 = arith.cmpi eq, %jit3A_348, %eq3A_349 : i32
      %jit3A_351 = arith.constant 1 : i32
      %select_n3A_352 = arith.select %eq3A_350, %jit3A_351, %jit3A_348 : i32
      %rem3A_353 = arith.remsi %add3A_302, %select_n3A_352 : i32
      %ne3A_354 = arith.constant 0 : i32
      %ne3A_355 = arith.cmpi ne, %rem3A_353, %ne3A_354 : i32
      %lt3A_356 = arith.constant 0 : i32
      %lt3A_357 = arith.cmpi slt, %rem3A_353, %lt3A_356 : i32
      %lt3A_358 = arith.constant 0 : i32
      %lt3A_359 = arith.cmpi slt, %select_n3A_352, %lt3A_358 : i32
      %ne3A_360 = arith.xori %lt3A_357, %lt3A_359 : i1
      %and3A_361 = arith.andi %ne3A_360, %ne3A_355 : i1
      %add3A_362 = arith.addi %rem3A_353, %select_n3A_352 : i32
      %select_n3A_363 = arith.select %and3A_361, %add3A_362, %rem3A_353 : i32
      %dma_start3A_364 = arith.constant 1 : i32
      %dma_start3A_365 = arith.constant 0 : i32
      %dma_start3A_366 = tpu.memref_slice %arg6[%select_n3A_363, %dma_start3A_365] : memref<4x128xi32, #tpu.memory_space<vmem>> -> memref<1x128xi32, #tpu.memory_space<vmem>>
      %dma_start3A_367 = tpu.memref_squeeze %dma_start3A_366 : memref<1x128xi32, #tpu.memory_space<vmem>> -> memref<128xi32, #tpu.memory_space<vmem>>
      %dma_start3A_368 = arith.constant 0 : i32
      %dma_start3A_369 = tpu.memref_slice %arg3[%dma_start3A_364, %select_n3A_347, %dma_start3A_368] : memref<2x2500x128xi32, #tpu.memory_space<hbm>> -> memref<1x1x128xi32, #tpu.memory_space<hbm>>
      %dma_start3A_370 = tpu.memref_squeeze %dma_start3A_369 : memref<1x1x128xi32, #tpu.memory_space<hbm>> -> memref<128xi32, #tpu.memory_space<hbm>>
      %dma_start3A_371 = arith.constant 0 : i32
      %dma_start3A_372 = tpu.memref_slice %arg6[%select_n3A_363, %dma_start3A_371] : memref<4x128xi32, #tpu.memory_space<vmem>> -> memref<1x128xi32, #tpu.memory_space<vmem>>
      %dma_start3A_373 = tpu.memref_squeeze %dma_start3A_372 : memref<1x128xi32, #tpu.memory_space<vmem>> -> memref<128xi32, #tpu.memory_space<vmem>>
      %dma_start3A_374 = arith.constant 0 : i32
      %dma_start3A_375 = tpu.memref_slice %arg3[%dma_start3A_364, %select_n3A_347, %dma_start3A_374] : memref<2x2500x128xi32, #tpu.memory_space<hbm>> -> memref<1x1x128xi32, #tpu.memory_space<hbm>>
      %dma_start3A_376 = tpu.memref_squeeze %dma_start3A_375 : memref<1x1x128xi32, #tpu.memory_space<hbm>> -> memref<128xi32, #tpu.memory_space<hbm>>
      tpu.enqueue_dma source(%dma_start3A_376 : memref<128xi32, #tpu.memory_space<hbm>>) target(%dma_start3A_373 : memref<128xi32, #tpu.memory_space<vmem>>) target_semaphore(%arg12 : memref<!tpu.dma_semaphore, #tpu.memory_space<semaphore_mem>>)
      %lt3A_377 = arith.constant 38 : i32
      %lt3A_378 = arith.cmpi slt, %scan3A_176, %lt3A_377 : i32
      %or3A = arith.ori %lt3A_378, %lt3A_3 : i1
      %convert_element_type3A_379 = arith.extui %or3A : i1 to i32
      %cond3A_380 = arith.constant 0 : i32
      %cond3A_381 = arith.cmpi ne, %convert_element_type3A_379, %cond3A_380 : i32
      scf.if %cond3A_381 {
        %add3A_388 = arith.constant 2 : i32
        %add3A_389 = arith.addi %mul3A_178, %add3A_388 : i32
        %jit3A_390 = arith.constant 4 : i32
        %eq3A_391 = arith.constant 0 : i32
        %eq3A_392 = arith.cmpi eq, %jit3A_390, %eq3A_391 : i32
        %jit3A_393 = arith.constant 1 : i32
        %select_n3A_394 = arith.select %eq3A_392, %jit3A_393, %jit3A_390 : i32
        %rem3A_395 = arith.remsi %add3A_389, %select_n3A_394 : i32
        %ne3A_396 = arith.constant 0 : i32
        %ne3A_397 = arith.cmpi ne, %rem3A_395, %ne3A_396 : i32
        %lt3A_398 = arith.constant 0 : i32
        %lt3A_399 = arith.cmpi slt, %rem3A_395, %lt3A_398 : i32
        %lt3A_400 = arith.constant 0 : i32
        %lt3A_401 = arith.cmpi slt, %select_n3A_394, %lt3A_400 : i32
        %ne3A_402 = arith.xori %lt3A_399, %lt3A_401 : i1
        %and3A_403 = arith.andi %ne3A_402, %ne3A_397 : i1
        %add3A_404 = arith.addi %rem3A_395, %select_n3A_394 : i32
        %select_n3A_405 = arith.select %and3A_403, %add3A_404, %rem3A_395 : i32
        %dma_start3A_406 = arith.constant 0 : i32
        %dma_start3A_407 = tpu.memref_slice %arg5[%select_n3A_405, %dma_start3A_406] : memref<4x128xi32, #tpu.memory_space<vmem>> -> memref<1x128xi32, #tpu.memory_space<vmem>>
        %dma_start3A_408 = tpu.memref_squeeze %dma_start3A_407 : memref<1x128xi32, #tpu.memory_space<vmem>> -> memref<128xi32, #tpu.memory_space<vmem>>
        %dma_start3A_409 = arith.constant 0 : i32
        %dma_start3A_410 = arith.constant 0 : i32
        %dma_start3A_411 = tpu.memref_slice %arg13[%dma_start3A_409, %dma_start3A_410] : memref<10000x48xf32, #tpu.memory_space<vmem_shared>> -> memref<10000x48xf32, #tpu.memory_space<vmem_shared>>
        tpu.enqueue_indirect_dma source(%dma_start3A_411 : memref<10000x48xf32, #tpu.memory_space<vmem_shared>>) target(%arg7 : memref<128x48xf32, #tpu.memory_space<vmem>>) offsets(%dma_start3A_408 : memref<128xi32, #tpu.memory_space<vmem>>) semaphore(%arg10 : memref<!tpu.dma_semaphore, #tpu.memory_space<semaphore_mem>>)
      } else {
      }
      %dma_wait3A_382 = arith.constant 0 : i32
      %dma_wait3A_383 = tpu.memref_slice %arg5[%select_n3A_208, %dma_wait3A_382] : memref<4x128xi32, #tpu.memory_space<vmem>> -> memref<1x128xi32, #tpu.memory_space<vmem>>
      %dma_wait3A_384 = tpu.memref_squeeze %dma_wait3A_383 : memref<1x128xi32, #tpu.memory_space<vmem>> -> memref<128xi32, #tpu.memory_space<vmem>>
      %dma_wait3A_385 = arith.constant 0 : i32
      %dma_wait3A_386 = arith.constant 0 : i32
      %dma_wait3A_387 = tpu.memref_slice %arg13[%dma_wait3A_385, %dma_wait3A_386] : memref<10000x48xf32, #tpu.memory_space<vmem_shared>> -> memref<10000x48xf32, #tpu.memory_space<vmem_shared>>
      tpu.wait_indirect_dma semaphore(%arg11 : memref<!tpu.dma_semaphore, #tpu.memory_space<semaphore_mem>>) src(%dma_wait3A_387 : memref<10000x48xf32, #tpu.memory_space<vmem_shared>>) dst(%arg8 : memref<128x48xf32, #tpu.memory_space<vmem>>)
      "tpu.region"() ({
        %run_scoped3A_388 = tpu.sem_alloc : memref<!tpu.dma_semaphore, #tpu.memory_space<semaphore_mem>>
        %dma_start3A_389 = arith.constant 0 : i32
        %dma_start3A_390 = tpu.memref_slice %arg6[%select_n3A_208, %dma_start3A_389] : memref<4x128xi32, #tpu.memory_space<vmem>> -> memref<1x128xi32, #tpu.memory_space<vmem>>
        %dma_start3A_391 = tpu.memref_squeeze %dma_start3A_390 : memref<1x128xi32, #tpu.memory_space<vmem>> -> memref<128xi32, #tpu.memory_space<vmem>>
        %dma_start3A_392 = arith.constant 0 : i32
        %dma_start3A_393 = arith.constant 0 : i32
        %dma_start3A_394 = tpu.memref_slice %arg9[%dma_start3A_392, %dma_start3A_393] : memref<10000x48xf32, #tpu.memory_space<vmem_shared>> -> memref<10000x48xf32, #tpu.memory_space<vmem_shared>>
        tpu.enqueue_indirect_dma source(%arg8 : memref<128x48xf32, #tpu.memory_space<vmem>>) target(%dma_start3A_394 : memref<10000x48xf32, #tpu.memory_space<vmem_shared>>) offsets(%dma_start3A_391 : memref<128xi32, #tpu.memory_space<vmem>>) semaphore(%run_scoped3A_388 : memref<!tpu.dma_semaphore, #tpu.memory_space<semaphore_mem>>) {add = true}
        %dma_wait3A_395 = arith.constant 0 : i32
        %dma_wait3A_396 = tpu.memref_slice %arg6[%select_n3A_208, %dma_wait3A_395] : memref<4x128xi32, #tpu.memory_space<vmem>> -> memref<1x128xi32, #tpu.memory_space<vmem>>
        %dma_wait3A_397 = tpu.memref_squeeze %dma_wait3A_396 : memref<1x128xi32, #tpu.memory_space<vmem>> -> memref<128xi32, #tpu.memory_space<vmem>>
        %dma_wait3A_398 = arith.constant 0 : i32
        %dma_wait3A_399 = arith.constant 0 : i32
        %dma_wait3A_400 = tpu.memref_slice %arg9[%dma_wait3A_398, %dma_wait3A_399] : memref<10000x48xf32, #tpu.memory_space<vmem_shared>> -> memref<10000x48xf32, #tpu.memory_space<vmem_shared>>
        tpu.wait_indirect_dma semaphore(%run_scoped3A_388 : memref<!tpu.dma_semaphore, #tpu.memory_space<semaphore_mem>>) src(%arg8 : memref<128x48xf32, #tpu.memory_space<vmem>>) dst(%dma_wait3A_400 : memref<10000x48xf32, #tpu.memory_space<vmem_shared>>)
        tpu.yield
      }) : () -> ()
    }
    %scan3A_86 = arith.constant 39 : i32
    %add3A_87 = arith.constant 2496 : i32
    %add3A_88 = arith.addi %add3A_87, %add3A : i32
    %add3A_89 = arith.constant 79 : i32
    %add3A_90 = arith.addi %mul3A_2, %add3A_89 : i32
    %min3A_91 = arith.constant 2499 : i32
    %min3A_92 = arith.minsi %add3A_90, %min3A_91 : i32
    %jit3A_93 = arith.constant false
    %select_n3A_94 = arith.select %jit3A_93, %add3A_88, %min3A_92 : i32
    %dma_wait3A = arith.constant 0 : i32
    %dma_wait3A_95 = arith.constant 3 : i32
    %dma_wait3A_96 = arith.constant 0 : i32
    %dma_wait3A_97 = tpu.memref_slice %arg5[%dma_wait3A_95, %dma_wait3A_96] : memref<4x128xi32, #tpu.memory_space<vmem>> -> memref<1x128xi32, #tpu.memory_space<vmem>>
    %dma_wait3A_98 = tpu.memref_squeeze %dma_wait3A_97 : memref<1x128xi32, #tpu.memory_space<vmem>> -> memref<128xi32, #tpu.memory_space<vmem>>
    %dma_wait3A_99 = arith.constant 0 : i32
    %dma_wait3A_100 = tpu.memref_slice %arg3[%dma_wait3A, %select_n3A_94, %dma_wait3A_99] : memref<2x2500x128xi32, #tpu.memory_space<hbm>> -> memref<1x1x128xi32, #tpu.memory_space<hbm>>
    %dma_wait3A_101 = tpu.memref_squeeze %dma_wait3A_100 : memref<1x1x128xi32, #tpu.memory_space<hbm>> -> memref<128xi32, #tpu.memory_space<hbm>>
    %dma_wait3A_102 = arith.constant 0 : i32
    %dma_wait3A_103 = tpu.memref_slice %arg5[%dma_wait3A_95, %dma_wait3A_102] : memref<4x128xi32, #tpu.memory_space<vmem>> -> memref<1x128xi32, #tpu.memory_space<vmem>>
    %dma_wait3A_104 = tpu.memref_squeeze %dma_wait3A_103 : memref<1x128xi32, #tpu.memory_space<vmem>> -> memref<128xi32, #tpu.memory_space<vmem>>
    %dma_wait3A_105 = arith.constant 0 : i32
    %dma_wait3A_106 = tpu.memref_slice %arg3[%dma_wait3A, %select_n3A_94, %dma_wait3A_105] : memref<2x2500x128xi32, #tpu.memory_space<hbm>> -> memref<1x1x128xi32, #tpu.memory_space<hbm>>
    %dma_wait3A_107 = tpu.memref_squeeze %dma_wait3A_106 : memref<1x1x128xi32, #tpu.memory_space<hbm>> -> memref<128xi32, #tpu.memory_space<hbm>>
    tpu.wait_dma2 semaphore(%arg12 : memref<!tpu.dma_semaphore, #tpu.memory_space<semaphore_mem>>) src(%dma_wait3A_107 : memref<128xi32, #tpu.memory_space<hbm>>) dst(%dma_wait3A_104 : memref<128xi32, #tpu.memory_space<vmem>>)
    %add3A_108 = arith.constant 2496 : i32
    %add3A_109 = arith.addi %add3A_108, %add3A : i32
    %add3A_110 = arith.constant 79 : i32
    %add3A_111 = arith.addi %mul3A_2, %add3A_110 : i32
    %min3A_112 = arith.constant 2499 : i32
    %min3A_113 = arith.minsi %add3A_111, %min3A_112 : i32
    %jit3A_114 = arith.constant false
    %select_n3A_115 = arith.select %jit3A_114, %add3A_109, %min3A_113 : i32
    %dma_wait3A_116 = arith.constant 1 : i32
    %dma_wait3A_117 = arith.constant 3 : i32
    %dma_wait3A_118 = arith.constant 0 : i32
    %dma_wait3A_119 = tpu.memref_slice %arg6[%dma_wait3A_117, %dma_wait3A_118] : memref<4x128xi32, #tpu.memory_space<vmem>> -> memref<1x128xi32, #tpu.memory_space<vmem>>
    %dma_wait3A_120 = tpu.memref_squeeze %dma_wait3A_119 : memref<1x128xi32, #tpu.memory_space<vmem>> -> memref<128xi32, #tpu.memory_space<vmem>>
    %dma_wait3A_121 = arith.constant 0 : i32
    %dma_wait3A_122 = tpu.memref_slice %arg3[%dma_wait3A_116, %select_n3A_115, %dma_wait3A_121] : memref<2x2500x128xi32, #tpu.memory_space<hbm>> -> memref<1x1x128xi32, #tpu.memory_space<hbm>>
    %dma_wait3A_123 = tpu.memref_squeeze %dma_wait3A_122 : memref<1x1x128xi32, #tpu.memory_space<hbm>> -> memref<128xi32, #tpu.memory_space<hbm>>
    %dma_wait3A_124 = arith.constant 0 : i32
    %dma_wait3A_125 = tpu.memref_slice %arg6[%dma_wait3A_117, %dma_wait3A_124] : memref<4x128xi32, #tpu.memory_space<vmem>> -> memref<1x128xi32, #tpu.memory_space<vmem>>
    %dma_wait3A_126 = tpu.memref_squeeze %dma_wait3A_125 : memref<1x128xi32, #tpu.memory_space<vmem>> -> memref<128xi32, #tpu.memory_space<vmem>>
    %dma_wait3A_127 = arith.constant 0 : i32
    %dma_wait3A_128 = tpu.memref_slice %arg3[%dma_wait3A_116, %select_n3A_115, %dma_wait3A_127] : memref<2x2500x128xi32, #tpu.memory_space<hbm>> -> memref<1x1x128xi32, #tpu.memory_space<hbm>>
    %dma_wait3A_129 = tpu.memref_squeeze %dma_wait3A_128 : memref<1x1x128xi32, #tpu.memory_space<hbm>> -> memref<128xi32, #tpu.memory_space<hbm>>
    tpu.wait_dma2 semaphore(%arg12 : memref<!tpu.dma_semaphore, #tpu.memory_space<semaphore_mem>>) src(%dma_wait3A_129 : memref<128xi32, #tpu.memory_space<hbm>>) dst(%dma_wait3A_126 : memref<128xi32, #tpu.memory_space<vmem>>)
    %add3A_130 = arith.constant 2496 : i32
    %add3A_131 = arith.addi %add3A_130, %add3A : i32
    %add3A_132 = arith.constant 80 : i32
    %add3A_133 = arith.addi %mul3A_2, %add3A_132 : i32
    %min3A_134 = arith.constant 2499 : i32
    %min3A_135 = arith.minsi %add3A_133, %min3A_134 : i32
    %jit3A_136 = arith.constant false
    %select_n3A_137 = arith.select %jit3A_136, %add3A_131, %min3A_135 : i32
    %dma_wait3A_138 = arith.constant 0 : i32
    %dma_wait3A_139 = arith.constant 0 : i32
    %dma_wait3A_140 = arith.constant 0 : i32
    %dma_wait3A_141 = tpu.memref_slice %arg5[%dma_wait3A_139, %dma_wait3A_140] : memref<4x128xi32, #tpu.memory_space<vmem>> -> memref<1x128xi32, #tpu.memory_space<vmem>>
    %dma_wait3A_142 = tpu.memref_squeeze %dma_wait3A_141 : memref<1x128xi32, #tpu.memory_space<vmem>> -> memref<128xi32, #tpu.memory_space<vmem>>
    %dma_wait3A_143 = arith.constant 0 : i32
    %dma_wait3A_144 = tpu.memref_slice %arg3[%dma_wait3A_138, %select_n3A_137, %dma_wait3A_143] : memref<2x2500x128xi32, #tpu.memory_space<hbm>> -> memref<1x1x128xi32, #tpu.memory_space<hbm>>
    %dma_wait3A_145 = tpu.memref_squeeze %dma_wait3A_144 : memref<1x1x128xi32, #tpu.memory_space<hbm>> -> memref<128xi32, #tpu.memory_space<hbm>>
    %dma_wait3A_146 = arith.constant 0 : i32
    %dma_wait3A_147 = tpu.memref_slice %arg5[%dma_wait3A_139, %dma_wait3A_146] : memref<4x128xi32, #tpu.memory_space<vmem>> -> memref<1x128xi32, #tpu.memory_space<vmem>>
    %dma_wait3A_148 = tpu.memref_squeeze %dma_wait3A_147 : memref<1x128xi32, #tpu.memory_space<vmem>> -> memref<128xi32, #tpu.memory_space<vmem>>
    %dma_wait3A_149 = arith.constant 0 : i32
    %dma_wait3A_150 = tpu.memref_slice %arg3[%dma_wait3A_138, %select_n3A_137, %dma_wait3A_149] : memref<2x2500x128xi32, #tpu.memory_space<hbm>> -> memref<1x1x128xi32, #tpu.memory_space<hbm>>
    %dma_wait3A_151 = tpu.memref_squeeze %dma_wait3A_150 : memref<1x1x128xi32, #tpu.memory_space<hbm>> -> memref<128xi32, #tpu.memory_space<hbm>>
    tpu.wait_dma2 semaphore(%arg12 : memref<!tpu.dma_semaphore, #tpu.memory_space<semaphore_mem>>) src(%dma_wait3A_151 : memref<128xi32, #tpu.memory_space<hbm>>) dst(%dma_wait3A_148 : memref<128xi32, #tpu.memory_space<vmem>>)
    %add3A_152 = arith.constant 2496 : i32
    %add3A_153 = arith.addi %add3A_152, %add3A : i32
    %add3A_154 = arith.constant 80 : i32
    %add3A_155 = arith.addi %mul3A_2, %add3A_154 : i32
    %min3A_156 = arith.constant 2499 : i32
    %min3A_157 = arith.minsi %add3A_155, %min3A_156 : i32
    %jit3A_158 = arith.constant false
    %select_n3A_159 = arith.select %jit3A_158, %add3A_153, %min3A_157 : i32
    %dma_wait3A_160 = arith.constant 1 : i32
    %dma_wait3A_161 = arith.constant 0 : i32
    %dma_wait3A_162 = arith.constant 0 : i32
    %dma_wait3A_163 = tpu.memref_slice %arg6[%dma_wait3A_161, %dma_wait3A_162] : memref<4x128xi32, #tpu.memory_space<vmem>> -> memref<1x128xi32, #tpu.memory_space<vmem>>
    %dma_wait3A_164 = tpu.memref_squeeze %dma_wait3A_163 : memref<1x128xi32, #tpu.memory_space<vmem>> -> memref<128xi32, #tpu.memory_space<vmem>>
    %dma_wait3A_165 = arith.constant 0 : i32
    %dma_wait3A_166 = tpu.memref_slice %arg3[%dma_wait3A_160, %select_n3A_159, %dma_wait3A_165] : memref<2x2500x128xi32, #tpu.memory_space<hbm>> -> memref<1x1x128xi32, #tpu.memory_space<hbm>>
    %dma_wait3A_167 = tpu.memref_squeeze %dma_wait3A_166 : memref<1x1x128xi32, #tpu.memory_space<hbm>> -> memref<128xi32, #tpu.memory_space<hbm>>
    %dma_wait3A_168 = arith.constant 0 : i32
    %dma_wait3A_169 = tpu.memref_slice %arg6[%dma_wait3A_161, %dma_wait3A_168] : memref<4x128xi32, #tpu.memory_space<vmem>> -> memref<1x128xi32, #tpu.memory_space<vmem>>
    %dma_wait3A_170 = tpu.memref_squeeze %dma_wait3A_169 : memref<1x128xi32, #tpu.memory_space<vmem>> -> memref<128xi32, #tpu.memory_space<vmem>>
    %dma_wait3A_171 = arith.constant 0 : i32
    %dma_wait3A_172 = tpu.memref_slice %arg3[%dma_wait3A_160, %select_n3A_159, %dma_wait3A_171] : memref<2x2500x128xi32, #tpu.memory_space<hbm>> -> memref<1x1x128xi32, #tpu.memory_space<hbm>>
    %dma_wait3A_173 = tpu.memref_squeeze %dma_wait3A_172 : memref<1x1x128xi32, #tpu.memory_space<hbm>> -> memref<128xi32, #tpu.memory_space<hbm>>
    tpu.wait_dma2 semaphore(%arg12 : memref<!tpu.dma_semaphore, #tpu.memory_space<semaphore_mem>>) src(%dma_wait3A_173 : memref<128xi32, #tpu.memory_space<hbm>>) dst(%dma_wait3A_170 : memref<128xi32, #tpu.memory_space<vmem>>)
    %convert_element_type3A = arith.extui %lt3A_3 : i1 to i32
    %cond3A = arith.constant 0 : i32
    %cond3A_174 = arith.cmpi ne, %convert_element_type3A, %cond3A : i32
    scf.if %cond3A_174 {
      %dma_wait3A_176 = arith.constant 2 : i32
      %dma_wait3A_177 = arith.constant 0 : i32
      %dma_wait3A_178 = tpu.memref_slice %arg5[%dma_wait3A_176, %dma_wait3A_177] : memref<4x128xi32, #tpu.memory_space<vmem>> -> memref<1x128xi32, #tpu.memory_space<vmem>>
      %dma_wait3A_179 = tpu.memref_squeeze %dma_wait3A_178 : memref<1x128xi32, #tpu.memory_space<vmem>> -> memref<128xi32, #tpu.memory_space<vmem>>
      %dma_wait3A_180 = arith.constant 0 : i32
      %dma_wait3A_181 = arith.constant 0 : i32
      %dma_wait3A_182 = tpu.memref_slice %arg13[%dma_wait3A_180, %dma_wait3A_181] : memref<10000x48xf32, #tpu.memory_space<vmem_shared>> -> memref<10000x48xf32, #tpu.memory_space<vmem_shared>>
      tpu.wait_indirect_dma semaphore(%arg10 : memref<!tpu.dma_semaphore, #tpu.memory_space<semaphore_mem>>) src(%dma_wait3A_182 : memref<10000x48xf32, #tpu.memory_space<vmem_shared>>) dst(%arg7 : memref<128x48xf32, #tpu.memory_space<vmem>>)
      %run_scoped3A_183 = arith.constant 2 : i32
      "tpu.region"() ({
        %run_scoped3A_184 = tpu.sem_alloc : memref<!tpu.dma_semaphore, #tpu.memory_space<semaphore_mem>>
        %dma_start3A_185 = arith.constant 0 : i32
        %dma_start3A_186 = tpu.memref_slice %arg6[%run_scoped3A_183, %dma_start3A_185] : memref<4x128xi32, #tpu.memory_space<vmem>> -> memref<1x128xi32, #tpu.memory_space<vmem>>
        %dma_start3A_187 = tpu.memref_squeeze %dma_start3A_186 : memref<1x128xi32, #tpu.memory_space<vmem>> -> memref<128xi32, #tpu.memory_space<vmem>>
        %dma_start3A_188 = arith.constant 0 : i32
        %dma_start3A_189 = arith.constant 0 : i32
        %dma_start3A_190 = tpu.memref_slice %arg9[%dma_start3A_188, %dma_start3A_189] : memref<10000x48xf32, #tpu.memory_space<vmem_shared>> -> memref<10000x48xf32, #tpu.memory_space<vmem_shared>>
        tpu.enqueue_indirect_dma source(%arg7 : memref<128x48xf32, #tpu.memory_space<vmem>>) target(%dma_start3A_190 : memref<10000x48xf32, #tpu.memory_space<vmem_shared>>) offsets(%dma_start3A_187 : memref<128xi32, #tpu.memory_space<vmem>>) semaphore(%run_scoped3A_184 : memref<!tpu.dma_semaphore, #tpu.memory_space<semaphore_mem>>) {add = true}
        %dma_wait3A_191 = arith.constant 0 : i32
        %dma_wait3A_192 = tpu.memref_slice %arg6[%run_scoped3A_183, %dma_wait3A_191] : memref<4x128xi32, #tpu.memory_space<vmem>> -> memref<1x128xi32, #tpu.memory_space<vmem>>
        %dma_wait3A_193 = tpu.memref_squeeze %dma_wait3A_192 : memref<1x128xi32, #tpu.memory_space<vmem>> -> memref<128xi32, #tpu.memory_space<vmem>>
        %dma_wait3A_194 = arith.constant 0 : i32
        %dma_wait3A_195 = arith.constant 0 : i32
        %dma_wait3A_196 = tpu.memref_slice %arg9[%dma_wait3A_194, %dma_wait3A_195] : memref<10000x48xf32, #tpu.memory_space<vmem_shared>> -> memref<10000x48xf32, #tpu.memory_space<vmem_shared>>
        tpu.wait_indirect_dma semaphore(%run_scoped3A_184 : memref<!tpu.dma_semaphore, #tpu.memory_space<semaphore_mem>>) src(%arg7 : memref<128x48xf32, #tpu.memory_space<vmem>>) dst(%dma_wait3A_196 : memref<10000x48xf32, #tpu.memory_space<vmem_shared>>)
        tpu.yield
      }) : () -> ()
    } else {
    }
    %barrier3A_175 = arith.constant 0 : index
    tpu.barrier barrier_id(%barrier3A_175)
    "tpu.trace_stop"() : () -> ()
    "tpu.trace_start"() <{level = 10 : i32, message = "agg_writeback"}> : () -> ()
    "tpu.region"() ({
      %run_scoped3A_176 = tpu.sem_alloc : memref<!tpu.dma_semaphore, #tpu.memory_space<semaphore_mem>>
      %dma_start3A_177 = arith.constant 0 : i32
      %dma_start3A_178 = tpu.memref_slice %arg4[%arg0, %mul3A_9, %dma_start3A_177] : memref<2x10000x48xf32, #tpu.memory_space<hbm>> -> memref<1x625x48xf32, #tpu.memory_space<hbm>>
      %dma_start3A_179 = tpu.memref_squeeze %dma_start3A_178 : memref<1x625x48xf32, #tpu.memory_space<hbm>> -> memref<625x48xf32, #tpu.memory_space<hbm>>
      %dma_start3A_180 = arith.constant 0 : i32
      %dma_start3A_181 = tpu.memref_slice %arg9[%mul3A_9, %dma_start3A_180] : memref<10000x48xf32, #tpu.memory_space<vmem_shared>> -> memref<625x48xf32, #tpu.memory_space<vmem_shared>>
      tpu.enqueue_dma source(%dma_start3A_181 : memref<625x48xf32, #tpu.memory_space<vmem_shared>>) target(%dma_start3A_179 : memref<625x48xf32, #tpu.memory_space<hbm>>) target_semaphore(%run_scoped3A_176 : memref<!tpu.dma_semaphore, #tpu.memory_space<semaphore_mem>>)
      %dma_wait3A_182 = arith.constant 0 : i32
      %dma_wait3A_183 = tpu.memref_slice %arg4[%arg0, %mul3A_9, %dma_wait3A_182] : memref<2x10000x48xf32, #tpu.memory_space<hbm>> -> memref<1x625x48xf32, #tpu.memory_space<hbm>>
      %dma_wait3A_184 = tpu.memref_squeeze %dma_wait3A_183 : memref<1x625x48xf32, #tpu.memory_space<hbm>> -> memref<625x48xf32, #tpu.memory_space<hbm>>
      %dma_wait3A_185 = arith.constant 0 : i32
      %dma_wait3A_186 = tpu.memref_slice %arg9[%mul3A_9, %dma_wait3A_185] : memref<10000x48xf32, #tpu.memory_space<vmem_shared>> -> memref<625x48xf32, #tpu.memory_space<vmem_shared>>
      tpu.wait_dma2 semaphore(%run_scoped3A_176 : memref<!tpu.dma_semaphore, #tpu.memory_space<semaphore_mem>>) src(%dma_wait3A_186 : memref<625x48xf32, #tpu.memory_space<vmem_shared>>) dst(%dma_wait3A_184 : memref<625x48xf32, #tpu.memory_space<hbm>>)
      tpu.yield
    }) : () -> ()
    "tpu.trace_stop"() : () -> ()
    return
  }
}

module attributes {stable_mosaic.version = 14 : i64} {
  func.func @body(%arg0: i32, %arg1: memref<2000x128xf32, #tpu.memory_space<vmem>>, %arg2: memref<1x2000x128xf32, #tpu.memory_space<vmem>>, %arg3: memref<1x2000x128xf32, #tpu.memory_space<vmem>>, %arg4: memref<1x2000x16xf32, #tpu.memory_space<vmem>>, %arg5: memref<1x2000x16xf32, #tpu.memory_space<vmem>>, %arg6: memref<128x256xf32, #tpu.memory_space<vmem>>, %arg7: memref<128x256xf32, #tpu.memory_space<vmem>>, %arg8: memref<1x256xf32, #tpu.memory_space<vmem>>, %arg9: memref<256x48xf32, #tpu.memory_space<vmem>>, %arg10: memref<256x48xf32, #tpu.memory_space<vmem>>, %arg11: memref<1x48xf32, #tpu.memory_space<vmem>>, %arg12: memref<2000x48xf32, #tpu.memory_space<vmem>>, %arg13: memref<2000x48xf32, #tpu.memory_space<vmem>>) attributes {dimension_semantics = [#tpu.dimension_semantics<arbitrary>], iteration_bounds = array<i64: 5>, scalar_prefetch = 0 : i64, scratch_operands = 0 : i64, tpu.core_type = #tpu.core_type<tc>, window_params = [{transform_indices = @transform_0, window_bounds = array<i64: 2000, 128>}, {transform_indices = @transform_1, window_bounds = array<i64: 1, 2000, 128>}, {transform_indices = @transform_2, window_bounds = array<i64: 1, 2000, 128>}, {transform_indices = @transform_3, window_bounds = array<i64: 1, 2000, 16>}, {transform_indices = @transform_4, window_bounds = array<i64: 1, 2000, 16>}, {pipeline_mode = #tpu.pipeline_mode<synchronous>, transform_indices = @transform_5, window_bounds = array<i64: 128, 256>}, {pipeline_mode = #tpu.pipeline_mode<synchronous>, transform_indices = @transform_6, window_bounds = array<i64: 128, 256>}, {pipeline_mode = #tpu.pipeline_mode<synchronous>, transform_indices = @transform_7, window_bounds = array<i64: 1, 256>}, {pipeline_mode = #tpu.pipeline_mode<synchronous>, transform_indices = @transform_8, window_bounds = array<i64: 256, 48>}, {pipeline_mode = #tpu.pipeline_mode<synchronous>, transform_indices = @transform_9, window_bounds = array<i64: 256, 48>}, {pipeline_mode = #tpu.pipeline_mode<synchronous>, transform_indices = @transform_10, window_bounds = array<i64: 1, 48>}, {transform_indices = @transform_11, window_bounds = array<i64: 2000, 48>}, {transform_indices = @transform_12, window_bounds = array<i64: 2000, 48>}]} {
    %get3A = arith.constant 0 : index
    %get3A_0 = arith.constant 0 : index
    %get3A_1 = arith.constant 0 : index
    %get3A_2 = vector.load %arg4[%get3A, %get3A_0, %get3A_1] : memref<1x2000x16xf32, #tpu.memory_space<vmem>>, vector<1x2000x16xf32>
    %get3A_3 = vector.shape_cast %get3A_2 : vector<1x2000x16xf32> to vector<2000x16xf32>
    %slice3A = vector.extract_strided_slice %get3A_3 {offsets = [0, 0], sizes = [2000, 1], strides = [1, 1]} : vector<2000x16xf32> to vector<2000x1xf32>
    %get3A_4 = arith.constant 0 : index
    %get3A_5 = arith.constant 0 : index
    %get3A_6 = arith.constant 0 : index
    %get3A_7 = vector.load %arg5[%get3A_4, %get3A_5, %get3A_6] : memref<1x2000x16xf32, #tpu.memory_space<vmem>>, vector<1x2000x16xf32>
    %get3A_8 = vector.shape_cast %get3A_7 : vector<1x2000x16xf32> to vector<2000x16xf32>
    %slice3A_9 = vector.extract_strided_slice %get3A_8 {offsets = [0, 0], sizes = [2000, 1], strides = [1, 1]} : vector<2000x16xf32> to vector<2000x1xf32>
    %add3A = arith.addf %slice3A, %slice3A_9 : vector<2000x1xf32>
    %max3A = arith.constant 1.000000e+00 : f32
    %max3A_10 = vector.broadcast %max3A : f32 to vector<2000x1xf32>
    %max3A_11 = arith.maximumf %add3A, %max3A_10 : vector<2000x1xf32>
    %div3A = arith.constant 1.000000e+00 : f32
    %div3A_12 = vector.broadcast %div3A : f32 to vector<2000x1xf32>
    %div3A_13 = arith.divf %div3A_12, %max3A_11 : vector<2000x1xf32>
    %get3A_14 = arith.constant 0 : index
    %get3A_15 = arith.constant 0 : index
    %get3A_16 = arith.constant 0 : index
    %get3A_17 = vector.load %arg2[%get3A_14, %get3A_15, %get3A_16] : memref<1x2000x128xf32, #tpu.memory_space<vmem>>, vector<1x2000x128xf32>
    %get3A_18 = vector.shape_cast %get3A_17 : vector<1x2000x128xf32> to vector<2000x128xf32>
    %get3A_19 = arith.constant 0 : index
    %get3A_20 = arith.constant 0 : index
    %get3A_21 = arith.constant 0 : index
    %get3A_22 = vector.load %arg3[%get3A_19, %get3A_20, %get3A_21] : memref<1x2000x128xf32, #tpu.memory_space<vmem>>, vector<1x2000x128xf32>
    %get3A_23 = vector.shape_cast %get3A_22 : vector<1x2000x128xf32> to vector<2000x128xf32>
    %add3A_24 = arith.addf %get3A_18, %get3A_23 : vector<2000x128xf32>
    %mul3A = vector.broadcast %div3A_13 : vector<2000x1xf32> to vector<2000x128xf32>
    %mul3A_25 = arith.mulf %add3A_24, %mul3A : vector<2000x128xf32>
    %get3A_26 = arith.constant 0 : index
    %get3A_27 = arith.constant 0 : index
    %get3A_28 = vector.load %arg1[%get3A_26, %get3A_27] : memref<2000x128xf32, #tpu.memory_space<vmem>>, vector<2000x128xf32>
    %get3A_29 = arith.constant 0 : index
    %get3A_30 = arith.constant 0 : index
    %get3A_31 = vector.load %arg6[%get3A_29, %get3A_30] : memref<128x256xf32, #tpu.memory_space<vmem>>, vector<128x256xf32>
    %dot_general3A = arith.constant dense<0.000000e+00> : vector<2000x256xf32>
    %dot_general3A_32 = tpu.matmul %get3A_28, %get3A_31, %dot_general3A {dimension_numbers = #tpu.dot_dimension_numbers<[1], [0], [0], [1], [0, 0, 1, 1], [], []>, transpose_lhs_hint = false} : vector<2000x128xf32>, vector<128x256xf32>, vector<2000x256xf32> -> vector<2000x256xf32>
    %get3A_33 = arith.constant 0 : index
    %get3A_34 = arith.constant 0 : index
    %get3A_35 = vector.load %arg7[%get3A_33, %get3A_34] : memref<128x256xf32, #tpu.memory_space<vmem>>, vector<128x256xf32>
    %dot_general3A_36 = arith.constant dense<0.000000e+00> : vector<2000x256xf32>
    %dot_general3A_37 = tpu.matmul %mul3A_25, %get3A_35, %dot_general3A_36 {dimension_numbers = #tpu.dot_dimension_numbers<[1], [0], [0], [1], [0, 0, 1, 1], [], []>, transpose_lhs_hint = false} : vector<2000x128xf32>, vector<128x256xf32>, vector<2000x256xf32> -> vector<2000x256xf32>
    %add3A_38 = arith.addf %dot_general3A_32, %dot_general3A_37 : vector<2000x256xf32>
    %get3A_39 = arith.constant 0 : index
    %get3A_40 = arith.constant 0 : index
    %get3A_41 = vector.load %arg8[%get3A_39, %get3A_40] : memref<1x256xf32, #tpu.memory_space<vmem>>, vector<1x256xf32>
    %add3A_42 = vector.broadcast %get3A_41 : vector<1x256xf32> to vector<2000x256xf32>
    %add3A_43 = arith.addf %add3A_38, %add3A_42 : vector<2000x256xf32>
    %max3A_44 = arith.constant 0.000000e+00 : f32
    %max3A_45 = vector.broadcast %max3A_44 : f32 to vector<2000x256xf32>
    %max3A_46 = arith.maximumf %add3A_43, %max3A_45 : vector<2000x256xf32>
    %get3A_47 = arith.constant 0 : index
    %get3A_48 = arith.constant 0 : index
    %get3A_49 = vector.load %arg10[%get3A_47, %get3A_48] : memref<256x48xf32, #tpu.memory_space<vmem>>, vector<256x48xf32>
    %dot_general3A_50 = arith.constant dense<0.000000e+00> : vector<2000x48xf32>
    %dot_general3A_51 = tpu.matmul %max3A_46, %get3A_49, %dot_general3A_50 {dimension_numbers = #tpu.dot_dimension_numbers<[1], [0], [0], [1], [0, 0, 1, 1], [], []>, transpose_lhs_hint = false} : vector<2000x256xf32>, vector<256x48xf32>, vector<2000x48xf32> -> vector<2000x48xf32>
    %swap3A = arith.constant 0 : index
    %swap3A_52 = arith.constant 0 : index
    %swap3A_53 = vector.load %arg12[%swap3A, %swap3A_52] : memref<2000x48xf32, #tpu.memory_space<vmem>>, vector<2000x48xf32>
    tpu.vector_store %arg12[%swap3A, %swap3A_52], %dot_general3A_51 {strides = array<i32>} : memref<2000x48xf32, #tpu.memory_space<vmem>>, vector<2000x48xf32>,
    %get3A_54 = arith.constant 0 : index
    %get3A_55 = arith.constant 0 : index
    %get3A_56 = vector.load %arg9[%get3A_54, %get3A_55] : memref<256x48xf32, #tpu.memory_space<vmem>>, vector<256x48xf32>
    %dot_general3A_57 = arith.constant dense<0.000000e+00> : vector<2000x48xf32>
    %dot_general3A_58 = tpu.matmul %max3A_46, %get3A_56, %dot_general3A_57 {dimension_numbers = #tpu.dot_dimension_numbers<[1], [0], [0], [1], [0, 0, 1, 1], [], []>, transpose_lhs_hint = false} : vector<2000x256xf32>, vector<256x48xf32>, vector<2000x48xf32> -> vector<2000x48xf32>
    %get3A_59 = arith.constant 0 : index
    %get3A_60 = arith.constant 0 : index
    %get3A_61 = vector.load %arg11[%get3A_59, %get3A_60] : memref<1x48xf32, #tpu.memory_space<vmem>>, vector<1x48xf32>
    %add3A_62 = vector.broadcast %get3A_61 : vector<1x48xf32> to vector<2000x48xf32>
    %add3A_63 = arith.addf %dot_general3A_58, %add3A_62 : vector<2000x48xf32>
    %swap3A_64 = arith.constant 0 : index
    %swap3A_65 = arith.constant 0 : index
    %swap3A_66 = vector.load %arg13[%swap3A_64, %swap3A_65] : memref<2000x48xf32, #tpu.memory_space<vmem>>, vector<2000x48xf32>
    tpu.vector_store %arg13[%swap3A_64, %swap3A_65], %add3A_63 {strides = array<i32>} : memref<2000x48xf32, #tpu.memory_space<vmem>>, vector<2000x48xf32>,
    return
  }
  func.func @transform_0(%arg0: i32) -> (i32, i32) {
    %c0_i32 = arith.constant 0 : i32
    %c0_i32_0 = arith.constant 0 : i32
    return %arg0, %c0_i32 : i32, i32
  }
  func.func @transform_1(%arg0: i32) -> (i32, i32, i32) {
    %c0_i32 = arith.constant 0 : i32
    %c0_i32_0 = arith.constant 0 : i32
    %c0_i32_1 = arith.constant 0 : i32
    return %c0_i32, %arg0, %c0_i32_0 : i32, i32, i32
  }
  func.func @transform_2(%arg0: i32) -> (i32, i32, i32) {
    %c1_i32 = arith.constant 1 : i32
    %c0_i32 = arith.constant 0 : i32
    %c0_i32_0 = arith.constant 0 : i32
    return %c1_i32, %arg0, %c0_i32 : i32, i32, i32
  }
  func.func @transform_3(%arg0: i32) -> (i32, i32, i32) {
    %c0_i32 = arith.constant 0 : i32
    %c0_i32_0 = arith.constant 0 : i32
    %c0_i32_1 = arith.constant 0 : i32
    return %c0_i32, %arg0, %c0_i32_0 : i32, i32, i32
  }
  func.func @transform_4(%arg0: i32) -> (i32, i32, i32) {
    %c1_i32 = arith.constant 1 : i32
    %c0_i32 = arith.constant 0 : i32
    %c0_i32_0 = arith.constant 0 : i32
    return %c1_i32, %arg0, %c0_i32 : i32, i32, i32
  }
  func.func @transform_5(%arg0: i32) -> (i32, i32) {
    %c0_i32 = arith.constant 0 : i32
    %c0_i32_0 = arith.constant 0 : i32
    %c0_i32_1 = arith.constant 0 : i32
    return %c0_i32, %c0_i32_0 : i32, i32
  }
  func.func @transform_6(%arg0: i32) -> (i32, i32) {
    %c0_i32 = arith.constant 0 : i32
    %c0_i32_0 = arith.constant 0 : i32
    %c0_i32_1 = arith.constant 0 : i32
    return %c0_i32, %c0_i32_0 : i32, i32
  }
  func.func @transform_7(%arg0: i32) -> (i32, i32) {
    %c0_i32 = arith.constant 0 : i32
    %c0_i32_0 = arith.constant 0 : i32
    %c0_i32_1 = arith.constant 0 : i32
    return %c0_i32, %c0_i32_0 : i32, i32
  }
  func.func @transform_8(%arg0: i32) -> (i32, i32) {
    %c0_i32 = arith.constant 0 : i32
    %c0_i32_0 = arith.constant 0 : i32
    %c0_i32_1 = arith.constant 0 : i32
    return %c0_i32, %c0_i32_0 : i32, i32
  }
  func.func @transform_9(%arg0: i32) -> (i32, i32) {
    %c0_i32 = arith.constant 0 : i32
    %c0_i32_0 = arith.constant 0 : i32
    %c0_i32_1 = arith.constant 0 : i32
    return %c0_i32, %c0_i32_0 : i32, i32
  }
  func.func @transform_10(%arg0: i32) -> (i32, i32) {
    %c0_i32 = arith.constant 0 : i32
    %c0_i32_0 = arith.constant 0 : i32
    %c0_i32_1 = arith.constant 0 : i32
    return %c0_i32, %c0_i32_0 : i32, i32
  }
  func.func @transform_11(%arg0: i32) -> (i32, i32) {
    %c0_i32 = arith.constant 0 : i32
    %c0_i32_0 = arith.constant 0 : i32
    return %arg0, %c0_i32 : i32, i32
  }
  func.func @transform_12(%arg0: i32) -> (i32, i32) {
    %c0_i32 = arith.constant 0 : i32
    %c0_i32_0 = arith.constant 0 : i32
    return %arg0, %c0_i32 : i32, i32
  }
}

module attributes {stable_mosaic.version = 14 : i64} {
  func.func @body(%arg0: i32, %arg1: memref<2000x48xf32, #tpu.memory_space<vmem>>, %arg2: memref<1x2000x48xf32, #tpu.memory_space<vmem>>, %arg3: memref<1x2000x48xf32, #tpu.memory_space<vmem>>, %arg4: memref<1x2000x16xf32, #tpu.memory_space<vmem>>, %arg5: memref<1x2000x16xf32, #tpu.memory_space<vmem>>, %arg6: memref<2000x41xf32, #tpu.memory_space<vmem>>) attributes {dimension_semantics = [#tpu.dimension_semantics<arbitrary>], iteration_bounds = array<i64: 5>, scalar_prefetch = 0 : i64, scratch_operands = 0 : i64, tpu.core_type = #tpu.core_type<tc>, window_params = [{transform_indices = @transform_0, window_bounds = array<i64: 2000, 48>}, {transform_indices = @transform_1, window_bounds = array<i64: 1, 2000, 48>}, {transform_indices = @transform_2, window_bounds = array<i64: 1, 2000, 48>}, {transform_indices = @transform_3, window_bounds = array<i64: 1, 2000, 16>}, {transform_indices = @transform_4, window_bounds = array<i64: 1, 2000, 16>}, {transform_indices = @transform_5, window_bounds = array<i64: 2000, 41>}]} {
    %get3A = arith.constant 0 : index
    %get3A_0 = arith.constant 0 : index
    %get3A_1 = arith.constant 0 : index
    %get3A_2 = vector.load %arg4[%get3A, %get3A_0, %get3A_1] : memref<1x2000x16xf32, #tpu.memory_space<vmem>>, vector<1x2000x16xf32>
    %get3A_3 = vector.shape_cast %get3A_2 : vector<1x2000x16xf32> to vector<2000x16xf32>
    %slice3A = vector.extract_strided_slice %get3A_3 {offsets = [0, 0], sizes = [2000, 1], strides = [1, 1]} : vector<2000x16xf32> to vector<2000x1xf32>
    %get3A_4 = arith.constant 0 : index
    %get3A_5 = arith.constant 0 : index
    %get3A_6 = arith.constant 0 : index
    %get3A_7 = vector.load %arg5[%get3A_4, %get3A_5, %get3A_6] : memref<1x2000x16xf32, #tpu.memory_space<vmem>>, vector<1x2000x16xf32>
    %get3A_8 = vector.shape_cast %get3A_7 : vector<1x2000x16xf32> to vector<2000x16xf32>
    %slice3A_9 = vector.extract_strided_slice %get3A_8 {offsets = [0, 0], sizes = [2000, 1], strides = [1, 1]} : vector<2000x16xf32> to vector<2000x1xf32>
    %add3A = arith.addf %slice3A, %slice3A_9 : vector<2000x1xf32>
    %max3A = arith.constant 1.000000e+00 : f32
    %max3A_10 = vector.broadcast %max3A : f32 to vector<2000x1xf32>
    %max3A_11 = arith.maximumf %add3A, %max3A_10 : vector<2000x1xf32>
    %div3A = arith.constant 1.000000e+00 : f32
    %div3A_12 = vector.broadcast %div3A : f32 to vector<2000x1xf32>
    %div3A_13 = arith.divf %div3A_12, %max3A_11 : vector<2000x1xf32>
    %get3A_14 = arith.constant 0 : index
    %get3A_15 = arith.constant 0 : index
    %get3A_16 = vector.load %arg1[%get3A_14, %get3A_15] : memref<2000x48xf32, #tpu.memory_space<vmem>>, vector<2000x48xf32>
    %get3A_17 = arith.constant 0 : index
    %get3A_18 = arith.constant 0 : index
    %get3A_19 = arith.constant 0 : index
    %get3A_20 = vector.load %arg2[%get3A_17, %get3A_18, %get3A_19] : memref<1x2000x48xf32, #tpu.memory_space<vmem>>, vector<1x2000x48xf32>
    %get3A_21 = vector.shape_cast %get3A_20 : vector<1x2000x48xf32> to vector<2000x48xf32>
    %get3A_22 = arith.constant 0 : index
    %get3A_23 = arith.constant 0 : index
    %get3A_24 = arith.constant 0 : index
    %get3A_25 = vector.load %arg3[%get3A_22, %get3A_23, %get3A_24] : memref<1x2000x48xf32, #tpu.memory_space<vmem>>, vector<1x2000x48xf32>
    %get3A_26 = vector.shape_cast %get3A_25 : vector<1x2000x48xf32> to vector<2000x48xf32>
    %add3A_27 = arith.addf %get3A_21, %get3A_26 : vector<2000x48xf32>
    %mul3A = vector.broadcast %div3A_13 : vector<2000x1xf32> to vector<2000x48xf32>
    %mul3A_28 = arith.mulf %add3A_27, %mul3A : vector<2000x48xf32>
    %add3A_29 = arith.addf %get3A_16, %mul3A_28 : vector<2000x48xf32>
    %slice3A_30 = vector.extract_strided_slice %add3A_29 {offsets = [0, 0], sizes = [2000, 41], strides = [1, 1]} : vector<2000x48xf32> to vector<2000x41xf32>
    %swap3A = arith.constant 0 : index
    %swap3A_31 = arith.constant 0 : index
    %swap3A_32 = vector.load %arg6[%swap3A, %swap3A_31] : memref<2000x41xf32, #tpu.memory_space<vmem>>, vector<2000x41xf32>
    tpu.vector_store %arg6[%swap3A, %swap3A_31], %slice3A_30 {strides = array<i32>} : memref<2000x41xf32, #tpu.memory_space<vmem>>, vector<2000x41xf32>,
    return
  }
  func.func @transform_0(%arg0: i32) -> (i32, i32) {
    %c0_i32 = arith.constant 0 : i32
    %c0_i32_0 = arith.constant 0 : i32
    return %arg0, %c0_i32 : i32, i32
  }
  func.func @transform_1(%arg0: i32) -> (i32, i32, i32) {
    %c0_i32 = arith.constant 0 : i32
    %c0_i32_0 = arith.constant 0 : i32
    %c0_i32_1 = arith.constant 0 : i32
    return %c0_i32, %arg0, %c0_i32_0 : i32, i32, i32
  }
  func.func @transform_2(%arg0: i32) -> (i32, i32, i32) {
    %c1_i32 = arith.constant 1 : i32
    %c0_i32 = arith.constant 0 : i32
    %c0_i32_0 = arith.constant 0 : i32
    return %c1_i32, %arg0, %c0_i32 : i32, i32, i32
  }
  func.func @transform_3(%arg0: i32) -> (i32, i32, i32) {
    %c0_i32 = arith.constant 0 : i32
    %c0_i32_0 = arith.constant 0 : i32
    %c0_i32_1 = arith.constant 0 : i32
    return %c0_i32, %arg0, %c0_i32_0 : i32, i32, i32
  }
  func.func @transform_4(%arg0: i32) -> (i32, i32, i32) {
    %c1_i32 = arith.constant 1 : i32
    %c0_i32 = arith.constant 0 : i32
    %c0_i32_0 = arith.constant 0 : i32
    return %c1_i32, %arg0, %c0_i32 : i32, i32, i32
  }
  func.func @transform_5(%arg0: i32) -> (i32, i32) {
    %c0_i32 = arith.constant 0 : i32
    %c0_i32_0 = arith.constant 0 : i32
    return %arg0, %c0_i32 : i32, i32
  }
}

</mosaic_0001>

<sc_bundles>
// kernel: kernel.6.cloned.1.call-start
scs
__scs_entry_jumppad:
0x0: {  	(pc) =	sbr.rel $0x88, $3  }
0x1: {  	(tag) =	ssettag $0x0;
	lr =	simm.s32 $0x1  }
0x2: {  	[smem:$0x3F99] =	sst lr;
	_ =	strace $0xD0000000  }
0x3: {  	_ = 	snop  }
0x4: {  	_ = 	snop  }
0x5: {  	_ = 	snop  }
0x6: {  	_ = 	snop  }
0x7: {  	_ = 	snop  }
__scs_overlays_trampoline_lowered:
0x8: {  	[smem:$0x3FA8] =	sst s0  }
0x9: {  	[smem:$0x3FA9] =	sst s1  }
0xa: {  	[smem:$0x3FAA] =	sst s2  }
0xb: {  	[smem:$0x3FAB] =	sst s3  }
0xc: {  	[smem:$0x3FAC] =	sst s4  }
0xd: {  	[smem:$0x3FAD] =	sst s5  }
0xe: {  	[smem:$0x3FAE] =	sst s6  }
0xf: {  	[smem:$0x3FAF] =	sst s7  }
0x10: {  	[smem:$0x3FB0] =	sst s8  }
0x11: {  	[smem:$0x3FB1] =	sst s9;
	s0 =	simm.s32 @!p0 $0x0  }
0x12: {  	s1 =	sld [smem:$0x3F97];
	s0 =	simm.s32 @p0 $0x1  }
0x13: {  	[smem:$0x3FB2] =	sst s0;
	s0 =	simm.s32 @!p1 $0x0  }
0x14: {  	s2 =	sld [smem:$0x3F96];
	s0 =	simm.s32 @p1 $0x1  }
0x15: {  	[smem:$0x3FB3] =	sst s0;
	s0 =	simm.s32 @!p2 $0x0  }
0x16: {  	s3 =	sld [smem:$0x3FDB];
	s0 =	simm.s32 @p2 $0x1  }
0x17: {  	s4 =	simm.s32 $0x1BF5;
	[smem:$0x3FB5] =	sst s0  }
0x18: {  	s0 =	sld [smem:$0x3F98];
	_ =	swait.ge [sflag:s4], $0x0  }
0x19: {  	s7 =	sld [smem:$0x3F99]  }
0x1a: {  	s8 =	sadd.s32 $0xFFFFE003, lr  }
0x1b: {  	s9 =	sadd.s32 $0xFFFFFEF7, lr;
	s5 =	simm.s32 $0xFFFFFFFF;
	p2 =	slt.u32 s8, $0xFFFFF086  }
0x1c: {  	p1 =	slt.u32 s9, $0xF7A;
	s5 =	simm.s32 @!p2 $0x0  }
0x1d: {  	s5 =	simm.s32 @p1 $0x1;
	p0 =	seq.s32 s7, s2  }
0x1e: {  	s7 =	smul.u32 @!p0 $0xF7A, s2;
	p2 =	seq.s32 @!p0 s5, $0x0  }
0x1f: {  	s9 =	smul.u32 $0xF7A, s1;
	s8 =	simm.s32 @!p0 $0x1BF5;
	p2 =	por !p2, p0  }
0x20: {  	[sflag:s8] =	ssyncset.s32 @!p0 $0xFFFFF086;
	s6 =	sadd.s32 @!p0 s3, s7;
	s7 =	simm.s32 @!p0 $0x108  }
0x21: {  	s3 =	sadd.s32 s3, s9;
	s6 =	sadd.s32 @!p0 $0x88, s6;
	s7 =	simm.s32 @p2 $0x1082  }
0x22: {  	[simem:s7], [sflag:s8] =	dma.local @!p0 [hbm:s6], $0xF7A  }
0x23: {  	s9 =	sor.u32 $0xD0000000, s2;
	s6 =	simm.s32 $0x108;
	_ =	swait.ge @!p0 [sflag:s8], $0x0  }
0x24: {  	s3 =	sadd.s32 $0x88, s3;
	s6 =	simm.s32 @!p1 $0x1082;
	[sflag:s4] =	ssyncset.s32 $0xFFFFF086  }
0x25: {  	[simem:s6], [sflag:s4] =	dma.local [hbm:s3], $0xF7A  }
0x26: {  	[smem:$0x3F99] =	sst s1;
	(tag) =	ssettag s2;
	_ =	strace s9  }
0x27: {  	s1 =	sld [smem:$0x3FA9]  }
0x28: {  	s2 =	sld [smem:$0x3FAA]  }
0x29: {  	s4 =	sld [smem:$0x3FAC]  }
0x2a: {  	p0 =	seq.s32 s5, $0x0;
	s5 =	sld [smem:$0x3FAD]  }
0x2b: {  	s6 =	sld [smem:$0x3FAE]  }
0x2c: {  	s7 =	sld [smem:$0x3FAF]  }
0x2d: {  	s3 =	simm.s32 $0x108;
	s8 =	sld [smem:$0x3FB0]  }
0x2e: {  	s3 =	simm.s32 @!p0 $0x1082;
	s9 =	sld [smem:$0x3FB1]  }
0x2f: {  	lr =	sadd.s32 s0, s3;
	s0 =	sld [smem:$0x3FA8]  }
0x30: {  	s3 =	sld [smem:$0x3FAB]  }
0x31: {  	[smem:$0x3FB4] =	sst s10  }
0x32: {  	s10 =	sld [smem:$0x3FB2];
	_ =	sdelay $0x3  }
0x33: {  	p0 =	seq.s32 s10, $0x1;
	s10 =	sld [smem:$0x3FB4];
	_ =	sdelay $0x3  }
0x34: {  	[smem:$0x3FB4] =	sst s10  }
0x35: {  	s10 =	sld [smem:$0x3FB3];
	_ =	sdelay $0x3  }
0x36: {  	p1 =	seq.s32 s10, $0x1;
	s10 =	sld [smem:$0x3FB4];
	_ =	sdelay $0x3  }
0x37: {  	[smem:$0x3FB4] =	sst s10  }
0x38: {  	s10 =	sld [smem:$0x3FB5]  }
0x39: {  	_ = 	snop;
	(pc) =	sbr.ind lr, $3  }
0x3a: {  	_ = 	snop  }
0x3b: {  	_ = 	snop  }
0x3c: {  	p2 =	seq.s32 s10, $0x1;
	s10 =	sld [smem:$0x3FB4]  }
0x3d: {  	_ =	shalt  }
0x3e: {  	_ =	shalt  }
0x3f: {  	_ =	shalt  }
0x40: {  	_ =	shalt  }
0x41: {  	_ =	shalt  }
0x42: {  	_ =	shalt  }
0x43: {  	_ =	shalt  }
0x44: {  	_ =	shalt  }
0x45: {  	_ =	shalt  }
0x46: {  	_ =	shalt  }
0x47: {  	_ =	shalt  }
0x48: {  	_ =	shalt  }
0x49: {  	_ =	shalt  }
0x4a: {  	_ =	shalt  }
0x4b: {  	_ =	shalt  }
0x4c: {  	_ =	shalt  }
0x4d: {  	_ =	shalt  }
0x4e: {  	_ =	shalt  }
0x4f: {  	_ =	shalt  }
0x50: {  	_ =	shalt  }
0x51: {  	_ =	shalt  }
0x52: {  	_ =	shalt  }
0x53: {  	_ =	shalt  }
0x54: {  	_ =	shalt  }
0x55: {  	_ =	shalt  }
0x56: {  	_ =	shalt  }
0x57: {  	_ =	shalt  }
0x58: {  	_ =	shalt  }
0x59: {  	_ =	shalt  }
0x5a: {  	_ =	shalt  }
0x5b: {  	_ =	shalt  }
0x5c: {  	_ =	shalt  }
0x5d: {  	_ =	shalt  }
0x5e: {  	_ =	shalt  }
0x5f: {  	_ =	shalt  }
0x60: {  	_ =	shalt  }
0x61: {  	_ =	shalt  }
0x62: {  	_ =	shalt  }
0x63: {  	_ =	shalt  }
0x64: {  	_ =	shalt  }
0x65: {  	_ =	shalt  }
0x66: {  	_ =	shalt  }
0x67: {  	_ =	shalt  }
0x68: {  	_ =	shalt  }
0x69: {  	_ =	shalt  }
0x6a: {  	_ =	shalt  }
0x6b: {  	_ =	shalt  }
0x6c: {  	_ =	shalt  }
0x6d: {  	_ =	shalt  }
0x6e: {  	_ =	shalt  }
0x6f: {  	_ =	shalt  }
0x70: {  	_ =	shalt  }
0x71: {  	_ =	shalt  }
0x72: {  	_ =	shalt  }
0x73: {  	_ =	shalt  }
0x74: {  	_ =	shalt  }
0x75: {  	_ =	shalt  }
0x76: {  	_ =	shalt  }
0x77: {  	_ =	shalt  }
0x78: {  	_ =	shalt  }
0x79: {  	_ =	shalt  }
0x7a: {  	_ =	shalt  }
0x7b: {  	_ =	shalt  }
0x7c: {  	_ =	shalt  }
0x7d: {  	_ =	shalt  }
0x7e: {  	_ =	shalt  }
0x7f: {  	_ =	shalt  }
0x80: {  	_ =	shalt  }
0x81: {  	_ =	shalt  }
0x82: {  	_ =	shalt  }
0x83: {  	_ =	shalt  }
0x84: {  	_ =	shalt  }
0x85: {  	_ =	shalt  }
0x86: {  	_ =	shalt  }
0x87: {  	_ =	shalt  }
.Lfunc_end0:
.L_simem_size_0:
called_computation_lowered:
.L_overlay_start_0:
0x88: {  	s2 =	sld [smem:$0x3FD9]  }
0x89: {  	s3 =	sld [smem:$0x3FFE];
	_ =	sdelay $0x1  }
0x8a: {  	s1 =	srdreg.scid  }
0x8b: {  	s0 =	sand.u32 $0x1, s1  }
0x8c: {  	s17 =	sshll.u32 s0, $0xA;
	s2 =	sadd.s32 s3, s2  }
0x8d: {  	s2 =	sadd.s32 s2, s17  }
0x8e: {  	[smem:$0x3FC0] =	sst s2  }
0x8f: {  	_ = 	snop  }
0x90: {  	s2 =	sld [smem:$0x3FC9]  }
0x91: {  	s18 =	sld [smem:$0x3FD0];
	(tm) =	ssettm $0x1  }
0x92: {  	s4 =	sld [smem:$0x3FFB];
	_ =	sdelay $0x3  }
0x93: {  	_ =	strace s4  }
0x94: {  	s4 =	sld [smem:$0x3FFC];
	_ =	sdelay $0x3  }
0x95: {  	_ =	strace s4  }
0x96: {  	s4 =	sld [smem:$0x3FFD];
	_ =	sdelay $0x3  }
0x97: {  	_ =	strace s4  }
0x98: {  	_ =	strace $0x8FFFFFFF  }
0x99: {  	s19 =	sld [smem:$0x3FDB];
	_ =	sdelay $0x1  }
0x9a: {  	s5 =	simm.s32 $_scs_section_size  }
0x9b: {  	s6 =	simm.s32 $_size__tile_overlayer_lowered;
	s7 =	simm.s32 $_tile_overlayer_lowered  }
0x9c: {  	s22 =	simm.s32 $0x1BFF;
	s21 =	sshll.u32 s7, $0x1;
	s4 =	sadd.s32 s5, s19  }
0x9d: {  	s8 =	simm.s32 $0x0;
	s20 =	sshll.u32 s6, $0x1;
	s6 =	sadd.s32 s21, s4  }
0x9e: {  	[timem:s8], [sflag:s22] =	dma.local [hbm:s6], s20  }
0x9f: {  	_ =	swait.ge [sflag:s22], s20  }
0xa0: {  	s5 =	ssub.s32 $0x0, s20;
	[sflag:s22] =	ssyncset.done $0x0  }
0xa1: {  	[sflag:s22] =	ssyncadd.s32 s5;
	_ =	sdelay $0x1  }
0xa2: {  	s23 =	simm.s32 $0x1B8B  }
0xa3: {  	_ =	swait.ge [sflag:s23], $0x1  }
0xa4: {  	[sflag:s23] =	ssyncset.done $0x0  }
0xa5: {  	s25 =	simm.s32 $0x1B8E;
	s24 =	sld [smem:$0x3FFE];
	[sflag:s23] =	ssyncadd.s32 $0xFFFFFFFF  }
0xa6: {  	s26 =	simm.s32 $execute0_lowered;
	[smem:$0x3FD2] =	sst s25  }
0xa7: {  	s6 =	sshll.u32 s26, $0x1;
	_ =	strace $0x80000046;
	[dreg:$0x1] =	wrdreg $0xFFFFFFFF  }
0xa8: {  	s28 =	simm.s32 $_size_execute0_lowered;
	s4 =	sadd.s32 s4, s6;
	[dreg:$0x0] =	wrdreg $0x0  }
0xa9: {  	s6 =	sshll.u32 s28, $0x1;
	[dreg:$0x2] =	wrdreg s4  }
0xaa: {  	[dreg:$0x3] =	wrdreg s6  }
0xab: {  	[dreg:$0x4] =	wrdreg $0xC0  }
0xac: {  	_ =	task [dreg:s8], $0x5FFFF  }
0xad: {  	[dreg:$0x1] =	wrdreg $0xFFFFFFFF  }
0xae: {  	[dreg:$0x0] =	wrdreg $0x60  }
0xaf: {  	[dreg:$0x2] =	wrdreg s2  }
0xb0: {  	[dreg:$0x3] =	wrdreg s24  }
0xb1: {  	[dreg:$0x4] =	wrdreg s18  }
0xb2: {  	[dreg:$0x5] =	wrdreg $0x84000  }
0xb3: {  	[dreg:$0x6] =	wrdreg $0x1CC800  }
0xb4: {  	[dreg:$0x7] =	wrdreg $0x9  }
0xb5: {  	_ =	task.clear_ibuf [dreg:s8], $0x8FFFF;
	_ =	strace $0x90000046  }
0xb6: {  	s29 =	simm.s32 $0x9;
	_ =	strace $0x8000004B  }
0xb7: {  	_ =	swait.ge [sflag:s29], $0x1  }
0xb8: {  	[sflag:s29] =	ssyncadd.s32 $0xFFFFFFFF  }
0xb9: {  	_ =	strace $0x9000004B  }
0xba: {  	_ =	sfence  }
0xbb: {  	s30 =	sld [smem:$0x0];
	_ =	sdelay $0x2  }
0xbc: {  	s31 =	sshll.u32 s1, $0xD;
	s1 =	sshrl.u32 s1, $0x2  }
0xbd: {  	s3 =	sand.u32 $0x4000, s31;
	s1 =	sadd.s32 s1, s30  }
0xbe: {  	s0 =	sor.u32 s3, s0;
	s1 =	sshll.u32 s1, $0x11  }
0xbf: {  	s0 =	sor.u32 s1, s0  }
0xc0: {  	s0 =	sadd.s32 $0x8F2B, s0  }
0xc1: {  	[sflag:s0] =	ssyncadd.remote.s32 $0x1  }
0xc2: {  	_ =	sfence.sel $0xFFFF  }
0xc3: {  	[dreg:$0x0] =	wrdreg $0xFFFFFFFF;
	(pc) =	sbr.abs _section_cstart, $3  }
0xc4: {  	[dreg:$0x1] =	wrdreg $0xFFFFFFFF  }
0xc5: {  	_ =	task.clear_ibuf [dreg:s8], $0x2FFFF;
	_ =	strace $0x9FFFFFFF  }
0xc6: {  	(tm) =	ssettm $0x7FFFFFFF  }
0xc7: {  	_ =	shalt  }
tec
execute0_lowered:
.L_overlay_start_1:
0x0: {  	(tag) =	ssettag $0x1  }
0x1: {  	s0 =	rddreg [dreg:$0x0];
	s18 =	stileid.u32  }
0x2: {  	s1 =	rddreg [dreg:$0x1];
	s7 =	smul.u32 $0x13880, s18  }
0x3: {  	s2 =	rddreg [dreg:$0x2];
	s11 =	smul.u32 $0x271, s18  }
0x4: {  	s5 =	srdreg.scid;
	s14 =	smul.u32 $0x2710, s18  }
0x5: {  	s3 =	rddreg [dreg:$0x3];
	s9 =	sand.u32 $0x1, s5;
	s30 =	smul.u32 $0x4E0, s18  }
0x6: {  	s4 =	rddreg [dreg:$0x4];
	s31 =	simm.s32 $0x400;
	s8 =	smul.u32 $0x138800, s9  }
0x7: {  	s5 =	simm.s32 $0x0;
	s6 =	sadd.s32 $0x2200, s1;
	s24 =	smul.u32 $0x27100, s9  }
0x8: {  	[smem:$0x7FF] =	sst s5;
	s10 =	ssub.s32 $0x2, s9;
	s26 =	smul.u32 $0x4E00, s9  }
0x9: {  	s13 =	sshll.u32 s9, $0x4;
	s9 =	smul.u32 $0x4E0, s9;
	_ =	strace $0x80000047  }
0xa: {  	s12 =	sshrl.u32 s10, $0x1;
	s19 =	sadd.s32 $0x80, s11;
	s17 =	sadd.s32 $0x100, s11  }
0xb: {  	s22 =	sadd.s32 $0x180, s11;
	s11 =	sadd.s32 $0x200, s11;
	s8 =	sadd.s32 s7, s8  }
0xc: {  	s10 =	ssub.s32 s10, s12;
	s12 =	sor.u32 s18, s13;
	s7 =	sadd.s32 s7, s3  }
0xd: {  	s16 =	sshll.u32 s19, $0x7;
	s13 =	sshll.u32 s19, $0x4;
	s20 =	sshll.u32 s17, $0x7  }
0xe: {  	s21 =	sshll.u32 s17, $0x4;
	s23 =	sshll.u32 s22, $0x7;
	s25 =	sshll.u32 s22, $0x4  }
0xf: {  	s29 =	sadd.s32 s14, s24;
	s17 =	sadd.s32 s26, s6;
	s19 =	smul.u32 $0x4E, s18  }
0x10: {  	s18 =	sadd.s32 $0xBE40, s1;
	s8 =	sshrl.u32 s8, $0x3;
	s16 =	sadd.s32 s16, s3  }
0x11: {  	s13 =	sadd.s32 s13, s4;
	s22 =	smul.u32 $0x2700, s12;
	p0 =	slt.u32 s12, $0x4  }
0x12: {  	p1 =	sgt.u32 s12, $0x3;
	s28 =	smax.u32 s10, $0x1;
	s10 =	simm.s32 $0x4400  }
0x13: {  	s15 =	sadd.s32 s8, s1;
	s8 =	sadd.s32 s14, s4;
	[dreg:$0x6] =	wrdreg s16  }
0x14: {  	[dreg:$0x7] =	wrdreg s13;
	s13 =	sadd.s32 s20, s3;
	s20 =	sshll.u32 s11, $0x7  }
0x15: {  	s11 =	sshll.u32 s11, $0x4;
	[dreg:$0x8] =	wrdreg s13;
	s13 =	sadd.s32 s21, s4  }
0x16: {  	s9 =	sadd.s32 s19, s9;
	s16 =	sadd.s32 s20, s3;
	[dreg:$0x9] =	wrdreg s13  }
0x17: {  	s14 =	simm.s32 $0x3;
	s11 =	sadd.s32 s11, s4;
	[dreg:$0xd] =	wrdreg s16  }
0x18: {  	s21 =	smul.u32 $0x4E0, s12;
	s13 =	sadd.s32 s23, s3;
	[dreg:$0xe] =	wrdreg s11  }
0x19: {  	s23 =	sshrl.u32 s22, $0x3;
	[dreg:$0xa] =	wrdreg s13;
	s13 =	sadd.s32 s25, s4  }
0x1a: {  	s24 =	sadd.s32 s6, s21;
	s25 =	sor.u32 $0x10, s21;
	[dreg:$0xb] =	wrdreg s13  }
0x1b: {  	s26 =	sadd.s32 s21, s18;
	s1 =	sadd.s32 s6, s23;
	[dreg:$0xf] =	wrdreg s24  }
0x1c: {  	s13 =	sshrl.u32 s29, $0x3;
	[dreg:$0x10] =	wrdreg s26;
	s29 =	sadd.s32 s6, s25  }
0x1d: {  	s11 =	sadd.s32 s25, s18;
	s25 =	sor.u32 $0x9C0, s12;
	s26 =	sadd.s32 $0x15C00, s15  }
0x1e: {  	s12 =	simm.s32 $0x1BC80;
	s15 =	simm.s32 $0x0;
	[dreg:$0x11] =	wrdreg s29  }
0x1f: {  	s2 =	sadd.s32 s2, s13;
	[dreg:$0x12] =	wrdreg s11;
	s11 =	simm.s32 $0x1  }
0x20: {  	[dreg:$0xc] =	wrdreg s2;
	s2 =	sadd.s32 s30, s17;
	s30 =	sadd.s32 $0x20, s1  }
0x21: {  	s13 =	simm.s32 $0x2;
	s1 =	sadd.s32 $0x9C60, s1;
	[dreg:$0x13] =	wrdreg s30  }
0x22: {  	s17 =	sadd.s32 $0x4, s9;
	s9 =	simm.s32 $0x80;
	[dreg:$0x14] =	wrdreg s1  }
0x23: {  	v0 =	vimm.f32 $0.0e+00;
	v1 =	vimm.f32 $1.000000000e+00;
	s19 =	sadd.s32 $0x9C70, s2;
	s2 =	simm.s32 $0x4;
	s1 =	simm.s32 $0x1C480  }
.LBB2_1:
0x24: {  	_ =	strace $0x80000048;
	s16 =	simm.s32 $0x0;
	s20 =	simm.s32 $0x0  }
.LBB2_2:
0x25: {  	p2 =	sne.s32 s20, $0xFFC0  }
.Ltmp0:
0x26: {  	_ = 	snop;
	(pc) =	sbr.rel @p2 .LBB2_2-.Ltmp0, $4  }
0x27: {  	s21 =	sand.u32 $0xFE00, s20  }
0x28: {  	s29 =	sand.u32 $0x70, s16;
	s21 =	sshrl.u32 s21, $0x2  }
0x29: {  	s21 =	sor.u32 s29, s21  }
0x2a: {  	s16 =	sadd.s32 $0x10, s16;
	s20 =	sadd.s32 $0x40, s20;
	[tilespmem:s21+$0x400] =	vst v0  }
0x2b: {  	s16 =	simm.s32 $0x40;
	s20 =	simm.s32 $0x0  }
.LBB2_4:
0x2c: {  	p2 =	sne.s32 s16, $0x1FC0;
	[tilespmem:s20+$0x1BC80] =	vst v1;
	s21 =	smov.u32 s16;
	s16 =	sadd.s32 $0x40, s16  }
.Ltmp1:
0x2d: {  	[tilespmem:s20+$0x1C480] =	vst v0;
	(pc) =	sbr.rel @p2 .LBB2_4-.Ltmp1, $2  }
0x2e: {  	_ =	sdelay $0x2  }
0x2f: {  	s20 =	sshra.s32 s21, $0x2  }
0x30: {  	[tilespmem:s20+$0x1BC80] =	vst v1  }
0x31: {  	[tilespmem:s20+$0x1C480] =	vst v0  }
0x32: {  	[spmem:s7] =	stream.linear.scatter [tilespmem:s31], [sflag:$0x4], $0x4000, $0x200038;
	[tilespmem:$0x1F390] =	vst v63  }
0x33: {  	_ =	swait.ge [sflag:s2], $0x4000  }
0x34: {  	[sflag:s2] =	ssyncset.done $0x0  }
0x35: {  	[sflag:s2] =	ssyncadd.s32 $0xFFFFC000  }
0x36: {  	[spmem:s8] =	stream.linear.scatter [tilespmem:s1], [sflag:$0x4], $0x800, $0x200038;
	[tilespmem:$0x1F390] =	vst v63  }
0x37: {  	_ =	swait.ge [sflag:s2], $0x800  }
0x38: {  	[sflag:s2] =	ssyncset.done $0x0  }
0x39: {  	s16 =	rddreg [dreg:$0x6];
	[sflag:s2] =	ssyncadd.s32 $0xFFFFF800  }
0x3a: {  	[spmem:s16] =	stream.linear.scatter [tilespmem:s31], [sflag:$0x4], $0x4000, $0x200038;
	[tilespmem:$0x1F390] =	vst v63  }
0x3b: {  	_ =	swait.ge [sflag:s2], $0x4000  }
0x3c: {  	[sflag:s2] =	ssyncset.done $0x0  }
0x3d: {  	s21 =	rddreg [dreg:$0x7];
	[sflag:s2] =	ssyncadd.s32 $0xFFFFC000  }
0x3e: {  	[spmem:s21] =	stream.linear.scatter [tilespmem:s1], [sflag:$0x4], $0x800, $0x200038;
	[tilespmem:$0x1F390] =	vst v63  }
0x3f: {  	_ =	swait.ge [sflag:s2], $0x800  }
0x40: {  	[sflag:s2] =	ssyncset.done $0x0  }
0x41: {  	s22 =	rddreg [dreg:$0x8];
	[sflag:s2] =	ssyncadd.s32 $0xFFFFF800  }
0x42: {  	[spmem:s22] =	stream.linear.scatter [tilespmem:s31], [sflag:$0x4], $0x4000, $0x200038;
	[tilespmem:$0x1F390] =	vst v63  }
0x43: {  	_ =	swait.ge [sflag:s2], $0x4000  }
0x44: {  	[sflag:s2] =	ssyncset.done $0x0  }
0x45: {  	s23 =	rddreg [dreg:$0x9];
	[sflag:s2] =	ssyncadd.s32 $0xFFFFC000  }
0x46: {  	[spmem:s23] =	stream.linear.scatter [tilespmem:s1], [sflag:$0x4], $0x800, $0x200038;
	[tilespmem:$0x1F390] =	vst v63  }
0x47: {  	_ =	swait.ge [sflag:s2], $0x800  }
0x48: {  	[sflag:s2] =	ssyncset.done $0x0  }
0x49: {  	s24 =	rddreg [dreg:$0xa];
	[sflag:s2] =	ssyncadd.s32 $0xFFFFF800  }
0x4a: {  	[spmem:s24] =	stream.linear.scatter [tilespmem:s31], [sflag:$0x4], $0x4000, $0x200038;
	[tilespmem:$0x1F390] =	vst v63  }
0x4b: {  	_ =	swait.ge [sflag:s2], $0x4000  }
0x4c: {  	[sflag:s2] =	ssyncset.done $0x0  }
0x4d: {  	s20 =	rddreg [dreg:$0xb];
	[sflag:s2] =	ssyncadd.s32 $0xFFFFC000  }
0x4e: {  	[spmem:s20] =	stream.linear.scatter [tilespmem:s1], [sflag:$0x4], $0x800, $0x200038;
	[tilespmem:$0x1F390] =	vst v63  }
0x4f: {  	_ =	swait.ge [sflag:s2], $0x800  }
0x50: {  	[sflag:s2] =	ssyncset.done $0x0  }
0x51: {  	s21 =	rddreg [dreg:$0xd];
	[sflag:s2] =	ssyncadd.s32 $0xFFFFF800  }
0x52: {  	[spmem:s21] =	stream.linear.scatter [tilespmem:s31], [sflag:$0x4], $0x3880, $0x200038;
	[tilespmem:$0x1F390] =	vst v63  }
0x53: {  	_ =	swait.ge [sflag:s2], $0x3880  }
0x54: {  	[sflag:s2] =	ssyncset.done $0x0  }
0x55: {  	s22 =	rddreg [dreg:$0xe];
	[sflag:s2] =	ssyncadd.s32 $0xFFFFC780  }
0x56: {  	[spmem:s22] =	stream.linear.scatter [tilespmem:s1], [sflag:$0x4], $0x710, $0x200038;
	[tilespmem:$0x1F390] =	vst v63  }
0x57: {  	_ =	swait.ge [sflag:s2], $0x710  }
0x58: {  	[sflag:s2] =	ssyncset.done $0x0  }
0x59: {  	s16 =	simm.s32 $0x0;
	s23 =	rddreg [dreg:$0xf];
	[sflag:s2] =	ssyncadd.s32 $0xFFFFF8F0  }
0x5a: {  	[tilespmem:s16], [sflag:$0x4] =	stream.linear.gather [hbm4b:s23+s16], $0x80, $0x200038;
	[tilespmem:$0x1F390] =	vst v63  }
0x5b: {  	_ =	swait.ge [sflag:s2], $0x80  }
0x5c: {  	[sflag:s2] =	ssyncset.done $0x0  }
0x5d: {  	s21 =	simm.s32 $0x200;
	s24 =	rddreg [dreg:$0x10];
	[sflag:s2] =	ssyncadd.s32 $0xFFFFFF80  }
0x5e: {  	[tilespmem:s21], [sflag:$0x4] =	stream.linear.gather [hbm4b:s24+s16], $0x80, $0x200038;
	[tilespmem:$0x1F390] =	vst v63  }
0x5f: {  	_ =	swait.ge [sflag:s2], $0x80  }
0x60: {  	[sflag:s2] =	ssyncset.done $0x0  }
0x61: {  	s22 =	rddreg [dreg:$0x11];
	[sflag:s2] =	ssyncadd.s32 $0xFFFFFF80  }
0x62: {  	[tilespmem:s9], [sflag:$0x4] =	stream.linear.gather [hbm4b:s22+s16], $0x80, $0x200038;
	[tilespmem:$0x1F390] =	vst v63  }
0x63: {  	_ =	swait.ge [sflag:s2], $0x80  }
0x64: {  	[sflag:s2] =	ssyncset.done $0x0  }
0x65: {  	s24 =	simm.s32 $0x280;
	s23 =	rddreg [dreg:$0x12];
	[sflag:s2] =	ssyncadd.s32 $0xFFFFFF80  }
0x66: {  	[tilespmem:s24], [sflag:$0x4] =	stream.linear.gather [hbm4b:s23+s16], $0x80, $0x200038;
	[tilespmem:$0x1F390] =	vst v63  }
0x67: {  	_ =	swait.ge [sflag:s2], $0x80  }
0x68: {  	[sflag:s2] =	ssyncset.done $0x0  }
0x69: {  	s22 =	simm.s32 $0x100;
	s21 =	rddreg [dreg:$0x13];
	[sflag:s2] =	ssyncadd.s32 $0xFFFFFF80  }
0x6a: {  	[tilespmem:s22], [sflag:$0x4] =	stream.linear.gather [hbm4b:s21+s16], $0x80, $0x200038;
	[tilespmem:$0x1F390] =	vst v63  }
0x6b: {  	_ =	swait.ge [sflag:s2], $0x80  }
0x6c: {  	[sflag:s2] =	ssyncset.done $0x0  }
0x6d: {  	s24 =	simm.s32 $0x300;
	s23 =	rddreg [dreg:$0x14];
	[sflag:s2] =	ssyncadd.s32 $0xFFFFFF80  }
0x6e: {  	[tilespmem:s24], [sflag:$0x4] =	stream.linear.gather [hbm4b:s23+s16], $0x80, $0x200038;
	[tilespmem:$0x1F390] =	vst v63  }
0x6f: {  	_ =	swait.ge [sflag:s2], $0x80  }
0x70: {  	[sflag:s2] =	ssyncset.done $0x0  }
0x71: {  	[sflag:s2] =	ssyncadd.s32 $0xFFFFFF80  }
0x72: {  	[bflag:$0x0] =	sbarrier.arrive $0xFFFF  }
0x73: {  	_ =	strace $0x90000048  }
0x74: {  	s30 =	smov.u32 s17;
	s29 =	smov.u32 s19;
	_ =	strace $0x80000049  }
0x75: {  	[tilespmem:s31], [sflag:$0x1] =	stream.indirect.gather [hbm4b:s0+s9], $0x80, s16, s9, $0x2000b8;
	[tilespmem:$0x1F390] =	vst v63  }
.LBB2_6:
0x76: {  	p2 =	seq.s32 s16, $0x0  }
0x77: {  	s20 =	simm.s32 @!p2 $0x3  }
0x78: {  	_ =	swait.ge @!p2 [sflag:s20], $0x80  }
0x79: {  	[sflag:s20] =	ssyncset.done @!p2 $0x0  }
0x7a: {  	[sflag:s20] =	ssyncadd.s32 @!p2 $0xFFFFFF80  }
0x7b: {  	_ =	swait.ge @!p2 [sflag:s20], $0x80  }
0x7c: {  	[sflag:s20] =	ssyncset.done @!p2 $0x0  }
0x7d: {  	[sflag:s20] =	ssyncadd.s32 @!p2 $0xFFFFFF80  }
0x7e: {  	_ =	swait.ge @!p2 [sflag:s20], $0x80  }
0x7f: {  	[sflag:s20] =	ssyncset.done @!p2 $0x0  }
0x80: {  	[sflag:s20] =	ssyncadd.s32 @!p2 $0xFFFFFF80  }
0x81: {  	_ =	swait.ge @!p2 [sflag:s20], $0x80  }
0x82: {  	s21 =	sand.u32 $0x100, s16;
	[sflag:s20] =	ssyncset.done @!p2 $0x0  }
0x83: {  	[sflag:s20] =	ssyncadd.s32 @!p2 $0xFFFFFF80;
	s20 =	sor.u32 $0x80, s21  }
0x84: {  	[tilespmem:s10], [sflag:$0x2] =	stream.indirect.gather [hbm4b:s0+s9], $0x80, s20, s9, $0x2000b8;
	[tilespmem:$0x1F390] =	vst v63  }
0x85: {  	_ =	swait.ge [sflag:s11], $0x4000  }
0x86: {  	[sflag:s11] =	ssyncset.done $0x0  }
0x87: {  	s22 =	sor.u32 $0x200, s21;
	[sflag:s11] =	ssyncadd.s32 $0xFFFFC000  }
0x88: {  	[spmem:s3] =	stream.indirect.scatter.add.f32 [tilespmem:s31], [sflag:$0x4], $0x80, s22, s9, $0x2000b8;
	[tilespmem:$0x1F390] =	vst v63  }
0x89: {  	_ =	swait.ge [sflag:s2], $0x4000  }
0x8a: {  	[sflag:s2] =	ssyncset.done $0x0  }
0x8b: {  	[sflag:s2] =	ssyncadd.s32 $0xFFFFC000  }
0x8c: {  	[spmem:s4] =	stream.indirect.scatter.add.f32 [tilespmem:s12], [sflag:$0x4], $0x10, s22, s9, $0x2000b8;
	[tilespmem:$0x1F390] =	vst v63  }
0x8d: {  	_ =	swait.ge [sflag:s2], $0x800  }
0x8e: {  	s23 =	sadd.s32 $0x180, s16;
	[sflag:s2] =	ssyncset.done $0x0  }
0x8f: {  	s24 =	sadd.s32 $0xFFFF63C0, s29;
	s23 =	sand.u32 $0x180, s23;
	[sflag:s2] =	ssyncadd.s32 $0xFFFFF800  }
0x90: {  	[tilespmem:s23], [sflag:$0x3] =	stream.linear.gather [hbm4b:s24+s5], $0x80, $0x200038;
	[tilespmem:$0x1F390] =	vst v63  }
0x91: {  	s23 =	sor.u32 $0x200, s23  }
0x92: {  	[tilespmem:s23], [sflag:$0x3] =	stream.linear.gather [hbm4b:s29+s5], $0x80, $0x200038;
	[tilespmem:$0x1F390] =	vst v63  }
0x93: {  	p2 =	seq.s32 s16, $0x2500;
	s23 =	smov.u32 s30  }
0x94: {  	s23 =	smov.u32 @p2 s25  }
0x95: {  	s23 =	sshll.u32 s23, $0x4  }
0x96: {  	p2 =	seq.s32 @!p0 s16, $0x2600;
	s24 =	sadd.s32 s6, s23  }
0x97: {  	[tilespmem:s21], [sflag:$0x3] =	stream.linear.gather [hbm4b:s24+s5], $0x80, $0x200038;
	[tilespmem:$0x1F390] =	vst v63  }
0x98: {  	p2 =	por p0, !p2;
	s23 =	sadd.s32 s23, s18  }
0x99: {  	[tilespmem:s22], [sflag:$0x3] =	stream.linear.gather [hbm4b:s23+s5], $0x80, $0x200038;
	[tilespmem:$0x1F390] =	vst v63  }
0x9a: {  	s21 =	sxor.u32 @p2 $0x100, s21  }
0x9b: {  	[tilespmem:s31], [sflag:$0x1] =	stream.indirect.gather @p2 [hbm4b:s0+s9], $0x80, s21, s9, $0x2000b8;
	[tilespmem:$0x1F390] =	vst v63  }
0x9c: {  	_ =	swait.ge [sflag:s13], $0x4000  }
0x9d: {  	[sflag:s13] =	ssyncset.done $0x0  }
0x9e: {  	s20 =	sor.u32 $0x200, s20;
	[sflag:s13] =	ssyncadd.s32 $0xFFFFC000  }
0x9f: {  	[spmem:s3] =	stream.indirect.scatter.add.f32 [tilespmem:s10], [sflag:$0x4], $0x80, s20, s9, $0x2000b8;
	[tilespmem:$0x1F390] =	vst v63  }
0xa0: {  	s16 =	sadd.s32 $0x100, s16;
	_ =	swait.ge [sflag:s2], $0x4000  }
0xa1: {  	p2 =	sne.s32 s16, $0x2700;
	[sflag:s2] =	ssyncset.done $0x0  }
.Ltmp2:
0xa2: {  	[sflag:s2] =	ssyncadd.s32 $0xFFFFC000;
	(pc) =	sbr.rel @p2 .LBB2_6-.Ltmp2, $4  }
0xa3: {  	[spmem:s4] =	stream.indirect.scatter.add.f32 [tilespmem:s12], [sflag:$0x4], $0x10, s20, s9, $0x2000b8;
	[tilespmem:$0x1F390] =	vst v63  }
0xa4: {  	_ =	swait.ge [sflag:s2], $0x800  }
0xa5: {  	[sflag:s2] =	ssyncset.done $0x0  }
0xa6: {  	s29 =	sadd.s32 $0x20, s29;
	s30 =	sadd.s32 $0x2, s30;
	[sflag:s2] =	ssyncadd.s32 $0xFFFFF800  }
0xa7: {  	_ =	swait.ge [sflag:s14], $0x80  }
0xa8: {  	[sflag:s14] =	ssyncset.done $0x0  }
0xa9: {  	[sflag:s14] =	ssyncadd.s32 $0xFFFFFF80  }
0xaa: {  	_ =	swait.ge [sflag:s14], $0x80  }
0xab: {  	[sflag:s14] =	ssyncset.done $0x0  }
0xac: {  	[sflag:s14] =	ssyncadd.s32 $0xFFFFFF80  }
0xad: {  	_ =	swait.ge [sflag:s14], $0x80  }
0xae: {  	[sflag:s14] =	ssyncset.done $0x0  }
0xaf: {  	[sflag:s14] =	ssyncadd.s32 $0xFFFFFF80  }
0xb0: {  	_ =	swait.ge [sflag:s14], $0x80  }
0xb1: {  	[sflag:s14] =	ssyncset.done $0x0  }
0xb2: {  	s16 =	simm.s32 @!p1 $0x1;
	[sflag:s14] =	ssyncadd.s32 $0xFFFFFF80  }
0xb3: {  	_ =	swait.ge @!p1 [sflag:s16], $0x4000  }
0xb4: {  	s20 =	simm.s32 @!p1 $0x300;
	[sflag:s16] =	ssyncset.done @!p1 $0x0  }
0xb5: {  	s21 =	simm.s32 @!p1 $0x400;
	[sflag:s16] =	ssyncadd.s32 @!p1 $0xFFFFC000;
	s16 =	simm.s32 @!p1 $0x80  }
0xb6: {  	[spmem:s3] =	stream.indirect.scatter.add.f32 @!p1 [tilespmem:s21], [sflag:$0x4], $0x80, s20, s16, $0x2000b8;
	[tilespmem:$0x1F390] =	vst v63  }
0xb7: {  	s21 =	simm.s32 @!p1 $0x4  }
0xb8: {  	_ =	swait.ge @!p1 [sflag:s21], $0x4000  }
0xb9: {  	[sflag:s21] =	ssyncset.done @!p1 $0x0  }
0xba: {  	s22 =	simm.s32 @!p1 $0x1BC80;
	[sflag:s21] =	ssyncadd.s32 @!p1 $0xFFFFC000  }
0xbb: {  	[spmem:s4] =	stream.indirect.scatter.add.f32 @!p1 [tilespmem:s22], [sflag:$0x4], $0x10, s20, s16, $0x2000b8;
	[tilespmem:$0x1F390] =	vst v63  }
0xbc: {  	_ =	swait.ge @!p1 [sflag:s21], $0x800  }
0xbd: {  	[sflag:s21] =	ssyncset.done @!p1 $0x0  }
0xbe: {  	[sflag:s21] =	ssyncadd.s32 @!p1 $0xFFFFF800  }
0xbf: {  	s23 =	stileid.u32;
	[bflag:$0x0] =	sbarrier.arrive $0xFFFF  }
0xc0: {  	s16 =	sshll.u32 s23, $0x6;
	_ =	strace $0x90000049  }
0xc1: {  	s24 =	sshrl.u32 s7, $0x3;
	s16 =	sor.u32 $0x1C04, s16;
	_ =	strace $0x8000004A  }
0xc2: {  	[hbm:s26], [sflag:s16] =	dma.local [spmem:s24], $0x2710  }
0xc3: {  	_ =	swait.ge [sflag:s2], $0x2710  }
0xc4: {  	s29 =	sshrl.u32 s8, $0x3;
	s15 =	sadd.s32 $0x1, s15;
	[sflag:s2] =	ssyncset.done $0x0  }
0xc5: {  	p2 =	sne.s32 s15, s28;
	s30 =	rddreg [dreg:$0xc];
	[sflag:s2] =	ssyncadd.s32 $0xFFFFD8F0  }
0xc6: {  	[hbm:s30], [sflag:s16] =	dma.local [spmem:s29], $0x4E2  }
.Ltmp3:
0xc7: {  	_ = 	snop;
	(pc) =	sbr.rel @p2 .LBB2_1-.Ltmp3, $4  }
0xc8: {  	_ =	swait.ge [sflag:s2], $0x4E2  }
0xc9: {  	[sflag:s2] =	ssyncset.done $0x0  }
0xca: {  	[sflag:s2] =	ssyncadd.s32 $0xFFFFFB1E  }
0xcb: {  	_ =	strace $0x9000004A  }
0xcc: {  	_ =	sfence.sel $0x180000  }
0xcd: {  	[bflag:$0x0] =	sbarrier.arrive $0xFFFF  }
0xce: {  	_ =	strace $0x90000047  }
0xcf: {  	s0 =	stileid.u32;
	[bflag:$0x2] =	sbarrier.arrive $0xFFFF  }
0xd0: {  	p0 =	sne.s32 s0, $0x0;
	s0 =	rddreg [dreg:$0x5]  }
0xd1: {  	s0 =	sadd.s32 @!p0 $0x100000, s0  }
0xd2: {  	[sflag:s0] =	ssyncadd.tile.s32 @!p0 $0x1;
	_ =	shalt  }
.Lfunc_end2:
_tile_overlayer_lowered:
.L_overlay_start_2:
0xd3: {  	(tag) =	ssettag $0x2  }
0xd4: {  	s0 =	rddreg [dreg:$0x0];
	s2 =	stileid.u32  }
0xd5: {  	s1 =	rddreg [dreg:$0x1];
	p0 =	sne.s32 s2, $0x0  }
0xd6: {  	s3 =	rddreg [dreg:$0x2];
	[bflag:$0x3] =	sbarrier.arrive $0xFFFF;
	s2 =	simm.s32 @!p0 $0x1C04  }
0xd7: {  	[timem:s3], [sflag:s2] =	dma.local @!p0 [hbm:s0], s1  }
0xd8: {  	s0 =	simm.s32 @!p0 $0x4  }
0xd9: {  	_ =	swait.ge @!p0 [sflag:s0], s1  }
0xda: {  	s1 =	ssub.s32 @!p0 $0x0, s1;
	[sflag:s0] =	ssyncset.done @!p0 $0x0  }
0xdb: {  	[sflag:s0] =	ssyncadd.s32 @!p0 s1  }
0xdc: {  	[bflag:$0x3] =	sbarrier.arrive $0xFFFF  }
0xdd: {  	_ =	shalt  }

// kernel: kernel.9.cloned.1.call-start
scs
__scs_entry_jumppad:
0x0: {  	(pc) =	sbr.rel $0x88, $3  }
0x1: {  	(tag) =	ssettag $0x0;
	lr =	simm.s32 $0x1  }
0x2: {  	[smem:$0x3F99] =	sst lr;
	_ =	strace $0xD0000000  }
0x3: {  	_ = 	snop  }
0x4: {  	_ = 	snop  }
0x5: {  	_ = 	snop  }
0x6: {  	_ = 	snop  }
0x7: {  	_ = 	snop  }
__scs_overlays_trampoline_lowered:
0x8: {  	[smem:$0x3FA8] =	sst s0  }
0x9: {  	[smem:$0x3FA9] =	sst s1  }
0xa: {  	[smem:$0x3FAA] =	sst s2  }
0xb: {  	[smem:$0x3FAB] =	sst s3  }
0xc: {  	[smem:$0x3FAC] =	sst s4  }
0xd: {  	[smem:$0x3FAD] =	sst s5  }
0xe: {  	[smem:$0x3FAE] =	sst s6  }
0xf: {  	[smem:$0x3FAF] =	sst s7  }
0x10: {  	[smem:$0x3FB0] =	sst s8  }
0x11: {  	[smem:$0x3FB1] =	sst s9;
	s0 =	simm.s32 @!p0 $0x0  }
0x12: {  	s1 =	sld [smem:$0x3F97];
	s0 =	simm.s32 @p0 $0x1  }
0x13: {  	[smem:$0x3FB2] =	sst s0;
	s0 =	simm.s32 @!p1 $0x0  }
0x14: {  	s2 =	sld [smem:$0x3F96];
	s0 =	simm.s32 @p1 $0x1  }
0x15: {  	[smem:$0x3FB3] =	sst s0;
	s0 =	simm.s32 @!p2 $0x0  }
0x16: {  	s3 =	sld [smem:$0x3FDB];
	s0 =	simm.s32 @p2 $0x1  }
0x17: {  	s4 =	simm.s32 $0x1BF5;
	[smem:$0x3FB5] =	sst s0  }
0x18: {  	s0 =	sld [smem:$0x3F98];
	_ =	swait.ge [sflag:s4], $0x0  }
0x19: {  	s7 =	sld [smem:$0x3F99]  }
0x1a: {  	s8 =	sadd.s32 $0xFFFFE003, lr  }
0x1b: {  	s9 =	sadd.s32 $0xFFFFFEF7, lr;
	s5 =	simm.s32 $0xFFFFFFFF;
	p2 =	slt.u32 s8, $0xFFFFF086  }
0x1c: {  	p1 =	slt.u32 s9, $0xF7A;
	s5 =	simm.s32 @!p2 $0x0  }
0x1d: {  	s5 =	simm.s32 @p1 $0x1;
	p0 =	seq.s32 s7, s2  }
0x1e: {  	s7 =	smul.u32 @!p0 $0xF7A, s2;
	p2 =	seq.s32 @!p0 s5, $0x0  }
0x1f: {  	s9 =	smul.u32 $0xF7A, s1;
	s8 =	simm.s32 @!p0 $0x1BF5;
	p2 =	por !p2, p0  }
0x20: {  	[sflag:s8] =	ssyncset.s32 @!p0 $0xFFFFF086;
	s6 =	sadd.s32 @!p0 s3, s7;
	s7 =	simm.s32 @!p0 $0x108  }
0x21: {  	s3 =	sadd.s32 s3, s9;
	s6 =	sadd.s32 @!p0 $0x88, s6;
	s7 =	simm.s32 @p2 $0x1082  }
0x22: {  	[simem:s7], [sflag:s8] =	dma.local @!p0 [hbm:s6], $0xF7A  }
0x23: {  	s9 =	sor.u32 $0xD0000000, s2;
	s6 =	simm.s32 $0x108;
	_ =	swait.ge @!p0 [sflag:s8], $0x0  }
0x24: {  	s3 =	sadd.s32 $0x88, s3;
	s6 =	simm.s32 @!p1 $0x1082;
	[sflag:s4] =	ssyncset.s32 $0xFFFFF086  }
0x25: {  	[simem:s6], [sflag:s4] =	dma.local [hbm:s3], $0xF7A  }
0x26: {  	[smem:$0x3F99] =	sst s1;
	(tag) =	ssettag s2;
	_ =	strace s9  }
0x27: {  	s1 =	sld [smem:$0x3FA9]  }
0x28: {  	s2 =	sld [smem:$0x3FAA]  }
0x29: {  	s4 =	sld [smem:$0x3FAC]  }
0x2a: {  	p0 =	seq.s32 s5, $0x0;
	s5 =	sld [smem:$0x3FAD]  }
0x2b: {  	s6 =	sld [smem:$0x3FAE]  }
0x2c: {  	s7 =	sld [smem:$0x3FAF]  }
0x2d: {  	s3 =	simm.s32 $0x108;
	s8 =	sld [smem:$0x3FB0]  }
0x2e: {  	s3 =	simm.s32 @!p0 $0x1082;
	s9 =	sld [smem:$0x3FB1]  }
0x2f: {  	lr =	sadd.s32 s0, s3;
	s0 =	sld [smem:$0x3FA8]  }
0x30: {  	s3 =	sld [smem:$0x3FAB]  }
0x31: {  	[smem:$0x3FB4] =	sst s10  }
0x32: {  	s10 =	sld [smem:$0x3FB2];
	_ =	sdelay $0x3  }
0x33: {  	p0 =	seq.s32 s10, $0x1;
	s10 =	sld [smem:$0x3FB4];
	_ =	sdelay $0x3  }
0x34: {  	[smem:$0x3FB4] =	sst s10  }
0x35: {  	s10 =	sld [smem:$0x3FB3];
	_ =	sdelay $0x3  }
0x36: {  	p1 =	seq.s32 s10, $0x1;
	s10 =	sld [smem:$0x3FB4];
	_ =	sdelay $0x3  }
0x37: {  	[smem:$0x3FB4] =	sst s10  }
0x38: {  	s10 =	sld [smem:$0x3FB5]  }
0x39: {  	_ = 	snop;
	(pc) =	sbr.ind lr, $3  }
0x3a: {  	_ = 	snop  }
0x3b: {  	_ = 	snop  }
0x3c: {  	p2 =	seq.s32 s10, $0x1;
	s10 =	sld [smem:$0x3FB4]  }
0x3d: {  	_ =	shalt  }
0x3e: {  	_ =	shalt  }
0x3f: {  	_ =	shalt  }
0x40: {  	_ =	shalt  }
0x41: {  	_ =	shalt  }
0x42: {  	_ =	shalt  }
0x43: {  	_ =	shalt  }
0x44: {  	_ =	shalt  }
0x45: {  	_ =	shalt  }
0x46: {  	_ =	shalt  }
0x47: {  	_ =	shalt  }
0x48: {  	_ =	shalt  }
0x49: {  	_ =	shalt  }
0x4a: {  	_ =	shalt  }
0x4b: {  	_ =	shalt  }
0x4c: {  	_ =	shalt  }
0x4d: {  	_ =	shalt  }
0x4e: {  	_ =	shalt  }
0x4f: {  	_ =	shalt  }
0x50: {  	_ =	shalt  }
0x51: {  	_ =	shalt  }
0x52: {  	_ =	shalt  }
0x53: {  	_ =	shalt  }
0x54: {  	_ =	shalt  }
0x55: {  	_ =	shalt  }
0x56: {  	_ =	shalt  }
0x57: {  	_ =	shalt  }
0x58: {  	_ =	shalt  }
0x59: {  	_ =	shalt  }
0x5a: {  	_ =	shalt  }
0x5b: {  	_ =	shalt  }
0x5c: {  	_ =	shalt  }
0x5d: {  	_ =	shalt  }
0x5e: {  	_ =	shalt  }
0x5f: {  	_ =	shalt  }
0x60: {  	_ =	shalt  }
0x61: {  	_ =	shalt  }
0x62: {  	_ =	shalt  }
0x63: {  	_ =	shalt  }
0x64: {  	_ =	shalt  }
0x65: {  	_ =	shalt  }
0x66: {  	_ =	shalt  }
0x67: {  	_ =	shalt  }
0x68: {  	_ =	shalt  }
0x69: {  	_ =	shalt  }
0x6a: {  	_ =	shalt  }
0x6b: {  	_ =	shalt  }
0x6c: {  	_ =	shalt  }
0x6d: {  	_ =	shalt  }
0x6e: {  	_ =	shalt  }
0x6f: {  	_ =	shalt  }
0x70: {  	_ =	shalt  }
0x71: {  	_ =	shalt  }
0x72: {  	_ =	shalt  }
0x73: {  	_ =	shalt  }
0x74: {  	_ =	shalt  }
0x75: {  	_ =	shalt  }
0x76: {  	_ =	shalt  }
0x77: {  	_ =	shalt  }
0x78: {  	_ =	shalt  }
0x79: {  	_ =	shalt  }
0x7a: {  	_ =	shalt  }
0x7b: {  	_ =	shalt  }
0x7c: {  	_ =	shalt  }
0x7d: {  	_ =	shalt  }
0x7e: {  	_ =	shalt  }
0x7f: {  	_ =	shalt  }
0x80: {  	_ =	shalt  }
0x81: {  	_ =	shalt  }
0x82: {  	_ =	shalt  }
0x83: {  	_ =	shalt  }
0x84: {  	_ =	shalt  }
0x85: {  	_ =	shalt  }
0x86: {  	_ =	shalt  }
0x87: {  	_ =	shalt  }
.Lfunc_end0:
.L_simem_size_0:
called_computation.1_lowered:
.L_overlay_start_0:
0x88: {  	s2 =	sld [smem:$0x3FD9]  }
0x89: {  	s3 =	sld [smem:$0x3FFE];
	_ =	sdelay $0x1  }
0x8a: {  	s1 =	srdreg.scid  }
0x8b: {  	s0 =	sand.u32 $0x1, s1  }
0x8c: {  	s17 =	sshll.u32 s0, $0xA;
	s2 =	sadd.s32 s3, s2  }
0x8d: {  	s2 =	sadd.s32 s2, s17  }
0x8e: {  	[smem:$0x3FC0] =	sst s2  }
0x8f: {  	_ = 	snop  }
0x90: {  	s2 =	sld [smem:$0x3FD0];
	(tm) =	ssettm $0x1  }
0x91: {  	s18 =	sld [smem:$0x3FFB];
	_ =	sdelay $0x3  }
0x92: {  	_ =	strace s18  }
0x93: {  	s3 =	sld [smem:$0x3FFC];
	_ =	sdelay $0x3  }
0x94: {  	_ =	strace s3  }
0x95: {  	s3 =	sld [smem:$0x3FFD];
	_ =	sdelay $0x3  }
0x96: {  	_ =	strace s3  }
0x97: {  	_ =	strace $0x8FFFFFFF  }
0x98: {  	s19 =	sld [smem:$0x3FDB];
	_ =	sdelay $0x1  }
0x99: {  	s4 =	simm.s32 $_scs_section_size  }
0x9a: {  	s5 =	simm.s32 $_size__tile_overlayer_lowered;
	s6 =	simm.s32 $_tile_overlayer_lowered  }
0x9b: {  	s22 =	simm.s32 $0x1BFF;
	s21 =	sshll.u32 s6, $0x1;
	s3 =	sadd.s32 s4, s19  }
0x9c: {  	s7 =	simm.s32 $0x0;
	s20 =	sshll.u32 s5, $0x1;
	s5 =	sadd.s32 s21, s3  }
0x9d: {  	[timem:s7], [sflag:s22] =	dma.local [hbm:s5], s20  }
0x9e: {  	_ =	swait.ge [sflag:s22], s20  }
0x9f: {  	s4 =	ssub.s32 $0x0, s20;
	[sflag:s22] =	ssyncset.done $0x0  }
0xa0: {  	[sflag:s22] =	ssyncadd.s32 s4;
	_ =	sdelay $0x1  }
0xa1: {  	s23 =	simm.s32 $0x1B8B  }
0xa2: {  	_ =	swait.ge [sflag:s23], $0x1  }
0xa3: {  	[sflag:s23] =	ssyncset.done $0x0  }
0xa4: {  	s25 =	simm.s32 $0x1B8E;
	s24 =	sld [smem:$0x3FFE];
	[sflag:s23] =	ssyncadd.s32 $0xFFFFFFFF  }
0xa5: {  	s26 =	simm.s32 $execute0_lowered;
	[smem:$0x3FD2] =	sst s25  }
0xa6: {  	s5 =	sshll.u32 s26, $0x1;
	_ =	strace $0x8000004C;
	[dreg:$0x1] =	wrdreg $0xFFFFFFFF  }
0xa7: {  	s28 =	simm.s32 $_size_execute0_lowered;
	s3 =	sadd.s32 s3, s5;
	[dreg:$0x0] =	wrdreg $0x0  }
0xa8: {  	s5 =	sshll.u32 s28, $0x1;
	[dreg:$0x2] =	wrdreg s3  }
0xa9: {  	[dreg:$0x3] =	wrdreg s5  }
0xaa: {  	[dreg:$0x4] =	wrdreg $0xC0  }
0xab: {  	_ =	task [dreg:s7], $0x5FFFF  }
0xac: {  	[dreg:$0x1] =	wrdreg $0xFFFFFFFF  }
0xad: {  	[dreg:$0x0] =	wrdreg $0x60  }
0xae: {  	[dreg:$0x2] =	wrdreg s2  }
0xaf: {  	[dreg:$0x3] =	wrdreg s24  }
0xb0: {  	[dreg:$0x4] =	wrdreg $0x34000  }
0xb1: {  	[dreg:$0x5] =	wrdreg $0xA9300  }
0xb2: {  	[dreg:$0x6] =	wrdreg $0x9  }
0xb3: {  	_ =	task.clear_ibuf [dreg:s7], $0x7FFFF;
	_ =	strace $0x9000004C  }
0xb4: {  	s29 =	simm.s32 $0x9;
	_ =	strace $0x80000051  }
0xb5: {  	_ =	swait.ge [sflag:s29], $0x1  }
0xb6: {  	[sflag:s29] =	ssyncadd.s32 $0xFFFFFFFF  }
0xb7: {  	_ =	strace $0x90000051  }
0xb8: {  	_ =	sfence  }
0xb9: {  	s30 =	sld [smem:$0x0];
	_ =	sdelay $0x2  }
0xba: {  	s31 =	sshll.u32 s1, $0xD;
	s1 =	sshrl.u32 s1, $0x2  }
0xbb: {  	s3 =	sand.u32 $0x4000, s31;
	s1 =	sadd.s32 s1, s30  }
0xbc: {  	s0 =	sor.u32 s3, s0;
	s1 =	sshll.u32 s1, $0x11  }
0xbd: {  	s0 =	sor.u32 s1, s0  }
0xbe: {  	s0 =	sadd.s32 $0x8F2B, s0  }
0xbf: {  	[sflag:s0] =	ssyncadd.remote.s32 $0x1  }
0xc0: {  	_ =	sfence.sel $0xFFFF  }
0xc1: {  	[dreg:$0x0] =	wrdreg $0xFFFFFFFF;
	(pc) =	sbr.abs _section_cstart, $3  }
0xc2: {  	[dreg:$0x1] =	wrdreg $0xFFFFFFFF  }
0xc3: {  	_ =	task.clear_ibuf [dreg:s7], $0x2FFFF;
	_ =	strace $0x9FFFFFFF  }
0xc4: {  	(tm) =	ssettm $0x7FFFFFFF  }
0xc5: {  	_ =	shalt  }
tec
execute0_lowered:
.L_overlay_start_1:
0x0: {  	(tag) =	ssettag $0x1  }
0x1: {  	s0 =	rddreg [dreg:$0x0]  }
0x2: {  	s1 =	rddreg [dreg:$0x1]  }
0x3: {  	s2 =	rddreg [dreg:$0x2]  }
0x4: {  	s4 =	srdreg.scid;
	s15 =	stileid.u32  }
0x5: {  	s3 =	rddreg [dreg:$0x3];
	s8 =	smul.u32 $0x7530, s15  }
0x6: {  	s29 =	simm.s32 $0x80;
	s28 =	simm.s32 $0x1;
	s9 =	smul.u32 $0x1D4C0, s15  }
0x7: {  	s30 =	simm.s32 $0x2;
	s7 =	sand.u32 $0x1, s4;
	s21 =	smul.u32 $0x4E0, s15  }
0x8: {  	s31 =	simm.s32 $0x3;
	s4 =	simm.s32 $0x0;
	s5 =	smul.u32 $0x75300, s7  }
0x9: {  	[smem:$0x7FF] =	sst s4;
	s10 =	ssub.s32 $0x2, s7;
	s24 =	sshll.u32 s7, $0x4  }
0xa: {  	s18 =	smul.u32 $0x4E00, s7;
	_ =	strace $0x8000004D;
	s23 =	sshrl.u32 s10, $0x1  }
0xb: {  	s9 =	sshrl.u32 s9, $0x2;
	s12 =	sor.u32 s15, s24;
	s22 =	sadd.s32 s8, s3  }
0xc: {  	s6 =	sadd.s32 s8, s5;
	s5 =	sadd.s32 $0x2200, s1;
	s14 =	smul.u32 $0x4E0, s12  }
0xd: {  	s10 =	ssub.s32 s10, s23;
	s9 =	sadd.s32 s9, s2;
	s16 =	smul.u32 $0x2700, s12  }
0xe: {  	s23 =	smul.u32 $0x4E0, s7;
	p0 =	slt.u32 s12, $0x4;
	s13 =	sadd.s32 $0x1800, s9  }
0xf: {  	p1 =	sgt.u32 s12, $0x3;
	s25 =	sadd.s32 $0x3000, s9;
	[dreg:$0x5] =	wrdreg s13  }
0x10: {  	s6 =	sshrl.u32 s6, $0x3;
	s26 =	sadd.s32 $0x4800, s9;
	[dreg:$0x6] =	wrdreg s25  }
0x11: {  	s9 =	sadd.s32 $0x6000, s9;
	s24 =	sadd.s32 s18, s5;
	[dreg:$0x7] =	wrdreg s26  }
0x12: {  	s11 =	sadd.s32 s6, s1;
	s6 =	sadd.s32 s8, s2;
	[dreg:$0x8] =	wrdreg s9  }
0x13: {  	s8 =	sshrl.u32 s8, $0x3;
	s13 =	sadd.s32 s5, s14;
	s17 =	sor.u32 $0x10, s14  }
0x14: {  	s25 =	smul.u32 $0x4E, s15;
	s7 =	sadd.s32 s21, s24;
	s21 =	smax.u32 s10, $0x1  }
0x15: {  	s24 =	simm.s32 $0x400;
	s0 =	sadd.s32 s0, s8;
	[dreg:$0xa] =	wrdreg s13  }
0x16: {  	s13 =	sadd.s32 $0xBE40, s1;
	s20 =	sadd.s32 s5, s17;
	[dreg:$0x9] =	wrdreg s0  }
0x17: {  	s10 =	sadd.s32 $0x9C70, s7;
	s19 =	sadd.s32 s14, s13;
	[dreg:$0xc] =	wrdreg s20  }
0x18: {  	s1 =	sadd.s32 s17, s13;
	s0 =	sshrl.u32 s16, $0x3;
	s26 =	sadd.s32 s25, s23  }
0x19: {  	s20 =	sadd.s32 $0x15C00, s11;
	s25 =	sshrl.u32 s22, $0x3;
	[dreg:$0xb] =	wrdreg s19  }
0x1a: {  	[dreg:$0xd] =	wrdreg s1;
	s0 =	sadd.s32 s5, s0;
	s19 =	sor.u32 $0x9C0, s12  }
0x1b: {  	s9 =	sadd.s32 $0x4, s26;
	s26 =	simm.s32 $0x4;
	s1 =	simm.s32 $0x0  }
0x1c: {  	v0 =	vimm.f32 $0.0e+00;
	s17 =	sadd.s32 $0x20, s0;
	s18 =	sadd.s32 $0x9C60, s0;
	s0 =	simm.s32 $0x1C00  }
.LBB2_1:
0x1d: {  	s7 =	smul.u32 $0xAAAB, s4;
	_ =	sdelay $0x1  }
0x1e: {  	_ =	strace $0x8000004E;
	s8 =	sshrl.u32 s7, $0x11  }
0x1f: {  	s11 =	simm.s32 $0x0;
	s7 =	simm.s32 $0x1;
	s12 =	smul.u32 $0x3, s8  }
.LBB2_2:
0x20: {  	s22 =	smul.u32 $0xAAAB, s7  }
0x21: {  	s23 =	smov.u32 s7;
	s8 =	smul.u32 $0xC0, s8;
	p2 =	sne.s32 s7, $0x17F  }
.Ltmp0:
0x22: {  	s11 =	ssub.s32 s11, s12;
	(pc) =	sbr.rel @p2 .LBB2_2-.Ltmp0, $4  }
0x23: {  	s7 =	sadd.s32 $0x1, s7;
	s11 =	sand.u32 $0xFFFF, s11  }
0x24: {  	s12 =	sshrl.u32 s8, $0x2;
	s14 =	sshll.u32 s11, $0x4;
	s11 =	smov.u32 s23  }
0x25: {  	s8 =	sshrl.u32 s22, $0x11;
	s14 =	sadd.s32 s14, s12  }
0x26: {  	s12 =	smul.u32 $0x3, s8;
	[tilespmem:s14+$0x400] =	vst v0  }
0x27: {  	_ = 	snop  }
0x28: {  	s8 =	smul.u32 $0xC0, s8;
	s7 =	ssub.s32 s11, s12  }
0x29: {  	s7 =	sand.u32 $0xFFFF, s7  }
0x2a: {  	s8 =	sshrl.u32 s8, $0x2;
	s7 =	sshll.u32 s7, $0x4  }
0x2b: {  	s7 =	sadd.s32 s7, s8  }
0x2c: {  	[tilespmem:s7+$0x400] =	vst v0  }
0x2d: {  	[spmem:s6] =	stream.linear.scatter [tilespmem:s24], [sflag:$0x4], $0x1800, $0x200038;
	[tilespmem:$0x11E60] =	vst v63  }
0x2e: {  	_ =	swait.ge [sflag:s26], $0x1800  }
0x2f: {  	[sflag:s26] =	ssyncset.done $0x0  }
0x30: {  	s23 =	rddreg [dreg:$0x5];
	[sflag:s26] =	ssyncadd.s32 $0xFFFFE800  }
0x31: {  	[spmem:s23] =	stream.linear.scatter [tilespmem:s24], [sflag:$0x4], $0x1800, $0x200038;
	[tilespmem:$0x11E60] =	vst v63  }
0x32: {  	_ =	swait.ge [sflag:s26], $0x1800  }
0x33: {  	[sflag:s26] =	ssyncset.done $0x0  }
0x34: {  	s8 =	rddreg [dreg:$0x6];
	[sflag:s26] =	ssyncadd.s32 $0xFFFFE800  }
0x35: {  	[spmem:s8] =	stream.linear.scatter [tilespmem:s24], [sflag:$0x4], $0x1800, $0x200038;
	[tilespmem:$0x11E60] =	vst v63  }
0x36: {  	_ =	swait.ge [sflag:s26], $0x1800  }
0x37: {  	[sflag:s26] =	ssyncset.done $0x0  }
0x38: {  	s11 =	rddreg [dreg:$0x7];
	[sflag:s26] =	ssyncadd.s32 $0xFFFFE800  }
0x39: {  	[spmem:s11] =	stream.linear.scatter [tilespmem:s24], [sflag:$0x4], $0x1800, $0x200038;
	[tilespmem:$0x11E60] =	vst v63  }
0x3a: {  	_ =	swait.ge [sflag:s26], $0x1800  }
0x3b: {  	[sflag:s26] =	ssyncset.done $0x0  }
0x3c: {  	s12 =	rddreg [dreg:$0x8];
	[sflag:s26] =	ssyncadd.s32 $0xFFFFE800  }
0x3d: {  	[spmem:s12] =	stream.linear.scatter [tilespmem:s24], [sflag:$0x4], $0x1530, $0x200038;
	[tilespmem:$0x11E60] =	vst v63  }
0x3e: {  	s14 =	stileid.u32;
	_ =	swait.ge [sflag:s26], $0x1530  }
0x3f: {  	s7 =	sshll.u32 s14, $0x6;
	[sflag:s26] =	ssyncset.done $0x0  }
0x40: {  	s7 =	sor.u32 $0x1C04, s7;
	s15 =	rddreg [dreg:$0x9];
	[sflag:s26] =	ssyncadd.s32 $0xFFFFEAD0  }
0x41: {  	[spmem:s25], [sflag:s7] =	dma.local [hbm:s15], $0xEA6  }
0x42: {  	_ =	swait.ge [sflag:s26], $0xEA6  }
0x43: {  	[sflag:s26] =	ssyncset.done $0x0  }
0x44: {  	s8 =	simm.s32 $0x0;
	s16 =	rddreg [dreg:$0xa];
	[sflag:s26] =	ssyncadd.s32 $0xFFFFF15A  }
0x45: {  	[tilespmem:s8], [sflag:$0x4] =	stream.linear.gather [hbm4b:s16+s8], $0x80, $0x200038;
	[tilespmem:$0x11E60] =	vst v63  }
0x46: {  	_ =	swait.ge [sflag:s26], $0x80  }
0x47: {  	[sflag:s26] =	ssyncset.done $0x0  }
0x48: {  	s23 =	simm.s32 $0x200;
	s22 =	rddreg [dreg:$0xb];
	[sflag:s26] =	ssyncadd.s32 $0xFFFFFF80  }
0x49: {  	[tilespmem:s23], [sflag:$0x4] =	stream.linear.gather [hbm4b:s22+s8], $0x80, $0x200038;
	[tilespmem:$0x11E60] =	vst v63  }
0x4a: {  	_ =	swait.ge [sflag:s26], $0x80  }
0x4b: {  	[sflag:s26] =	ssyncset.done $0x0  }
0x4c: {  	s14 =	rddreg [dreg:$0xc];
	[sflag:s26] =	ssyncadd.s32 $0xFFFFFF80  }
0x4d: {  	[tilespmem:s29], [sflag:$0x4] =	stream.linear.gather [hbm4b:s14+s8], $0x80, $0x200038;
	[tilespmem:$0x11E60] =	vst v63  }
0x4e: {  	_ =	swait.ge [sflag:s26], $0x80  }
0x4f: {  	[sflag:s26] =	ssyncset.done $0x0  }
0x50: {  	s16 =	simm.s32 $0x280;
	s15 =	rddreg [dreg:$0xd];
	[sflag:s26] =	ssyncadd.s32 $0xFFFFFF80  }
0x51: {  	[tilespmem:s16], [sflag:$0x4] =	stream.linear.gather [hbm4b:s15+s8], $0x80, $0x200038;
	[tilespmem:$0x11E60] =	vst v63  }
0x52: {  	_ =	swait.ge [sflag:s26], $0x80  }
0x53: {  	[sflag:s26] =	ssyncset.done $0x0  }
0x54: {  	s22 =	simm.s32 $0x100;
	[sflag:s26] =	ssyncadd.s32 $0xFFFFFF80  }
0x55: {  	[tilespmem:s22], [sflag:$0x4] =	stream.linear.gather [hbm4b:s17+s8], $0x80, $0x200038;
	[tilespmem:$0x11E60] =	vst v63  }
0x56: {  	_ =	swait.ge [sflag:s26], $0x80  }
0x57: {  	[sflag:s26] =	ssyncset.done $0x0  }
0x58: {  	s23 =	simm.s32 $0x300;
	[sflag:s26] =	ssyncadd.s32 $0xFFFFFF80  }
0x59: {  	[tilespmem:s23], [sflag:$0x4] =	stream.linear.gather [hbm4b:s18+s8], $0x80, $0x200038;
	[tilespmem:$0x11E60] =	vst v63  }
0x5a: {  	_ =	swait.ge [sflag:s26], $0x80  }
0x5b: {  	[sflag:s26] =	ssyncset.done $0x0  }
0x5c: {  	[sflag:s26] =	ssyncadd.s32 $0xFFFFFF80  }
0x5d: {  	[bflag:$0x0] =	sbarrier.arrive $0xFFFF  }
0x5e: {  	_ =	strace $0x9000004E  }
0x5f: {  	s22 =	smov.u32 s10;
	s23 =	smov.u32 s9;
	_ =	strace $0x8000004F  }
0x60: {  	[tilespmem:s24], [sflag:$0x1] =	stream.indirect.gather [spmem:s3], $0x30, s8, s29, $0x2000b8;
	[tilespmem:$0x11E60] =	vst v63  }
.LBB2_4:
0x61: {  	p2 =	seq.s32 s8, $0x0  }
0x62: {  	s11 =	simm.s32 @!p2 $0x3  }
0x63: {  	_ =	swait.ge @!p2 [sflag:s11], $0x80  }
0x64: {  	[sflag:s11] =	ssyncset.done @!p2 $0x0  }
0x65: {  	[sflag:s11] =	ssyncadd.s32 @!p2 $0xFFFFFF80  }
0x66: {  	_ =	swait.ge @!p2 [sflag:s11], $0x80  }
0x67: {  	[sflag:s11] =	ssyncset.done @!p2 $0x0  }
0x68: {  	[sflag:s11] =	ssyncadd.s32 @!p2 $0xFFFFFF80  }
0x69: {  	_ =	swait.ge @!p2 [sflag:s11], $0x80  }
0x6a: {  	[sflag:s11] =	ssyncset.done @!p2 $0x0  }
0x6b: {  	[sflag:s11] =	ssyncadd.s32 @!p2 $0xFFFFFF80  }
0x6c: {  	_ =	swait.ge @!p2 [sflag:s11], $0x80  }
0x6d: {  	s12 =	sand.u32 $0x100, s8;
	[sflag:s11] =	ssyncset.done @!p2 $0x0  }
0x6e: {  	[sflag:s11] =	ssyncadd.s32 @!p2 $0xFFFFFF80;
	s11 =	sor.u32 $0x80, s12  }
0x6f: {  	[tilespmem:s0], [sflag:$0x2] =	stream.indirect.gather [spmem:s3], $0x30, s11, s29, $0x2000b8;
	[tilespmem:$0x11E60] =	vst v63  }
0x70: {  	_ =	swait.ge [sflag:s28], $0x1800  }
0x71: {  	[sflag:s28] =	ssyncset.done $0x0  }
0x72: {  	s14 =	sor.u32 $0x200, s12;
	[sflag:s28] =	ssyncadd.s32 $0xFFFFE800  }
0x73: {  	[spmem:s2] =	stream.indirect.scatter.add.f32 [tilespmem:s24], [sflag:$0x4], $0x30, s14, s29, $0x2000b8;
	[tilespmem:$0x11E60] =	vst v63  }
0x74: {  	_ =	swait.ge [sflag:s26], $0x1800  }
0x75: {  	s15 =	sadd.s32 $0x180, s8;
	[sflag:s26] =	ssyncset.done $0x0  }
0x76: {  	s16 =	sadd.s32 $0xFFFF63C0, s22;
	s15 =	sand.u32 $0x180, s15;
	[sflag:s26] =	ssyncadd.s32 $0xFFFFE800  }
0x77: {  	[tilespmem:s15], [sflag:$0x3] =	stream.linear.gather [hbm4b:s16+s4], $0x80, $0x200038;
	[tilespmem:$0x11E60] =	vst v63  }
0x78: {  	s15 =	sor.u32 $0x200, s15  }
0x79: {  	[tilespmem:s15], [sflag:$0x3] =	stream.linear.gather [hbm4b:s22+s4], $0x80, $0x200038;
	[tilespmem:$0x11E60] =	vst v63  }
0x7a: {  	p2 =	seq.s32 s8, $0x2500;
	s15 =	smov.u32 s23  }
0x7b: {  	s15 =	smov.u32 @p2 s19  }
0x7c: {  	s15 =	sshll.u32 s15, $0x4  }
0x7d: {  	p2 =	seq.s32 @!p0 s8, $0x2600;
	s16 =	sadd.s32 s5, s15  }
0x7e: {  	[tilespmem:s12], [sflag:$0x3] =	stream.linear.gather [hbm4b:s16+s4], $0x80, $0x200038;
	[tilespmem:$0x11E60] =	vst v63  }
0x7f: {  	p2 =	por p0, !p2;
	s15 =	sadd.s32 s15, s13  }
0x80: {  	[tilespmem:s14], [sflag:$0x3] =	stream.linear.gather [hbm4b:s15+s4], $0x80, $0x200038;
	[tilespmem:$0x11E60] =	vst v63  }
0x81: {  	s12 =	sxor.u32 @p2 $0x100, s12  }
0x82: {  	[tilespmem:s24], [sflag:$0x1] =	stream.indirect.gather @p2 [spmem:s3], $0x30, s12, s29, $0x2000b8;
	[tilespmem:$0x11E60] =	vst v63  }
0x83: {  	s8 =	sadd.s32 $0x100, s8;
	_ =	swait.ge [sflag:s30], $0x1800  }
0x84: {  	p2 =	sne.s32 s8, $0x2700;
	[sflag:s30] =	ssyncset.done $0x0  }
.Ltmp1:
0x85: {  	s11 =	sor.u32 $0x200, s11;
	[sflag:s30] =	ssyncadd.s32 $0xFFFFE800;
	(pc) =	sbr.rel @p2 .LBB2_4-.Ltmp1, $4  }
0x86: {  	[spmem:s2] =	stream.indirect.scatter.add.f32 [tilespmem:s0], [sflag:$0x4], $0x30, s11, s29, $0x2000b8;
	[tilespmem:$0x11E60] =	vst v63  }
0x87: {  	_ =	swait.ge [sflag:s26], $0x1800  }
0x88: {  	[sflag:s26] =	ssyncset.done $0x0  }
0x89: {  	s22 =	sadd.s32 $0x20, s22;
	s23 =	sadd.s32 $0x2, s23;
	[sflag:s26] =	ssyncadd.s32 $0xFFFFE800  }
0x8a: {  	_ =	swait.ge [sflag:s31], $0x80  }
0x8b: {  	[sflag:s31] =	ssyncset.done $0x0  }
0x8c: {  	[sflag:s31] =	ssyncadd.s32 $0xFFFFFF80  }
0x8d: {  	_ =	swait.ge [sflag:s31], $0x80  }
0x8e: {  	[sflag:s31] =	ssyncset.done $0x0  }
0x8f: {  	[sflag:s31] =	ssyncadd.s32 $0xFFFFFF80  }
0x90: {  	_ =	swait.ge [sflag:s31], $0x80  }
0x91: {  	[sflag:s31] =	ssyncset.done $0x0  }
0x92: {  	[sflag:s31] =	ssyncadd.s32 $0xFFFFFF80  }
0x93: {  	_ =	swait.ge [sflag:s31], $0x80  }
0x94: {  	[sflag:s31] =	ssyncset.done $0x0  }
0x95: {  	s8 =	simm.s32 @!p1 $0x1;
	[sflag:s31] =	ssyncadd.s32 $0xFFFFFF80  }
0x96: {  	_ =	swait.ge @!p1 [sflag:s8], $0x1800  }
0x97: {  	s11 =	simm.s32 @!p1 $0x300;
	[sflag:s8] =	ssyncset.done @!p1 $0x0  }
0x98: {  	s12 =	simm.s32 @!p1 $0x400;
	[sflag:s8] =	ssyncadd.s32 @!p1 $0xFFFFE800;
	s8 =	simm.s32 @!p1 $0x80  }
0x99: {  	[spmem:s2] =	stream.indirect.scatter.add.f32 @!p1 [tilespmem:s12], [sflag:$0x4], $0x30, s11, s8, $0x2000b8;
	[tilespmem:$0x11E60] =	vst v63  }
0x9a: {  	s8 =	simm.s32 @!p1 $0x4  }
0x9b: {  	_ =	swait.ge @!p1 [sflag:s8], $0x1800  }
0x9c: {  	[sflag:s8] =	ssyncset.done @!p1 $0x0  }
0x9d: {  	[sflag:s8] =	ssyncadd.s32 @!p1 $0xFFFFE800  }
0x9e: {  	[bflag:$0x0] =	sbarrier.arrive $0xFFFF  }
0x9f: {  	s1 =	sadd.s32 $0x1, s1;
	_ =	strace $0x9000004F  }
0xa0: {  	s23 =	sshrl.u32 s6, $0x3;
	p2 =	sne.s32 s1, s21;
	_ =	strace $0x80000050  }
0xa1: {  	[hbm:s20], [sflag:s7] =	dma.local [spmem:s23], $0xEA6  }
.Ltmp2:
0xa2: {  	_ = 	snop;
	(pc) =	sbr.rel @p2 .LBB2_1-.Ltmp2, $4  }
0xa3: {  	_ =	swait.ge [sflag:s26], $0xEA6  }
0xa4: {  	[sflag:s26] =	ssyncset.done $0x0  }
0xa5: {  	[sflag:s26] =	ssyncadd.s32 $0xFFFFF15A  }
0xa6: {  	_ =	strace $0x90000050  }
0xa7: {  	_ =	sfence.sel $0x180000  }
0xa8: {  	[bflag:$0x0] =	sbarrier.arrive $0xFFFF  }
0xa9: {  	_ =	strace $0x9000004D  }
0xaa: {  	s0 =	stileid.u32;
	[bflag:$0x2] =	sbarrier.arrive $0xFFFF  }
0xab: {  	p0 =	sne.s32 s0, $0x0;
	s0 =	rddreg [dreg:$0x4]  }
0xac: {  	s0 =	sadd.s32 @!p0 $0x100000, s0  }
0xad: {  	[sflag:s0] =	ssyncadd.tile.s32 @!p0 $0x1;
	_ =	shalt  }
.Lfunc_end2:
_tile_overlayer_lowered:
.L_overlay_start_2:
0xae: {  	(tag) =	ssettag $0x2  }
0xaf: {  	s0 =	rddreg [dreg:$0x0];
	s2 =	stileid.u32  }
0xb0: {  	s1 =	rddreg [dreg:$0x1];
	p0 =	sne.s32 s2, $0x0  }
0xb1: {  	s3 =	rddreg [dreg:$0x2];
	[bflag:$0x3] =	sbarrier.arrive $0xFFFF;
	s2 =	simm.s32 @!p0 $0x1C04  }
0xb2: {  	[timem:s3], [sflag:s2] =	dma.local @!p0 [hbm:s0], s1  }
0xb3: {  	s0 =	simm.s32 @!p0 $0x4  }
0xb4: {  	_ =	swait.ge @!p0 [sflag:s0], s1  }
0xb5: {  	s1 =	ssub.s32 @!p0 $0x0, s1;
	[sflag:s0] =	ssyncset.done @!p0 $0x0  }
0xb6: {  	[sflag:s0] =	ssyncadd.s32 @!p0 s1  }
0xb7: {  	[bflag:$0x3] =	sbarrier.arrive $0xFFFF  }
0xb8: {  	_ =	shalt  }

</sc_bundles>
